<compile_context>
chip_gen: v7x
topology: tpu7x:2x2x1
jax: 0.10.2.dev20260603
libtpu: 0.0.44.dev20260713+nightly
codegen_flags: <defaults>
</compile_context>

<pallas_src>
import functools
import jax
import jax.numpy as jnp
from jax import lax
from jax.experimental import pallas as pl
from jax.experimental.pallas import tpu as pltpu, tpu_sc as plsc

DEPTH_ = 100000
BATCH_ = 1024

NC = 2
NS = 16
NW = NC * NS
ROWS_W = BATCH_ // NW

_mesh = plsc.VectorSubcoreMesh(core_axis_name="c", subcore_axis_name="s")


@functools.partial(
    pl.kernel,
    out_type=jax.ShapeDtypeStruct((BATCH_, DEPTH_), jnp.float32),
    mesh=_mesh,
    scratch_types=[
        pltpu.VMEM((1, DEPTH_), jnp.float32),
        pltpu.VMEM((ROWS_W,), jnp.int32),
        pltpu.SemaphoreType.DMA,
        pltpu.SemaphoreType.DMA,
    ],
)
def _sc_onehot(idx_hbm, zeros_hbm, eye_hbm, out_hbm, zrow, idx_v, zsem, psem):
    wid = lax.axis_index("s") * NC + lax.axis_index("c")
    base = wid * ROWS_W

    pltpu.sync_copy(zeros_hbm, zrow)
    pltpu.sync_copy(idx_hbm.at[pl.ds(base, ROWS_W)], idx_v)

    for r in range(ROWS_W):
        pltpu.make_async_copy(
            zrow, out_hbm.at[pl.ds(base + r, 1), :], zsem
        ).start()
    for r in range(ROWS_W):
        pltpu.make_async_copy(
            zrow, out_hbm.at[pl.ds(base + r, 1), :], zsem
        ).wait()

    for j in range(ROWS_W):
        idxg = idx_v[pl.ds((j // 16) * 16, 16)]
        c = idxg[j % 16]
        c0 = (c // 8) * 8
        pltpu.make_async_copy(
            eye_hbm.at[pl.ds(c - c0, 1), pl.ds(0, 8)],
            out_hbm.at[pl.ds(base + j, 1), pl.ds(c0, 8)],
            psem,
        ).start()
    for j in range(ROWS_W):
        idxg = idx_v[pl.ds((j // 16) * 16, 16)]
        c = idxg[j % 16]
        c0 = (c // 8) * 8
        pltpu.make_async_copy(
            eye_hbm.at[pl.ds(c - c0, 1), pl.ds(0, 8)],
            out_hbm.at[pl.ds(base + j, 1), pl.ds(c0, 8)],
            psem,
        ).wait()


def kernel(input):
    idx = input.astype(jnp.int32).reshape(BATCH_)
    zeros = jnp.zeros((1, DEPTH_), jnp.float32)
    eye = jnp.pad(jnp.eye(8, dtype=jnp.float32), ((0, 0), (0, DEPTH_ - 8)))
    return _sc_onehot(idx, zeros, eye)

# --- scband reference (transcript-rebuilt; emitter-appended) ---
"""Pipeline reference for scband-one-hot-63324997812739 (READ-ONLY COPY).

The authoritative reference and input builder live on the scoring server;
editing this copy changes nothing except your own understanding.
"""

import jax, jax.numpy as jnp
import numpy as np

DEPTH = 100000
BATCH = 1024

def setup_inputs(seed: int = 0) -> dict:
    key = jax.random.key(seed)
    indices = jax.random.randint(key, (BATCH, 1), 0, DEPTH, dtype=jnp.int64 if jax.config.jax_enable_x64 else jnp.int32)
    return {"input": indices}

def reference(input) -> jnp.ndarray:
    # tf.one_hot(input, depth) -> [B, 1, depth]; squeeze axis=1 -> [B, depth]
    s_o = jax.nn.one_hot(input, DEPTH, dtype=jnp.float32)
    s_o = jnp.squeeze(s_o, axis=1)
    return s_o

if __name__ == "__main__":
    import jax
    _d = setup_inputs()
    print(jax.jit(kernel)(*tuple(_d.values())))

</pallas_src>

<mosaic_0001>
#map = affine_map<(d0, d1) -> (0)>
#map1 = affine_map<(d0, d1) -> (0, 0)>
module attributes {stable_mosaic.version = 14 : i64} {
  func.func @_sc_onehot(%arg0: i32, %arg1: i32, %arg2: memref<1024xi32, #tpu.memory_space<hbm>>, %arg3: memref<1x100000xf32, #tpu.memory_space<hbm>>, %arg4: memref<8x100000xf32, #tpu.memory_space<hbm>>, %arg5: memref<1024x100000xf32, #tpu.memory_space<hbm>>, %arg6: memref<1x100000xf32, #tpu.memory_space<vmem>>, %arg7: memref<32xi32, #tpu.memory_space<vmem>>, %arg8: memref<!tpu.dma_semaphore, #tpu.memory_space<semaphore_mem>>, %arg9: memref<!tpu.dma_semaphore, #tpu.memory_space<semaphore_mem>>) attributes {dimension_semantics = [#tpu.dimension_semantics<core_parallel>, #tpu.dimension_semantics<subcore_parallel>], iteration_bounds = array<i64: 2, 16>, scalar_prefetch = 0 : i64, scratch_operands = 4 : i64, tpu.core_type = #tpu.core_type<sc_vector_subcore>, window_params = [{transform_indices = #map}, {transform_indices = #map1}, {transform_indices = #map1}, {transform_indices = #map1}]} {
    %mul3A = arith.constant 2 : i32
    %mul3A_0 = arith.muli %arg1, %mul3A : i32
    %add3A = arith.addi %mul3A_0, %arg0 : i32
    %mul3A_1 = arith.constant 32 : i32
    %mul3A_2 = arith.muli %add3A, %mul3A_1 : i32
    "tpu.region"() ({
      %run_scoped3A = tpu.sem_alloc : memref<!tpu.dma_semaphore, #tpu.memory_space<semaphore_mem>>
      tpu.enqueue_dma source(%arg3 : memref<1x100000xf32, #tpu.memory_space<hbm>>) target(%arg6 : memref<1x100000xf32, #tpu.memory_space<vmem>>) target_semaphore(%run_scoped3A : memref<!tpu.dma_semaphore, #tpu.memory_space<semaphore_mem>>)
      tpu.wait_dma2 semaphore(%run_scoped3A : memref<!tpu.dma_semaphore, #tpu.memory_space<semaphore_mem>>) src(%arg3 : memref<1x100000xf32, #tpu.memory_space<hbm>>) dst(%arg6 : memref<1x100000xf32, #tpu.memory_space<vmem>>)
      tpu.yield
    }) : () -> ()
    "tpu.region"() ({
      %run_scoped3A = tpu.sem_alloc : memref<!tpu.dma_semaphore, #tpu.memory_space<semaphore_mem>>
      %dma_start3A_2742 = tpu.memref_slice %arg2[%mul3A_2] : memref<1024xi32, #tpu.memory_space<hbm>> -> memref<32xi32, #tpu.memory_space<hbm>>
      %dma_start3A_2743 = tpu.memref_slice %arg2[%mul3A_2] : memref<1024xi32, #tpu.memory_space<hbm>> -> memref<32xi32, #tpu.memory_space<hbm>>
      tpu.enqueue_dma source(%dma_start3A_2743 : memref<32xi32, #tpu.memory_space<hbm>>) target(%arg7 : memref<32xi32, #tpu.memory_space<vmem>>) target_semaphore(%run_scoped3A : memref<!tpu.dma_semaphore, #tpu.memory_space<semaphore_mem>>)
      %dma_wait3A_2744 = tpu.memref_slice %arg2[%mul3A_2] : memref<1024xi32, #tpu.memory_space<hbm>> -> memref<32xi32, #tpu.memory_space<hbm>>
      %dma_wait3A_2745 = tpu.memref_slice %arg2[%mul3A_2] : memref<1024xi32, #tpu.memory_space<hbm>> -> memref<32xi32, #tpu.memory_space<hbm>>
      tpu.wait_dma2 semaphore(%run_scoped3A : memref<!tpu.dma_semaphore, #tpu.memory_space<semaphore_mem>>) src(%dma_wait3A_2745 : memref<32xi32, #tpu.memory_space<hbm>>) dst(%arg7 : memref<32xi32, #tpu.memory_space<vmem>>)
      tpu.yield
    }) : () -> ()
    %add3A_3 = arith.constant 0 : i32
    %add3A_4 = arith.addi %mul3A_2, %add3A_3 : i32
    %dma_start3A = arith.constant 0 : i32
    %dma_start3A_5 = tpu.memref_slice %arg5[%add3A_4, %dma_start3A] : memref<1024x100000xf32, #tpu.memory_space<hbm>> -> memref<1x100000xf32, #tpu.memory_space<hbm>>
    %dma_start3A_6 = arith.constant 0 : i32
    %dma_start3A_7 = tpu.memref_slice %arg5[%add3A_4, %dma_start3A_6] : memref<1024x100000xf32, #tpu.memory_space<hbm>> -> memref<1x100000xf32, #tpu.memory_space<hbm>>
    tpu.enqueue_dma source(%arg6 : memref<1x100000xf32, #tpu.memory_space<vmem>>) target(%dma_start3A_7 : memref<1x100000xf32, #tpu.memory_space<hbm>>) target_semaphore(%arg8 : memref<!tpu.dma_semaphore, #tpu.memory_space<semaphore_mem>>)
    %add3A_8 = arith.constant 1 : i32
    %add3A_9 = arith.addi %mul3A_2, %add3A_8 : i32
    %dma_start3A_10 = arith.constant 0 : i32
    %dma_start3A_11 = tpu.memref_slice %arg5[%add3A_9, %dma_start3A_10] : memref<1024x100000xf32, #tpu.memory_space<hbm>> -> memref<1x100000xf32, #tpu.memory_space<hbm>>
    %dma_start3A_12 = arith.constant 0 : i32
    %dma_start3A_13 = tpu.memref_slice %arg5[%add3A_9, %dma_start3A_12] : memref<1024x100000xf32, #tpu.memory_space<hbm>> -> memref<1x100000xf32, #tpu.memory_space<hbm>>
    tpu.enqueue_dma source(%arg6 : memref<1x100000xf32, #tpu.memory_space<vmem>>) target(%dma_start3A_13 : memref<1x100000xf32, #tpu.memory_space<hbm>>) target_semaphore(%arg8 : memref<!tpu.dma_semaphore, #tpu.memory_space<semaphore_mem>>)
    %add3A_14 = arith.constant 2 : i32
    %add3A_15 = arith.addi %mul3A_2, %add3A_14 : i32
    %dma_start3A_16 = arith.constant 0 : i32
    %dma_start3A_17 = tpu.memref_slice %arg5[%add3A_15, %dma_start3A_16] : memref<1024x100000xf32, #tpu.memory_space<hbm>> -> memref<1x100000xf32, #tpu.memory_space<hbm>>
    %dma_start3A_18 = arith.constant 0 : i32
    %dma_start3A_19 = tpu.memref_slice %arg5[%add3A_15, %dma_start3A_18] : memref<1024x100000xf32, #tpu.memory_space<hbm>> -> memref<1x100000xf32, #tpu.memory_space<hbm>>
    tpu.enqueue_dma source(%arg6 : memref<1x100000xf32, #tpu.memory_space<vmem>>) target(%dma_start3A_19 : memref<1x100000xf32, #tpu.memory_space<hbm>>) target_semaphore(%arg8 : memref<!tpu.dma_semaphore, #tpu.memory_space<semaphore_mem>>)
    %add3A_20 = arith.constant 3 : i32
    %add3A_21 = arith.addi %mul3A_2, %add3A_20 : i32
    %dma_start3A_22 = arith.constant 0 : i32
    %dma_start3A_23 = tpu.memref_slice %arg5[%add3A_21, %dma_start3A_22] : memref<1024x100000xf32, #tpu.memory_space<hbm>> -> memref<1x100000xf32, #tpu.memory_space<hbm>>
    %dma_start3A_24 = arith.constant 0 : i32
    %dma_start3A_25 = tpu.memref_slice %arg5[%add3A_21, %dma_start3A_24] : memref<1024x100000xf32, #tpu.memory_space<hbm>> -> memref<1x100000xf32, #tpu.memory_space<hbm>>
    tpu.enqueue_dma source(%arg6 : memref<1x100000xf32, #tpu.memory_space<vmem>>) target(%dma_start3A_25 : memref<1x100000xf32, #tpu.memory_space<hbm>>) target_semaphore(%arg8 : memref<!tpu.dma_semaphore, #tpu.memory_space<semaphore_mem>>)
    %add3A_26 = arith.constant 4 : i32
    %add3A_27 = arith.addi %mul3A_2, %add3A_26 : i32
    %dma_start3A_28 = arith.constant 0 : i32
    %dma_start3A_29 = tpu.memref_slice %arg5[%add3A_27, %dma_start3A_28] : memref<1024x100000xf32, #tpu.memory_space<hbm>> -> memref<1x100000xf32, #tpu.memory_space<hbm>>
    %dma_start3A_30 = arith.constant 0 : i32
    %dma_start3A_31 = tpu.memref_slice %arg5[%add3A_27, %dma_start3A_30] : memref<1024x100000xf32, #tpu.memory_space<hbm>> -> memref<1x100000xf32, #tpu.memory_space<hbm>>
    tpu.enqueue_dma source(%arg6 : memref<1x100000xf32, #tpu.memory_space<vmem>>) target(%dma_start3A_31 : memref<1x100000xf32, #tpu.memory_space<hbm>>) target_semaphore(%arg8 : memref<!tpu.dma_semaphore, #tpu.memory_space<semaphore_mem>>)
    %add3A_32 = arith.constant 5 : i32
    %add3A_33 = arith.addi %mul3A_2, %add3A_32 : i32
    %dma_start3A_34 = arith.constant 0 : i32
    %dma_start3A_35 = tpu.memref_slice %arg5[%add3A_33, %dma_start3A_34] : memref<1024x100000xf32, #tpu.memory_space<hbm>> -> memref<1x100000xf32, #tpu.memory_space<hbm>>
    %dma_start3A_36 = arith.constant 0 : i32
    %dma_start3A_37 = tpu.memref_slice %arg5[%add3A_33, %dma_start3A_36] : memref<1024x100000xf32, #tpu.memory_space<hbm>> -> memref<1x100000xf32, #tpu.memory_space<hbm>>
    tpu.enqueue_dma source(%arg6 : memref<1x100000xf32, #tpu.memory_space<vmem>>) target(%dma_start3A_37 : memref<1x100000xf32, #tpu.memory_space<hbm>>) target_semaphore(%arg8 : memref<!tpu.dma_semaphore, #tpu.memory_space<semaphore_mem>>)
    %add3A_38 = arith.constant 6 : i32
    %add3A_39 = arith.addi %mul3A_2, %add3A_38 : i32
    %dma_start3A_40 = arith.constant 0 : i32
    %dma_start3A_41 = tpu.memref_slice %arg5[%add3A_39, %dma_start3A_40] : memref<1024x100000xf32, #tpu.memory_space<hbm>> -> memref<1x100000xf32, #tpu.memory_space<hbm>>
    %dma_start3A_42 = arith.constant 0 : i32
    %dma_start3A_43 = tpu.memref_slice %arg5[%add3A_39, %dma_start3A_42] : memref<1024x100000xf32, #tpu.memory_space<hbm>> -> memref<1x100000xf32, #tpu.memory_space<hbm>>
    tpu.enqueue_dma source(%arg6 : memref<1x100000xf32, #tpu.memory_space<vmem>>) target(%dma_start3A_43 : memref<1x100000xf32, #tpu.memory_space<hbm>>) target_semaphore(%arg8 : memref<!tpu.dma_semaphore, #tpu.memory_space<semaphore_mem>>)
    %add3A_44 = arith.constant 7 : i32
    %add3A_45 = arith.addi %mul3A_2, %add3A_44 : i32
    %dma_start3A_46 = arith.constant 0 : i32
    %dma_start3A_47 = tpu.memref_slice %arg5[%add3A_45, %dma_start3A_46] : memref<1024x100000xf32, #tpu.memory_space<hbm>> -> memref<1x100000xf32, #tpu.memory_space<hbm>>
    %dma_start3A_48 = arith.constant 0 : i32
    %dma_start3A_49 = tpu.memref_slice %arg5[%add3A_45, %dma_start3A_48] : memref<1024x100000xf32, #tpu.memory_space<hbm>> -> memref<1x100000xf32, #tpu.memory_space<hbm>>
    tpu.enqueue_dma source(%arg6 : memref<1x100000xf32, #tpu.memory_space<vmem>>) target(%dma_start3A_49 : memref<1x100000xf32, #tpu.memory_space<hbm>>) target_semaphore(%arg8 : memref<!tpu.dma_semaphore, #tpu.memory_space<semaphore_mem>>)
    %add3A_50 = arith.constant 8 : i32
    %add3A_51 = arith.addi %mul3A_2, %add3A_50 : i32
    %dma_start3A_52 = arith.constant 0 : i32
    %dma_start3A_53 = tpu.memref_slice %arg5[%add3A_51, %dma_start3A_52] : memref<1024x100000xf32, #tpu.memory_space<hbm>> -> memref<1x100000xf32, #tpu.memory_space<hbm>>
    %dma_start3A_54 = arith.constant 0 : i32
    %dma_start3A_55 = tpu.memref_slice %arg5[%add3A_51, %dma_start3A_54] : memref<1024x100000xf32, #tpu.memory_space<hbm>> -> memref<1x100000xf32, #tpu.memory_space<hbm>>
    tpu.enqueue_dma source(%arg6 : memref<1x100000xf32, #tpu.memory_space<vmem>>) target(%dma_start3A_55 : memref<1x100000xf32, #tpu.memory_space<hbm>>) target_semaphore(%arg8 : memref<!tpu.dma_semaphore, #tpu.memory_space<semaphore_mem>>)
    %add3A_56 = arith.constant 9 : i32
    %add3A_57 = arith.addi %mul3A_2, %add3A_56 : i32
    %dma_start3A_58 = arith.constant 0 : i32
    %dma_start3A_59 = tpu.memref_slice %arg5[%add3A_57, %dma_start3A_58] : memref<1024x100000xf32, #tpu.memory_space<hbm>> -> memref<1x100000xf32, #tpu.memory_space<hbm>>
    %dma_start3A_60 = arith.constant 0 : i32
    %dma_start3A_61 = tpu.memref_slice %arg5[%add3A_57, %dma_start3A_60] : memref<1024x100000xf32, #tpu.memory_space<hbm>> -> memref<1x100000xf32, #tpu.memory_space<hbm>>
    tpu.enqueue_dma source(%arg6 : memref<1x100000xf32, #tpu.memory_space<vmem>>) target(%dma_start3A_61 : memref<1x100000xf32, #tpu.memory_space<hbm>>) target_semaphore(%arg8 : memref<!tpu.dma_semaphore, #tpu.memory_space<semaphore_mem>>)
    %add3A_62 = arith.constant 10 : i32
    %add3A_63 = arith.addi %mul3A_2, %add3A_62 : i32
    %dma_start3A_64 = arith.constant 0 : i32
    %dma_start3A_65 = tpu.memref_slice %arg5[%add3A_63, %dma_start3A_64] : memref<1024x100000xf32, #tpu.memory_space<hbm>> -> memref<1x100000xf32, #tpu.memory_space<hbm>>
    %dma_start3A_66 = arith.constant 0 : i32
    %dma_start3A_67 = tpu.memref_slice %arg5[%add3A_63, %dma_start3A_66] : memref<1024x100000xf32, #tpu.memory_space<hbm>> -> memref<1x100000xf32, #tpu.memory_space<hbm>>
    tpu.enqueue_dma source(%arg6 : memref<1x100000xf32, #tpu.memory_space<vmem>>) target(%dma_start3A_67 : memref<1x100000xf32, #tpu.memory_space<hbm>>) target_semaphore(%arg8 : memref<!tpu.dma_semaphore, #tpu.memory_space<semaphore_mem>>)
    %add3A_68 = arith.constant 11 : i32
    %add3A_69 = arith.addi %mul3A_2, %add3A_68 : i32
    %dma_start3A_70 = arith.constant 0 : i32
    %dma_start3A_71 = tpu.memref_slice %arg5[%add3A_69, %dma_start3A_70] : memref<1024x100000xf32, #tpu.memory_space<hbm>> -> memref<1x100000xf32, #tpu.memory_space<hbm>>
    %dma_start3A_72 = arith.constant 0 : i32
    %dma_start3A_73 = tpu.memref_slice %arg5[%add3A_69, %dma_start3A_72] : memref<1024x100000xf32, #tpu.memory_space<hbm>> -> memref<1x100000xf32, #tpu.memory_space<hbm>>
    tpu.enqueue_dma source(%arg6 : memref<1x100000xf32, #tpu.memory_space<vmem>>) target(%dma_start3A_73 : memref<1x100000xf32, #tpu.memory_space<hbm>>) target_semaphore(%arg8 : memref<!tpu.dma_semaphore, #tpu.memory_space<semaphore_mem>>)
    %add3A_74 = arith.constant 12 : i32
    %add3A_75 = arith.addi %mul3A_2, %add3A_74 : i32
    %dma_start3A_76 = arith.constant 0 : i32
    %dma_start3A_77 = tpu.memref_slice %arg5[%add3A_75, %dma_start3A_76] : memref<1024x100000xf32, #tpu.memory_space<hbm>> -> memref<1x100000xf32, #tpu.memory_space<hbm>>
    %dma_start3A_78 = arith.constant 0 : i32
    %dma_start3A_79 = tpu.memref_slice %arg5[%add3A_75, %dma_start3A_78] : memref<1024x100000xf32, #tpu.memory_space<hbm>> -> memref<1x100000xf32, #tpu.memory_space<hbm>>
    tpu.enqueue_dma source(%arg6 : memref<1x100000xf32, #tpu.memory_space<vmem>>) target(%dma_start3A_79 : memref<1x100000xf32, #tpu.memory_space<hbm>>) target_semaphore(%arg8 : memref<!tpu.dma_semaphore, #tpu.memory_space<semaphore_mem>>)
    %add3A_80 = arith.constant 13 : i32
    %add3A_81 = arith.addi %mul3A_2, %add3A_80 : i32
    %dma_start3A_82 = arith.constant 0 : i32
    %dma_start3A_83 = tpu.memref_slice %arg5[%add3A_81, %dma_start3A_82] : memref<1024x100000xf32, #tpu.memory_space<hbm>> -> memref<1x100000xf32, #tpu.memory_space<hbm>>
    %dma_start3A_84 = arith.constant 0 : i32
    %dma_start3A_85 = tpu.memref_slice %arg5[%add3A_81, %dma_start3A_84] : memref<1024x100000xf32, #tpu.memory_space<hbm>> -> memref<1x100000xf32, #tpu.memory_space<hbm>>
    tpu.enqueue_dma source(%arg6 : memref<1x100000xf32, #tpu.memory_space<vmem>>) target(%dma_start3A_85 : memref<1x100000xf32, #tpu.memory_space<hbm>>) target_semaphore(%arg8 : memref<!tpu.dma_semaphore, #tpu.memory_space<semaphore_mem>>)
    %add3A_86 = arith.constant 14 : i32
    %add3A_87 = arith.addi %mul3A_2, %add3A_86 : i32
    %dma_start3A_88 = arith.constant 0 : i32
    %dma_start3A_89 = tpu.memref_slice %arg5[%add3A_87, %dma_start3A_88] : memref<1024x100000xf32, #tpu.memory_space<hbm>> -> memref<1x100000xf32, #tpu.memory_space<hbm>>
    %dma_start3A_90 = arith.constant 0 : i32
    %dma_start3A_91 = tpu.memref_slice %arg5[%add3A_87, %dma_start3A_90] : memref<1024x100000xf32, #tpu.memory_space<hbm>> -> memref<1x100000xf32, #tpu.memory_space<hbm>>
    tpu.enqueue_dma source(%arg6 : memref<1x100000xf32, #tpu.memory_space<vmem>>) target(%dma_start3A_91 : memref<1x100000xf32, #tpu.memory_space<hbm>>) target_semaphore(%arg8 : memref<!tpu.dma_semaphore, #tpu.memory_space<semaphore_mem>>)
    %add3A_92 = arith.constant 15 : i32
    %add3A_93 = arith.addi %mul3A_2, %add3A_92 : i32
    %dma_start3A_94 = arith.constant 0 : i32
    %dma_start3A_95 = tpu.memref_slice %arg5[%add3A_93, %dma_start3A_94] : memref<1024x100000xf32, #tpu.memory_space<hbm>> -> memref<1x100000xf32, #tpu.memory_space<hbm>>
    %dma_start3A_96 = arith.constant 0 : i32
    %dma_start3A_97 = tpu.memref_slice %arg5[%add3A_93, %dma_start3A_96] : memref<1024x100000xf32, #tpu.memory_space<hbm>> -> memref<1x100000xf32, #tpu.memory_space<hbm>>
    tpu.enqueue_dma source(%arg6 : memref<1x100000xf32, #tpu.memory_space<vmem>>) target(%dma_start3A_97 : memref<1x100000xf32, #tpu.memory_space<hbm>>) target_semaphore(%arg8 : memref<!tpu.dma_semaphore, #tpu.memory_space<semaphore_mem>>)
    %add3A_98 = arith.constant 16 : i32
    %add3A_99 = arith.addi %mul3A_2, %add3A_98 : i32
    %dma_start3A_100 = arith.constant 0 : i32
    %dma_start3A_101 = tpu.memref_slice %arg5[%add3A_99, %dma_start3A_100] : memref<1024x100000xf32, #tpu.memory_space<hbm>> -> memref<1x100000xf32, #tpu.memory_space<hbm>>
    %dma_start3A_102 = arith.constant 0 : i32
    %dma_start3A_103 = tpu.memref_slice %arg5[%add3A_99, %dma_start3A_102] : memref<1024x100000xf32, #tpu.memory_space<hbm>> -> memref<1x100000xf32, #tpu.memory_space<hbm>>
    tpu.enqueue_dma source(%arg6 : memref<1x100000xf32, #tpu.memory_space<vmem>>) target(%dma_start3A_103 : memref<1x100000xf32, #tpu.memory_space<hbm>>) target_semaphore(%arg8 : memref<!tpu.dma_semaphore, #tpu.memory_space<semaphore_mem>>)
    %add3A_104 = arith.constant 17 : i32
    %add3A_105 = arith.addi %mul3A_2, %add3A_104 : i32
    %dma_start3A_106 = arith.constant 0 : i32
    %dma_start3A_107 = tpu.memref_slice %arg5[%add3A_105, %dma_start3A_106] : memref<1024x100000xf32, #tpu.memory_space<hbm>> -> memref<1x100000xf32, #tpu.memory_space<hbm>>
    %dma_start3A_108 = arith.constant 0 : i32
    %dma_start3A_109 = tpu.memref_slice %arg5[%add3A_105, %dma_start3A_108] : memref<1024x100000xf32, #tpu.memory_space<hbm>> -> memref<1x100000xf32, #tpu.memory_space<hbm>>
    tpu.enqueue_dma source(%arg6 : memref<1x100000xf32, #tpu.memory_space<vmem>>) target(%dma_start3A_109 : memref<1x100000xf32, #tpu.memory_space<hbm>>) target_semaphore(%arg8 : memref<!tpu.dma_semaphore, #tpu.memory_space<semaphore_mem>>)
    %add3A_110 = arith.constant 18 : i32
    %add3A_111 = arith.addi %mul3A_2, %add3A_110 : i32
    %dma_start3A_112 = arith.constant 0 : i32
    %dma_start3A_113 = tpu.memref_slice %arg5[%add3A_111, %dma_start3A_112] : memref<1024x100000xf32, #tpu.memory_space<hbm>> -> memref<1x100000xf32, #tpu.memory_space<hbm>>
    %dma_start3A_114 = arith.constant 0 : i32
    %dma_start3A_115 = tpu.memref_slice %arg5[%add3A_111, %dma_start3A_114] : memref<1024x100000xf32, #tpu.memory_space<hbm>> -> memref<1x100000xf32, #tpu.memory_space<hbm>>
    tpu.enqueue_dma source(%arg6 : memref<1x100000xf32, #tpu.memory_space<vmem>>) target(%dma_start3A_115 : memref<1x100000xf32, #tpu.memory_space<hbm>>) target_semaphore(%arg8 : memref<!tpu.dma_semaphore, #tpu.memory_space<semaphore_mem>>)
    %add3A_116 = arith.constant 19 : i32
    %add3A_117 = arith.addi %mul3A_2, %add3A_116 : i32
    %dma_start3A_118 = arith.constant 0 : i32
    %dma_start3A_119 = tpu.memref_slice %arg5[%add3A_117, %dma_start3A_118] : memref<1024x100000xf32, #tpu.memory_space<hbm>> -> memref<1x100000xf32, #tpu.memory_space<hbm>>
    %dma_start3A_120 = arith.constant 0 : i32
    %dma_start3A_121 = tpu.memref_slice %arg5[%add3A_117, %dma_start3A_120] : memref<1024x100000xf32, #tpu.memory_space<hbm>> -> memref<1x100000xf32, #tpu.memory_space<hbm>>
    tpu.enqueue_dma source(%arg6 : memref<1x100000xf32, #tpu.memory_space<vmem>>) target(%dma_start3A_121 : memref<1x100000xf32, #tpu.memory_space<hbm>>) target_semaphore(%arg8 : memref<!tpu.dma_semaphore, #tpu.memory_space<semaphore_mem>>)
    %add3A_122 = arith.constant 20 : i32
    %add3A_123 = arith.addi %mul3A_2, %add3A_122 : i32
    %dma_start3A_124 = arith.constant 0 : i32
    %dma_start3A_125 = tpu.memref_slice %arg5[%add3A_123, %dma_start3A_124] : memref<1024x100000xf32, #tpu.memory_space<hbm>> -> memref<1x100000xf32, #tpu.memory_space<hbm>>
    %dma_start3A_126 = arith.constant 0 : i32
    %dma_start3A_127 = tpu.memref_slice %arg5[%add3A_123, %dma_start3A_126] : memref<1024x100000xf32, #tpu.memory_space<hbm>> -> memref<1x100000xf32, #tpu.memory_space<hbm>>
    tpu.enqueue_dma source(%arg6 : memref<1x100000xf32, #tpu.memory_space<vmem>>) target(%dma_start3A_127 : memref<1x100000xf32, #tpu.memory_space<hbm>>) target_semaphore(%arg8 : memref<!tpu.dma_semaphore, #tpu.memory_space<semaphore_mem>>)
    %add3A_128 = arith.constant 21 : i32
    %add3A_129 = arith.addi %mul3A_2, %add3A_128 : i32
    %dma_start3A_130 = arith.constant 0 : i32
    %dma_start3A_131 = tpu.memref_slice %arg5[%add3A_129, %dma_start3A_130] : memref<1024x100000xf32, #tpu.memory_space<hbm>> -> memref<1x100000xf32, #tpu.memory_space<hbm>>
    %dma_start3A_132 = arith.constant 0 : i32
    %dma_start3A_133 = tpu.memref_slice %arg5[%add3A_129, %dma_start3A_132] : memref<1024x100000xf32, #tpu.memory_space<hbm>> -> memref<1x100000xf32, #tpu.memory_space<hbm>>
    tpu.enqueue_dma source(%arg6 : memref<1x100000xf32, #tpu.memory_space<vmem>>) target(%dma_start3A_133 : memref<1x100000xf32, #tpu.memory_space<hbm>>) target_semaphore(%arg8 : memref<!tpu.dma_semaphore, #tpu.memory_space<semaphore_mem>>)
    %add3A_134 = arith.constant 22 : i32
    %add3A_135 = arith.addi %mul3A_2, %add3A_134 : i32
    %dma_start3A_136 = arith.constant 0 : i32
    %dma_start3A_137 = tpu.memref_slice %arg5[%add3A_135, %dma_start3A_136] : memref<1024x100000xf32, #tpu.memory_space<hbm>> -> memref<1x100000xf32, #tpu.memory_space<hbm>>
    %dma_start3A_138 = arith.constant 0 : i32
    %dma_start3A_139 = tpu.memref_slice %arg5[%add3A_135, %dma_start3A_138] : memref<1024x100000xf32, #tpu.memory_space<hbm>> -> memref<1x100000xf32, #tpu.memory_space<hbm>>
    tpu.enqueue_dma source(%arg6 : memref<1x100000xf32, #tpu.memory_space<vmem>>) target(%dma_start3A_139 : memref<1x100000xf32, #tpu.memory_space<hbm>>) target_semaphore(%arg8 : memref<!tpu.dma_semaphore, #tpu.memory_space<semaphore_mem>>)
    %add3A_140 = arith.constant 23 : i32
    %add3A_141 = arith.addi %mul3A_2, %add3A_140 : i32
    %dma_start3A_142 = arith.constant 0 : i32
    %dma_start3A_143 = tpu.memref_slice %arg5[%add3A_141, %dma_start3A_142] : memref<1024x100000xf32, #tpu.memory_space<hbm>> -> memref<1x100000xf32, #tpu.memory_space<hbm>>
    %dma_start3A_144 = arith.constant 0 : i32
    %dma_start3A_145 = tpu.memref_slice %arg5[%add3A_141, %dma_start3A_144] : memref<1024x100000xf32, #tpu.memory_space<hbm>> -> memref<1x100000xf32, #tpu.memory_space<hbm>>
    tpu.enqueue_dma source(%arg6 : memref<1x100000xf32, #tpu.memory_space<vmem>>) target(%dma_start3A_145 : memref<1x100000xf32, #tpu.memory_space<hbm>>) target_semaphore(%arg8 : memref<!tpu.dma_semaphore, #tpu.memory_space<semaphore_mem>>)
    %add3A_146 = arith.constant 24 : i32
    %add3A_147 = arith.addi %mul3A_2, %add3A_146 : i32
    %dma_start3A_148 = arith.constant 0 : i32
    %dma_start3A_149 = tpu.memref_slice %arg5[%add3A_147, %dma_start3A_148] : memref<1024x100000xf32, #tpu.memory_space<hbm>> -> memref<1x100000xf32, #tpu.memory_space<hbm>>
    %dma_start3A_150 = arith.constant 0 : i32
    %dma_start3A_151 = tpu.memref_slice %arg5[%add3A_147, %dma_start3A_150] : memref<1024x100000xf32, #tpu.memory_space<hbm>> -> memref<1x100000xf32, #tpu.memory_space<hbm>>
    tpu.enqueue_dma source(%arg6 : memref<1x100000xf32, #tpu.memory_space<vmem>>) target(%dma_start3A_151 : memref<1x100000xf32, #tpu.memory_space<hbm>>) target_semaphore(%arg8 : memref<!tpu.dma_semaphore, #tpu.memory_space<semaphore_mem>>)
    %add3A_152 = arith.constant 25 : i32
    %add3A_153 = arith.addi %mul3A_2, %add3A_152 : i32
    %dma_start3A_154 = arith.constant 0 : i32
    %dma_start3A_155 = tpu.memref_slice %arg5[%add3A_153, %dma_start3A_154] : memref<1024x100000xf32, #tpu.memory_space<hbm>> -> memref<1x100000xf32, #tpu.memory_space<hbm>>
    %dma_start3A_156 = arith.constant 0 : i32
    %dma_start3A_157 = tpu.memref_slice %arg5[%add3A_153, %dma_start3A_156] : memref<1024x100000xf32, #tpu.memory_space<hbm>> -> memref<1x100000xf32, #tpu.memory_space<hbm>>
    tpu.enqueue_dma source(%arg6 : memref<1x100000xf32, #tpu.memory_space<vmem>>) target(%dma_start3A_157 : memref<1x100000xf32, #tpu.memory_space<hbm>>) target_semaphore(%arg8 : memref<!tpu.dma_semaphore, #tpu.memory_space<semaphore_mem>>)
    %add3A_158 = arith.constant 26 : i32
    %add3A_159 = arith.addi %mul3A_2, %add3A_158 : i32
    %dma_start3A_160 = arith.constant 0 : i32
    %dma_start3A_161 = tpu.memref_slice %arg5[%add3A_159, %dma_start3A_160] : memref<1024x100000xf32, #tpu.memory_space<hbm>> -> memref<1x100000xf32, #tpu.memory_space<hbm>>
    %dma_start3A_162 = arith.constant 0 : i32
    %dma_start3A_163 = tpu.memref_slice %arg5[%add3A_159, %dma_start3A_162] : memref<1024x100000xf32, #tpu.memory_space<hbm>> -> memref<1x100000xf32, #tpu.memory_space<hbm>>
    tpu.enqueue_dma source(%arg6 : memref<1x100000xf32, #tpu.memory_space<vmem>>) target(%dma_start3A_163 : memref<1x100000xf32, #tpu.memory_space<hbm>>) target_semaphore(%arg8 : memref<!tpu.dma_semaphore, #tpu.memory_space<semaphore_mem>>)
    %add3A_164 = arith.constant 27 : i32
    %add3A_165 = arith.addi %mul3A_2, %add3A_164 : i32
    %dma_start3A_166 = arith.constant 0 : i32
    %dma_start3A_167 = tpu.memref_slice %arg5[%add3A_165, %dma_start3A_166] : memref<1024x100000xf32, #tpu.memory_space<hbm>> -> memref<1x100000xf32, #tpu.memory_space<hbm>>
    %dma_start3A_168 = arith.constant 0 : i32
    %dma_start3A_169 = tpu.memref_slice %arg5[%add3A_165, %dma_start3A_168] : memref<1024x100000xf32, #tpu.memory_space<hbm>> -> memref<1x100000xf32, #tpu.memory_space<hbm>>
    tpu.enqueue_dma source(%arg6 : memref<1x100000xf32, #tpu.memory_space<vmem>>) target(%dma_start3A_169 : memref<1x100000xf32, #tpu.memory_space<hbm>>) target_semaphore(%arg8 : memref<!tpu.dma_semaphore, #tpu.memory_space<semaphore_mem>>)
    %add3A_170 = arith.constant 28 : i32
    %add3A_171 = arith.addi %mul3A_2, %add3A_170 : i32
    %dma_start3A_172 = arith.constant 0 : i32
    %dma_start3A_173 = tpu.memref_slice %arg5[%add3A_171, %dma_start3A_172] : memref<1024x100000xf32, #tpu.memory_space<hbm>> -> memref<1x100000xf32, #tpu.memory_space<hbm>>
    %dma_start3A_174 = arith.constant 0 : i32
    %dma_start3A_175 = tpu.memref_slice %arg5[%add3A_171, %dma_start3A_174] : memref<1024x100000xf32, #tpu.memory_space<hbm>> -> memref<1x100000xf32, #tpu.memory_space<hbm>>
    tpu.enqueue_dma source(%arg6 : memref<1x100000xf32, #tpu.memory_space<vmem>>) target(%dma_start3A_175 : memref<1x100000xf32, #tpu.memory_space<hbm>>) target_semaphore(%arg8 : memref<!tpu.dma_semaphore, #tpu.memory_space<semaphore_mem>>)
    %add3A_176 = arith.constant 29 : i32
    %add3A_177 = arith.addi %mul3A_2, %add3A_176 : i32
    %dma_start3A_178 = arith.constant 0 : i32
    %dma_start3A_179 = tpu.memref_slice %arg5[%add3A_177, %dma_start3A_178] : memref<1024x100000xf32, #tpu.memory_space<hbm>> -> memref<1x100000xf32, #tpu.memory_space<hbm>>
    %dma_start3A_180 = arith.constant 0 : i32
    %dma_start3A_181 = tpu.memref_slice %arg5[%add3A_177, %dma_start3A_180] : memref<1024x100000xf32, #tpu.memory_space<hbm>> -> memref<1x100000xf32, #tpu.memory_space<hbm>>
    tpu.enqueue_dma source(%arg6 : memref<1x100000xf32, #tpu.memory_space<vmem>>) target(%dma_start3A_181 : memref<1x100000xf32, #tpu.memory_space<hbm>>) target_semaphore(%arg8 : memref<!tpu.dma_semaphore, #tpu.memory_space<semaphore_mem>>)
    %add3A_182 = arith.constant 30 : i32
    %add3A_183 = arith.addi %mul3A_2, %add3A_182 : i32
    %dma_start3A_184 = arith.constant 0 : i32
    %dma_start3A_185 = tpu.memref_slice %arg5[%add3A_183, %dma_start3A_184] : memref<1024x100000xf32, #tpu.memory_space<hbm>> -> memref<1x100000xf32, #tpu.memory_space<hbm>>
    %dma_start3A_186 = arith.constant 0 : i32
    %dma_start3A_187 = tpu.memref_slice %arg5[%add3A_183, %dma_start3A_186] : memref<1024x100000xf32, #tpu.memory_space<hbm>> -> memref<1x100000xf32, #tpu.memory_space<hbm>>
    tpu.enqueue_dma source(%arg6 : memref<1x100000xf32, #tpu.memory_space<vmem>>) target(%dma_start3A_187 : memref<1x100000xf32, #tpu.memory_space<hbm>>) target_semaphore(%arg8 : memref<!tpu.dma_semaphore, #tpu.memory_space<semaphore_mem>>)
    %add3A_188 = arith.constant 31 : i32
    %add3A_189 = arith.addi %mul3A_2, %add3A_188 : i32
    %dma_start3A_190 = arith.constant 0 : i32
    %dma_start3A_191 = tpu.memref_slice %arg5[%add3A_189, %dma_start3A_190] : memref<1024x100000xf32, #tpu.memory_space<hbm>> -> memref<1x100000xf32, #tpu.memory_space<hbm>>
    %dma_start3A_192 = arith.constant 0 : i32
    %dma_start3A_193 = tpu.memref_slice %arg5[%add3A_189, %dma_start3A_192] : memref<1024x100000xf32, #tpu.memory_space<hbm>> -> memref<1x100000xf32, #tpu.memory_space<hbm>>
    tpu.enqueue_dma source(%arg6 : memref<1x100000xf32, #tpu.memory_space<vmem>>) target(%dma_start3A_193 : memref<1x100000xf32, #tpu.memory_space<hbm>>) target_semaphore(%arg8 : memref<!tpu.dma_semaphore, #tpu.memory_space<semaphore_mem>>)
    %add3A_194 = arith.constant 0 : i32
    %add3A_195 = arith.addi %mul3A_2, %add3A_194 : i32
    %dma_wait3A = arith.constant 0 : i32
    %dma_wait3A_196 = tpu.memref_slice %arg5[%add3A_195, %dma_wait3A] : memref<1024x100000xf32, #tpu.memory_space<hbm>> -> memref<1x100000xf32, #tpu.memory_space<hbm>>
    %dma_wait3A_197 = arith.constant 0 : i32
    %dma_wait3A_198 = tpu.memref_slice %arg5[%add3A_195, %dma_wait3A_197] : memref<1024x100000xf32, #tpu.memory_space<hbm>> -> memref<1x100000xf32, #tpu.memory_space<hbm>>
    tpu.wait_dma2 semaphore(%arg8 : memref<!tpu.dma_semaphore, #tpu.memory_space<semaphore_mem>>) src(%arg6 : memref<1x100000xf32, #tpu.memory_space<vmem>>) dst(%dma_wait3A_198 : memref<1x100000xf32, #tpu.memory_space<hbm>>)
    %add3A_199 = arith.constant 1 : i32
    %add3A_200 = arith.addi %mul3A_2, %add3A_199 : i32
    %dma_wait3A_201 = arith.constant 0 : i32
    %dma_wait3A_202 = tpu.memref_slice %arg5[%add3A_200, %dma_wait3A_201] : memref<1024x100000xf32, #tpu.memory_space<hbm>> -> memref<1x100000xf32, #tpu.memory_space<hbm>>
    %dma_wait3A_203 = arith.constant 0 : i32
    %dma_wait3A_204 = tpu.memref_slice %arg5[%add3A_200, %dma_wait3A_203] : memref<1024x100000xf32, #tpu.memory_space<hbm>> -> memref<1x100000xf32, #tpu.memory_space<hbm>>
    tpu.wait_dma2 semaphore(%arg8 : memref<!tpu.dma_semaphore, #tpu.memory_space<semaphore_mem>>) src(%arg6 : memref<1x100000xf32, #tpu.memory_space<vmem>>) dst(%dma_wait3A_204 : memref<1x100000xf32, #tpu.memory_space<hbm>>)
    %add3A_205 = arith.constant 2 : i32
    %add3A_206 = arith.addi %mul3A_2, %add3A_205 : i32
    %dma_wait3A_207 = arith.constant 0 : i32
    %dma_wait3A_208 = tpu.memref_slice %arg5[%add3A_206, %dma_wait3A_207] : memref<1024x100000xf32, #tpu.memory_space<hbm>> -> memref<1x100000xf32, #tpu.memory_space<hbm>>
    %dma_wait3A_209 = arith.constant 0 : i32
    %dma_wait3A_210 = tpu.memref_slice %arg5[%add3A_206, %dma_wait3A_209] : memref<1024x100000xf32, #tpu.memory_space<hbm>> -> memref<1x100000xf32, #tpu.memory_space<hbm>>
    tpu.wait_dma2 semaphore(%arg8 : memref<!tpu.dma_semaphore, #tpu.memory_space<semaphore_mem>>) src(%arg6 : memref<1x100000xf32, #tpu.memory_space<vmem>>) dst(%dma_wait3A_210 : memref<1x100000xf32, #tpu.memory_space<hbm>>)
    %add3A_211 = arith.constant 3 : i32
    %add3A_212 = arith.addi %mul3A_2, %add3A_211 : i32
    %dma_wait3A_213 = arith.constant 0 : i32
    %dma_wait3A_214 = tpu.memref_slice %arg5[%add3A_212, %dma_wait3A_213] : memref<1024x100000xf32, #tpu.memory_space<hbm>> -> memref<1x100000xf32, #tpu.memory_space<hbm>>
    %dma_wait3A_215 = arith.constant 0 : i32
    %dma_wait3A_216 = tpu.memref_slice %arg5[%add3A_212, %dma_wait3A_215] : memref<1024x100000xf32, #tpu.memory_space<hbm>> -> memref<1x100000xf32, #tpu.memory_space<hbm>>
    tpu.wait_dma2 semaphore(%arg8 : memref<!tpu.dma_semaphore, #tpu.memory_space<semaphore_mem>>) src(%arg6 : memref<1x100000xf32, #tpu.memory_space<vmem>>) dst(%dma_wait3A_216 : memref<1x100000xf32, #tpu.memory_space<hbm>>)
    %add3A_217 = arith.constant 4 : i32
    %add3A_218 = arith.addi %mul3A_2, %add3A_217 : i32
    %dma_wait3A_219 = arith.constant 0 : i32
    %dma_wait3A_220 = tpu.memref_slice %arg5[%add3A_218, %dma_wait3A_219] : memref<1024x100000xf32, #tpu.memory_space<hbm>> -> memref<1x100000xf32, #tpu.memory_space<hbm>>
    %dma_wait3A_221 = arith.constant 0 : i32
    %dma_wait3A_222 = tpu.memref_slice %arg5[%add3A_218, %dma_wait3A_221] : memref<1024x100000xf32, #tpu.memory_space<hbm>> -> memref<1x100000xf32, #tpu.memory_space<hbm>>
    tpu.wait_dma2 semaphore(%arg8 : memref<!tpu.dma_semaphore, #tpu.memory_space<semaphore_mem>>) src(%arg6 : memref<1x100000xf32, #tpu.memory_space<vmem>>) dst(%dma_wait3A_222 : memref<1x100000xf32, #tpu.memory_space<hbm>>)
    %add3A_223 = arith.constant 5 : i32
    %add3A_224 = arith.addi %mul3A_2, %add3A_223 : i32
    %dma_wait3A_225 = arith.constant 0 : i32
    %dma_wait3A_226 = tpu.memref_slice %arg5[%add3A_224, %dma_wait3A_225] : memref<1024x100000xf32, #tpu.memory_space<hbm>> -> memref<1x100000xf32, #tpu.memory_space<hbm>>
    %dma_wait3A_227 = arith.constant 0 : i32
    %dma_wait3A_228 = tpu.memref_slice %arg5[%add3A_224, %dma_wait3A_227] : memref<1024x100000xf32, #tpu.memory_space<hbm>> -> memref<1x100000xf32, #tpu.memory_space<hbm>>
    tpu.wait_dma2 semaphore(%arg8 : memref<!tpu.dma_semaphore, #tpu.memory_space<semaphore_mem>>) src(%arg6 : memref<1x100000xf32, #tpu.memory_space<vmem>>) dst(%dma_wait3A_228 : memref<1x100000xf32, #tpu.memory_space<hbm>>)
    %add3A_229 = arith.constant 6 : i32
    %add3A_230 = arith.addi %mul3A_2, %add3A_229 : i32
    %dma_wait3A_231 = arith.constant 0 : i32
    %dma_wait3A_232 = tpu.memref_slice %arg5[%add3A_230, %dma_wait3A_231] : memref<1024x100000xf32, #tpu.memory_space<hbm>> -> memref<1x100000xf32, #tpu.memory_space<hbm>>
    %dma_wait3A_233 = arith.constant 0 : i32
    %dma_wait3A_234 = tpu.memref_slice %arg5[%add3A_230, %dma_wait3A_233] : memref<1024x100000xf32, #tpu.memory_space<hbm>> -> memref<1x100000xf32, #tpu.memory_space<hbm>>
    tpu.wait_dma2 semaphore(%arg8 : memref<!tpu.dma_semaphore, #tpu.memory_space<semaphore_mem>>) src(%arg6 : memref<1x100000xf32, #tpu.memory_space<vmem>>) dst(%dma_wait3A_234 : memref<1x100000xf32, #tpu.memory_space<hbm>>)
    %add3A_235 = arith.constant 7 : i32
    %add3A_236 = arith.addi %mul3A_2, %add3A_235 : i32
    %dma_wait3A_237 = arith.constant 0 : i32
    %dma_wait3A_238 = tpu.memref_slice %arg5[%add3A_236, %dma_wait3A_237] : memref<1024x100000xf32, #tpu.memory_space<hbm>> -> memref<1x100000xf32, #tpu.memory_space<hbm>>
    %dma_wait3A_239 = arith.constant 0 : i32
    %dma_wait3A_240 = tpu.memref_slice %arg5[%add3A_236, %dma_wait3A_239] : memref<1024x100000xf32, #tpu.memory_space<hbm>> -> memref<1x100000xf32, #tpu.memory_space<hbm>>
    tpu.wait_dma2 semaphore(%arg8 : memref<!tpu.dma_semaphore, #tpu.memory_space<semaphore_mem>>) src(%arg6 : memref<1x100000xf32, #tpu.memory_space<vmem>>) dst(%dma_wait3A_240 : memref<1x100000xf32, #tpu.memory_space<hbm>>)
    %add3A_241 = arith.constant 8 : i32
    %add3A_242 = arith.addi %mul3A_2, %add3A_241 : i32
    %dma_wait3A_243 = arith.constant 0 : i32
    %dma_wait3A_244 = tpu.memref_slice %arg5[%add3A_242, %dma_wait3A_243] : memref<1024x100000xf32, #tpu.memory_space<hbm>> -> memref<1x100000xf32, #tpu.memory_space<hbm>>
    %dma_wait3A_245 = arith.constant 0 : i32
    %dma_wait3A_246 = tpu.memref_slice %arg5[%add3A_242, %dma_wait3A_245] : memref<1024x100000xf32, #tpu.memory_space<hbm>> -> memref<1x100000xf32, #tpu.memory_space<hbm>>
    tpu.wait_dma2 semaphore(%arg8 : memref<!tpu.dma_semaphore, #tpu.memory_space<semaphore_mem>>) src(%arg6 : memref<1x100000xf32, #tpu.memory_space<vmem>>) dst(%dma_wait3A_246 : memref<1x100000xf32, #tpu.memory_space<hbm>>)
    %add3A_247 = arith.constant 9 : i32
    %add3A_248 = arith.addi %mul3A_2, %add3A_247 : i32
    %dma_wait3A_249 = arith.constant 0 : i32
    %dma_wait3A_250 = tpu.memref_slice %arg5[%add3A_248, %dma_wait3A_249] : memref<1024x100000xf32, #tpu.memory_space<hbm>> -> memref<1x100000xf32, #tpu.memory_space<hbm>>
    %dma_wait3A_251 = arith.constant 0 : i32
    %dma_wait3A_252 = tpu.memref_slice %arg5[%add3A_248, %dma_wait3A_251] : memref<1024x100000xf32, #tpu.memory_space<hbm>> -> memref<1x100000xf32, #tpu.memory_space<hbm>>
    tpu.wait_dma2 semaphore(%arg8 : memref<!tpu.dma_semaphore, #tpu.memory_space<semaphore_mem>>) src(%arg6 : memref<1x100000xf32, #tpu.memory_space<vmem>>) dst(%dma_wait3A_252 : memref<1x100000xf32, #tpu.memory_space<hbm>>)
    %add3A_253 = arith.constant 10 : i32
    %add3A_254 = arith.addi %mul3A_2, %add3A_253 : i32
    %dma_wait3A_255 = arith.constant 0 : i32
    %dma_wait3A_256 = tpu.memref_slice %arg5[%add3A_254, %dma_wait3A_255] : memref<1024x100000xf32, #tpu.memory_space<hbm>> -> memref<1x100000xf32, #tpu.memory_space<hbm>>
    %dma_wait3A_257 = arith.constant 0 : i32
    %dma_wait3A_258 = tpu.memref_slice %arg5[%add3A_254, %dma_wait3A_257] : memref<1024x100000xf32, #tpu.memory_space<hbm>> -> memref<1x100000xf32, #tpu.memory_space<hbm>>
    tpu.wait_dma2 semaphore(%arg8 : memref<!tpu.dma_semaphore, #tpu.memory_space<semaphore_mem>>) src(%arg6 : memref<1x100000xf32, #tpu.memory_space<vmem>>) dst(%dma_wait3A_258 : memref<1x100000xf32, #tpu.memory_space<hbm>>)
    %add3A_259 = arith.constant 11 : i32
    %add3A_260 = arith.addi %mul3A_2, %add3A_259 : i32
    %dma_wait3A_261 = arith.constant 0 : i32
    %dma_wait3A_262 = tpu.memref_slice %arg5[%add3A_260, %dma_wait3A_261] : memref<1024x100000xf32, #tpu.memory_space<hbm>> -> memref<1x100000xf32, #tpu.memory_space<hbm>>
    %dma_wait3A_263 = arith.constant 0 : i32
    %dma_wait3A_264 = tpu.memref_slice %arg5[%add3A_260, %dma_wait3A_263] : memref<1024x100000xf32, #tpu.memory_space<hbm>> -> memref<1x100000xf32, #tpu.memory_space<hbm>>
    tpu.wait_dma2 semaphore(%arg8 : memref<!tpu.dma_semaphore, #tpu.memory_space<semaphore_mem>>) src(%arg6 : memref<1x100000xf32, #tpu.memory_space<vmem>>) dst(%dma_wait3A_264 : memref<1x100000xf32, #tpu.memory_space<hbm>>)
    %add3A_265 = arith.constant 12 : i32
    %add3A_266 = arith.addi %mul3A_2, %add3A_265 : i32
    %dma_wait3A_267 = arith.constant 0 : i32
    %dma_wait3A_268 = tpu.memref_slice %arg5[%add3A_266, %dma_wait3A_267] : memref<1024x100000xf32, #tpu.memory_space<hbm>> -> memref<1x100000xf32, #tpu.memory_space<hbm>>
    %dma_wait3A_269 = arith.constant 0 : i32
    %dma_wait3A_270 = tpu.memref_slice %arg5[%add3A_266, %dma_wait3A_269] : memref<1024x100000xf32, #tpu.memory_space<hbm>> -> memref<1x100000xf32, #tpu.memory_space<hbm>>
    tpu.wait_dma2 semaphore(%arg8 : memref<!tpu.dma_semaphore, #tpu.memory_space<semaphore_mem>>) src(%arg6 : memref<1x100000xf32, #tpu.memory_space<vmem>>) dst(%dma_wait3A_270 : memref<1x100000xf32, #tpu.memory_space<hbm>>)
    %add3A_271 = arith.constant 13 : i32
    %add3A_272 = arith.addi %mul3A_2, %add3A_271 : i32
    %dma_wait3A_273 = arith.constant 0 : i32
    %dma_wait3A_274 = tpu.memref_slice %arg5[%add3A_272, %dma_wait3A_273] : memref<1024x100000xf32, #tpu.memory_space<hbm>> -> memref<1x100000xf32, #tpu.memory_space<hbm>>
    %dma_wait3A_275 = arith.constant 0 : i32
    %dma_wait3A_276 = tpu.memref_slice %arg5[%add3A_272, %dma_wait3A_275] : memref<1024x100000xf32, #tpu.memory_space<hbm>> -> memref<1x100000xf32, #tpu.memory_space<hbm>>
    tpu.wait_dma2 semaphore(%arg8 : memref<!tpu.dma_semaphore, #tpu.memory_space<semaphore_mem>>) src(%arg6 : memref<1x100000xf32, #tpu.memory_space<vmem>>) dst(%dma_wait3A_276 : memref<1x100000xf32, #tpu.memory_space<hbm>>)
    %add3A_277 = arith.constant 14 : i32
    %add3A_278 = arith.addi %mul3A_2, %add3A_277 : i32
    %dma_wait3A_279 = arith.constant 0 : i32
    %dma_wait3A_280 = tpu.memref_slice %arg5[%add3A_278, %dma_wait3A_279] : memref<1024x100000xf32, #tpu.memory_space<hbm>> -> memref<1x100000xf32, #tpu.memory_space<hbm>>
    %dma_wait3A_281 = arith.constant 0 : i32
    %dma_wait3A_282 = tpu.memref_slice %arg5[%add3A_278, %dma_wait3A_281] : memref<1024x100000xf32, #tpu.memory_space<hbm>> -> memref<1x100000xf32, #tpu.memory_space<hbm>>
    tpu.wait_dma2 semaphore(%arg8 : memref<!tpu.dma_semaphore, #tpu.memory_space<semaphore_mem>>) src(%arg6 : memref<1x100000xf32, #tpu.memory_space<vmem>>) dst(%dma_wait3A_282 : memref<1x100000xf32, #tpu.memory_space<hbm>>)
    %add3A_283 = arith.constant 15 : i32
    %add3A_284 = arith.addi %mul3A_2, %add3A_283 : i32
    %dma_wait3A_285 = arith.constant 0 : i32
    %dma_wait3A_286 = tpu.memref_slice %arg5[%add3A_284, %dma_wait3A_285] : memref<1024x100000xf32, #tpu.memory_space<hbm>> -> memref<1x100000xf32, #tpu.memory_space<hbm>>
    %dma_wait3A_287 = arith.constant 0 : i32
    %dma_wait3A_288 = tpu.memref_slice %arg5[%add3A_284, %dma_wait3A_287] : memref<1024x100000xf32, #tpu.memory_space<hbm>> -> memref<1x100000xf32, #tpu.memory_space<hbm>>
    tpu.wait_dma2 semaphore(%arg8 : memref<!tpu.dma_semaphore, #tpu.memory_space<semaphore_mem>>) src(%arg6 : memref<1x100000xf32, #tpu.memory_space<vmem>>) dst(%dma_wait3A_288 : memref<1x100000xf32, #tpu.memory_space<hbm>>)
    %add3A_289 = arith.constant 16 : i32
    %add3A_290 = arith.addi %mul3A_2, %add3A_289 : i32
    %dma_wait3A_291 = arith.constant 0 : i32
    %dma_wait3A_292 = tpu.memref_slice %arg5[%add3A_290, %dma_wait3A_291] : memref<1024x100000xf32, #tpu.memory_space<hbm>> -> memref<1x100000xf32, #tpu.memory_space<hbm>>
    %dma_wait3A_293 = arith.constant 0 : i32
    %dma_wait3A_294 = tpu.memref_slice %arg5[%add3A_290, %dma_wait3A_293] : memref<1024x100000xf32, #tpu.memory_space<hbm>> -> memref<1x100000xf32, #tpu.memory_space<hbm>>
    tpu.wait_dma2 semaphore(%arg8 : memref<!tpu.dma_semaphore, #tpu.memory_space<semaphore_mem>>) src(%arg6 : memref<1x100000xf32, #tpu.memory_space<vmem>>) dst(%dma_wait3A_294 : memref<1x100000xf32, #tpu.memory_space<hbm>>)
    %add3A_295 = arith.constant 17 : i32
    %add3A_296 = arith.addi %mul3A_2, %add3A_295 : i32
    %dma_wait3A_297 = arith.constant 0 : i32
    %dma_wait3A_298 = tpu.memref_slice %arg5[%add3A_296, %dma_wait3A_297] : memref<1024x100000xf32, #tpu.memory_space<hbm>> -> memref<1x100000xf32, #tpu.memory_space<hbm>>
    %dma_wait3A_299 = arith.constant 0 : i32
    %dma_wait3A_300 = tpu.memref_slice %arg5[%add3A_296, %dma_wait3A_299] : memref<1024x100000xf32, #tpu.memory_space<hbm>> -> memref<1x100000xf32, #tpu.memory_space<hbm>>
    tpu.wait_dma2 semaphore(%arg8 : memref<!tpu.dma_semaphore, #tpu.memory_space<semaphore_mem>>) src(%arg6 : memref<1x100000xf32, #tpu.memory_space<vmem>>) dst(%dma_wait3A_300 : memref<1x100000xf32, #tpu.memory_space<hbm>>)
    %add3A_301 = arith.constant 18 : i32
    %add3A_302 = arith.addi %mul3A_2, %add3A_301 : i32
    %dma_wait3A_303 = arith.constant 0 : i32
    %dma_wait3A_304 = tpu.memref_slice %arg5[%add3A_302, %dma_wait3A_303] : memref<1024x100000xf32, #tpu.memory_space<hbm>> -> memref<1x100000xf32, #tpu.memory_space<hbm>>
    %dma_wait3A_305 = arith.constant 0 : i32
    %dma_wait3A_306 = tpu.memref_slice %arg5[%add3A_302, %dma_wait3A_305] : memref<1024x100000xf32, #tpu.memory_space<hbm>> -> memref<1x100000xf32, #tpu.memory_space<hbm>>
    tpu.wait_dma2 semaphore(%arg8 : memref<!tpu.dma_semaphore, #tpu.memory_space<semaphore_mem>>) src(%arg6 : memref<1x100000xf32, #tpu.memory_space<vmem>>) dst(%dma_wait3A_306 : memref<1x100000xf32, #tpu.memory_space<hbm>>)
    %add3A_307 = arith.constant 19 : i32
    %add3A_308 = arith.addi %mul3A_2, %add3A_307 : i32
    %dma_wait3A_309 = arith.constant 0 : i32
    %dma_wait3A_310 = tpu.memref_slice %arg5[%add3A_308, %dma_wait3A_309] : memref<1024x100000xf32, #tpu.memory_space<hbm>> -> memref<1x100000xf32, #tpu.memory_space<hbm>>
    %dma_wait3A_311 = arith.constant 0 : i32
    %dma_wait3A_312 = tpu.memref_slice %arg5[%add3A_308, %dma_wait3A_311] : memref<1024x100000xf32, #tpu.memory_space<hbm>> -> memref<1x100000xf32, #tpu.memory_space<hbm>>
    tpu.wait_dma2 semaphore(%arg8 : memref<!tpu.dma_semaphore, #tpu.memory_space<semaphore_mem>>) src(%arg6 : memref<1x100000xf32, #tpu.memory_space<vmem>>) dst(%dma_wait3A_312 : memref<1x100000xf32, #tpu.memory_space<hbm>>)
    %add3A_313 = arith.constant 20 : i32
    %add3A_314 = arith.addi %mul3A_2, %add3A_313 : i32
    %dma_wait3A_315 = arith.constant 0 : i32
    %dma_wait3A_316 = tpu.memref_slice %arg5[%add3A_314, %dma_wait3A_315] : memref<1024x100000xf32, #tpu.memory_space<hbm>> -> memref<1x100000xf32, #tpu.memory_space<hbm>>
    %dma_wait3A_317 = arith.constant 0 : i32
    %dma_wait3A_318 = tpu.memref_slice %arg5[%add3A_314, %dma_wait3A_317] : memref<1024x100000xf32, #tpu.memory_space<hbm>> -> memref<1x100000xf32, #tpu.memory_space<hbm>>
    tpu.wait_dma2 semaphore(%arg8 : memref<!tpu.dma_semaphore, #tpu.memory_space<semaphore_mem>>) src(%arg6 : memref<1x100000xf32, #tpu.memory_space<vmem>>) dst(%dma_wait3A_318 : memref<1x100000xf32, #tpu.memory_space<hbm>>)
    %add3A_319 = arith.constant 21 : i32
    %add3A_320 = arith.addi %mul3A_2, %add3A_319 : i32
    %dma_wait3A_321 = arith.constant 0 : i32
    %dma_wait3A_322 = tpu.memref_slice %arg5[%add3A_320, %dma_wait3A_321] : memref<1024x100000xf32, #tpu.memory_space<hbm>> -> memref<1x100000xf32, #tpu.memory_space<hbm>>
    %dma_wait3A_323 = arith.constant 0 : i32
    %dma_wait3A_324 = tpu.memref_slice %arg5[%add3A_320, %dma_wait3A_323] : memref<1024x100000xf32, #tpu.memory_space<hbm>> -> memref<1x100000xf32, #tpu.memory_space<hbm>>
    tpu.wait_dma2 semaphore(%arg8 : memref<!tpu.dma_semaphore, #tpu.memory_space<semaphore_mem>>) src(%arg6 : memref<1x100000xf32, #tpu.memory_space<vmem>>) dst(%dma_wait3A_324 : memref<1x100000xf32, #tpu.memory_space<hbm>>)
    %add3A_325 = arith.constant 22 : i32
    %add3A_326 = arith.addi %mul3A_2, %add3A_325 : i32
    %dma_wait3A_327 = arith.constant 0 : i32
    %dma_wait3A_328 = tpu.memref_slice %arg5[%add3A_326, %dma_wait3A_327] : memref<1024x100000xf32, #tpu.memory_space<hbm>> -> memref<1x100000xf32, #tpu.memory_space<hbm>>
    %dma_wait3A_329 = arith.constant 0 : i32
    %dma_wait3A_330 = tpu.memref_slice %arg5[%add3A_326, %dma_wait3A_329] : memref<1024x100000xf32, #tpu.memory_space<hbm>> -> memref<1x100000xf32, #tpu.memory_space<hbm>>
    tpu.wait_dma2 semaphore(%arg8 : memref<!tpu.dma_semaphore, #tpu.memory_space<semaphore_mem>>) src(%arg6 : memref<1x100000xf32, #tpu.memory_space<vmem>>) dst(%dma_wait3A_330 : memref<1x100000xf32, #tpu.memory_space<hbm>>)
    %add3A_331 = arith.constant 23 : i32
    %add3A_332 = arith.addi %mul3A_2, %add3A_331 : i32
    %dma_wait3A_333 = arith.constant 0 : i32
    %dma_wait3A_334 = tpu.memref_slice %arg5[%add3A_332, %dma_wait3A_333] : memref<1024x100000xf32, #tpu.memory_space<hbm>> -> memref<1x100000xf32, #tpu.memory_space<hbm>>
    %dma_wait3A_335 = arith.constant 0 : i32
    %dma_wait3A_336 = tpu.memref_slice %arg5[%add3A_332, %dma_wait3A_335] : memref<1024x100000xf32, #tpu.memory_space<hbm>> -> memref<1x100000xf32, #tpu.memory_space<hbm>>
    tpu.wait_dma2 semaphore(%arg8 : memref<!tpu.dma_semaphore, #tpu.memory_space<semaphore_mem>>) src(%arg6 : memref<1x100000xf32, #tpu.memory_space<vmem>>) dst(%dma_wait3A_336 : memref<1x100000xf32, #tpu.memory_space<hbm>>)
    %add3A_337 = arith.constant 24 : i32
    %add3A_338 = arith.addi %mul3A_2, %add3A_337 : i32
    %dma_wait3A_339 = arith.constant 0 : i32
    %dma_wait3A_340 = tpu.memref_slice %arg5[%add3A_338, %dma_wait3A_339] : memref<1024x100000xf32, #tpu.memory_space<hbm>> -> memref<1x100000xf32, #tpu.memory_space<hbm>>
    %dma_wait3A_341 = arith.constant 0 : i32
    %dma_wait3A_342 = tpu.memref_slice %arg5[%add3A_338, %dma_wait3A_341] : memref<1024x100000xf32, #tpu.memory_space<hbm>> -> memref<1x100000xf32, #tpu.memory_space<hbm>>
    tpu.wait_dma2 semaphore(%arg8 : memref<!tpu.dma_semaphore, #tpu.memory_space<semaphore_mem>>) src(%arg6 : memref<1x100000xf32, #tpu.memory_space<vmem>>) dst(%dma_wait3A_342 : memref<1x100000xf32, #tpu.memory_space<hbm>>)
    %add3A_343 = arith.constant 25 : i32
    %add3A_344 = arith.addi %mul3A_2, %add3A_343 : i32
    %dma_wait3A_345 = arith.constant 0 : i32
    %dma_wait3A_346 = tpu.memref_slice %arg5[%add3A_344, %dma_wait3A_345] : memref<1024x100000xf32, #tpu.memory_space<hbm>> -> memref<1x100000xf32, #tpu.memory_space<hbm>>
    %dma_wait3A_347 = arith.constant 0 : i32
    %dma_wait3A_348 = tpu.memref_slice %arg5[%add3A_344, %dma_wait3A_347] : memref<1024x100000xf32, #tpu.memory_space<hbm>> -> memref<1x100000xf32, #tpu.memory_space<hbm>>
    tpu.wait_dma2 semaphore(%arg8 : memref<!tpu.dma_semaphore, #tpu.memory_space<semaphore_mem>>) src(%arg6 : memref<1x100000xf32, #tpu.memory_space<vmem>>) dst(%dma_wait3A_348 : memref<1x100000xf32, #tpu.memory_space<hbm>>)
    %add3A_349 = arith.constant 26 : i32
    %add3A_350 = arith.addi %mul3A_2, %add3A_349 : i32
    %dma_wait3A_351 = arith.constant 0 : i32
    %dma_wait3A_352 = tpu.memref_slice %arg5[%add3A_350, %dma_wait3A_351] : memref<1024x100000xf32, #tpu.memory_space<hbm>> -> memref<1x100000xf32, #tpu.memory_space<hbm>>
    %dma_wait3A_353 = arith.constant 0 : i32
    %dma_wait3A_354 = tpu.memref_slice %arg5[%add3A_350, %dma_wait3A_353] : memref<1024x100000xf32, #tpu.memory_space<hbm>> -> memref<1x100000xf32, #tpu.memory_space<hbm>>
    tpu.wait_dma2 semaphore(%arg8 : memref<!tpu.dma_semaphore, #tpu.memory_space<semaphore_mem>>) src(%arg6 : memref<1x100000xf32, #tpu.memory_space<vmem>>) dst(%dma_wait3A_354 : memref<1x100000xf32, #tpu.memory_space<hbm>>)
    %add3A_355 = arith.constant 27 : i32
    %add3A_356 = arith.addi %mul3A_2, %add3A_355 : i32
    %dma_wait3A_357 = arith.constant 0 : i32
    %dma_wait3A_358 = tpu.memref_slice %arg5[%add3A_356, %dma_wait3A_357] : memref<1024x100000xf32, #tpu.memory_space<hbm>> -> memref<1x100000xf32, #tpu.memory_space<hbm>>
    %dma_wait3A_359 = arith.constant 0 : i32
    %dma_wait3A_360 = tpu.memref_slice %arg5[%add3A_356, %dma_wait3A_359] : memref<1024x100000xf32, #tpu.memory_space<hbm>> -> memref<1x100000xf32, #tpu.memory_space<hbm>>
    tpu.wait_dma2 semaphore(%arg8 : memref<!tpu.dma_semaphore, #tpu.memory_space<semaphore_mem>>) src(%arg6 : memref<1x100000xf32, #tpu.memory_space<vmem>>) dst(%dma_wait3A_360 : memref<1x100000xf32, #tpu.memory_space<hbm>>)
    %add3A_361 = arith.constant 28 : i32
    %add3A_362 = arith.addi %mul3A_2, %add3A_361 : i32
    %dma_wait3A_363 = arith.constant 0 : i32
    %dma_wait3A_364 = tpu.memref_slice %arg5[%add3A_362, %dma_wait3A_363] : memref<1024x100000xf32, #tpu.memory_space<hbm>> -> memref<1x100000xf32, #tpu.memory_space<hbm>>
    %dma_wait3A_365 = arith.constant 0 : i32
    %dma_wait3A_366 = tpu.memref_slice %arg5[%add3A_362, %dma_wait3A_365] : memref<1024x100000xf32, #tpu.memory_space<hbm>> -> memref<1x100000xf32, #tpu.memory_space<hbm>>
    tpu.wait_dma2 semaphore(%arg8 : memref<!tpu.dma_semaphore, #tpu.memory_space<semaphore_mem>>) src(%arg6 : memref<1x100000xf32, #tpu.memory_space<vmem>>) dst(%dma_wait3A_366 : memref<1x100000xf32, #tpu.memory_space<hbm>>)
    %add3A_367 = arith.constant 29 : i32
    %add3A_368 = arith.addi %mul3A_2, %add3A_367 : i32
    %dma_wait3A_369 = arith.constant 0 : i32
    %dma_wait3A_370 = tpu.memref_slice %arg5[%add3A_368, %dma_wait3A_369] : memref<1024x100000xf32, #tpu.memory_space<hbm>> -> memref<1x100000xf32, #tpu.memory_space<hbm>>
    %dma_wait3A_371 = arith.constant 0 : i32
    %dma_wait3A_372 = tpu.memref_slice %arg5[%add3A_368, %dma_wait3A_371] : memref<1024x100000xf32, #tpu.memory_space<hbm>> -> memref<1x100000xf32, #tpu.memory_space<hbm>>
    tpu.wait_dma2 semaphore(%arg8 : memref<!tpu.dma_semaphore, #tpu.memory_space<semaphore_mem>>) src(%arg6 : memref<1x100000xf32, #tpu.memory_space<vmem>>) dst(%dma_wait3A_372 : memref<1x100000xf32, #tpu.memory_space<hbm>>)
    %add3A_373 = arith.constant 30 : i32
    %add3A_374 = arith.addi %mul3A_2, %add3A_373 : i32
    %dma_wait3A_375 = arith.constant 0 : i32
    %dma_wait3A_376 = tpu.memref_slice %arg5[%add3A_374, %dma_wait3A_375] : memref<1024x100000xf32, #tpu.memory_space<hbm>> -> memref<1x100000xf32, #tpu.memory_space<hbm>>
    %dma_wait3A_377 = arith.constant 0 : i32
    %dma_wait3A_378 = tpu.memref_slice %arg5[%add3A_374, %dma_wait3A_377] : memref<1024x100000xf32, #tpu.memory_space<hbm>> -> memref<1x100000xf32, #tpu.memory_space<hbm>>
    tpu.wait_dma2 semaphore(%arg8 : memref<!tpu.dma_semaphore, #tpu.memory_space<semaphore_mem>>) src(%arg6 : memref<1x100000xf32, #tpu.memory_space<vmem>>) dst(%dma_wait3A_378 : memref<1x100000xf32, #tpu.memory_space<hbm>>)
    %add3A_379 = arith.constant 31 : i32
    %add3A_380 = arith.addi %mul3A_2, %add3A_379 : i32
    %dma_wait3A_381 = arith.constant 0 : i32
    %dma_wait3A_382 = tpu.memref_slice %arg5[%add3A_380, %dma_wait3A_381] : memref<1024x100000xf32, #tpu.memory_space<hbm>> -> memref<1x100000xf32, #tpu.memory_space<hbm>>
    %dma_wait3A_383 = arith.constant 0 : i32
    %dma_wait3A_384 = tpu.memref_slice %arg5[%add3A_380, %dma_wait3A_383] : memref<1024x100000xf32, #tpu.memory_space<hbm>> -> memref<1x100000xf32, #tpu.memory_space<hbm>>
    tpu.wait_dma2 semaphore(%arg8 : memref<!tpu.dma_semaphore, #tpu.memory_space<semaphore_mem>>) src(%arg6 : memref<1x100000xf32, #tpu.memory_space<vmem>>) dst(%dma_wait3A_384 : memref<1x100000xf32, #tpu.memory_space<hbm>>)
    %get3A = arith.constant 0 : index
    %get3A_385 = tpu.vector_load %arg7[%get3A] {strides = array<i32>} : memref<32xi32, #tpu.memory_space<vmem>>, vector<16xi32>,
    %get3A_386 = vector.shape_cast %get3A_385 : vector<16xi32> to vector<16xi32>
    %slice3A = vector.extract_strided_slice %get3A_386 {offsets = [0], sizes = [1], strides = [1]} : vector<16xi32> to vector<1xi32>
    %squeeze3A = vector.extract %slice3A[0] : i32 from vector<1xi32>
    %jit3A = arith.constant 8 : i32
    %div3A = arith.divsi %squeeze3A, %jit3A : i32
    %sign3A = arith.constant 0 : i32
    %sign3A_387 = arith.cmpi sgt, %squeeze3A, %sign3A : i32
    %sign3A_388 = arith.extui %sign3A_387 : i1 to i32
    %sign3A_389 = arith.constant 0 : i32
    %sign3A_390 = arith.cmpi slt, %squeeze3A, %sign3A_389 : i32
    %sign3A_391 = arith.extui %sign3A_390 : i1 to i32
    %sign3A_392 = arith.subi %sign3A_388, %sign3A_391 : i32
    %sign3A_393 = arith.constant 0 : i32
    %sign3A_394 = arith.cmpi sgt, %jit3A, %sign3A_393 : i32
    %sign3A_395 = arith.extui %sign3A_394 : i1 to i32
    %sign3A_396 = arith.constant 0 : i32
    %sign3A_397 = arith.cmpi slt, %jit3A, %sign3A_396 : i32
    %sign3A_398 = arith.extui %sign3A_397 : i1 to i32
    %sign3A_399 = arith.subi %sign3A_395, %sign3A_398 : i32
    %ne3A = arith.cmpi ne, %sign3A_392, %sign3A_399 : i32
    %rem3A = arith.remsi %squeeze3A, %jit3A : i32
    %ne3A_400 = arith.constant 0 : i32
    %ne3A_401 = arith.cmpi ne, %rem3A, %ne3A_400 : i32
    %and3A = arith.andi %ne3A, %ne3A_401 : i1
    %sub3A = arith.constant 1 : i32
    %sub3A_402 = arith.subi %div3A, %sub3A : i32
    %select_n3A = arith.select %and3A, %sub3A_402, %div3A : i32
    %mul3A_403 = arith.constant 8 : i32
    %mul3A_404 = arith.muli %select_n3A, %mul3A_403 : i32
    %sub3A_405 = arith.subi %squeeze3A, %mul3A_404 : i32
    %add3A_406 = arith.constant 0 : i32
    %add3A_407 = arith.addi %mul3A_2, %add3A_406 : i32
    %dma_start3A_408 = tpu.memref_slice %arg5[%add3A_407, %mul3A_404] : memref<1024x100000xf32, #tpu.memory_space<hbm>> -> memref<1x8xf32, #tpu.memory_space<hbm>>
    %dma_start3A_409 = arith.constant 0 : i32
    %dma_start3A_410 = tpu.memref_slice %arg4[%sub3A_405, %dma_start3A_409] : memref<8x100000xf32, #tpu.memory_space<hbm>> -> memref<1x8xf32, #tpu.memory_space<hbm>>
    tpu.enqueue_dma source(%dma_start3A_410 : memref<1x8xf32, #tpu.memory_space<hbm>>) target(%dma_start3A_408 : memref<1x8xf32, #tpu.memory_space<hbm>>) target_semaphore(%arg9 : memref<!tpu.dma_semaphore, #tpu.memory_space<semaphore_mem>>)
    %get3A_411 = arith.constant 0 : index
    %get3A_412 = tpu.vector_load %arg7[%get3A_411] {strides = array<i32>} : memref<32xi32, #tpu.memory_space<vmem>>, vector<16xi32>,
    %get3A_413 = vector.shape_cast %get3A_412 : vector<16xi32> to vector<16xi32>
    %slice3A_414 = vector.extract_strided_slice %get3A_413 {offsets = [1], sizes = [1], strides = [1]} : vector<16xi32> to vector<1xi32>
    %squeeze3A_415 = vector.extract %slice3A_414[0] : i32 from vector<1xi32>
    %jit3A_416 = arith.constant 8 : i32
    %div3A_417 = arith.divsi %squeeze3A_415, %jit3A_416 : i32
    %sign3A_418 = arith.constant 0 : i32
    %sign3A_419 = arith.cmpi sgt, %squeeze3A_415, %sign3A_418 : i32
    %sign3A_420 = arith.extui %sign3A_419 : i1 to i32
    %sign3A_421 = arith.constant 0 : i32
    %sign3A_422 = arith.cmpi slt, %squeeze3A_415, %sign3A_421 : i32
    %sign3A_423 = arith.extui %sign3A_422 : i1 to i32
    %sign3A_424 = arith.subi %sign3A_420, %sign3A_423 : i32
    %sign3A_425 = arith.constant 0 : i32
    %sign3A_426 = arith.cmpi sgt, %jit3A_416, %sign3A_425 : i32
    %sign3A_427 = arith.extui %sign3A_426 : i1 to i32
    %sign3A_428 = arith.constant 0 : i32
    %sign3A_429 = arith.cmpi slt, %jit3A_416, %sign3A_428 : i32
    %sign3A_430 = arith.extui %sign3A_429 : i1 to i32
    %sign3A_431 = arith.subi %sign3A_427, %sign3A_430 : i32
    %ne3A_432 = arith.cmpi ne, %sign3A_424, %sign3A_431 : i32
    %rem3A_433 = arith.remsi %squeeze3A_415, %jit3A_416 : i32
    %ne3A_434 = arith.constant 0 : i32
    %ne3A_435 = arith.cmpi ne, %rem3A_433, %ne3A_434 : i32
    %and3A_436 = arith.andi %ne3A_432, %ne3A_435 : i1
    %sub3A_437 = arith.constant 1 : i32
    %sub3A_438 = arith.subi %div3A_417, %sub3A_437 : i32
    %select_n3A_439 = arith.select %and3A_436, %sub3A_438, %div3A_417 : i32
    %mul3A_440 = arith.constant 8 : i32
    %mul3A_441 = arith.muli %select_n3A_439, %mul3A_440 : i32
    %sub3A_442 = arith.subi %squeeze3A_415, %mul3A_441 : i32
    %add3A_443 = arith.constant 1 : i32
    %add3A_444 = arith.addi %mul3A_2, %add3A_443 : i32
    %dma_start3A_445 = tpu.memref_slice %arg5[%add3A_444, %mul3A_441] : memref<1024x100000xf32, #tpu.memory_space<hbm>> -> memref<1x8xf32, #tpu.memory_space<hbm>>
    %dma_start3A_446 = arith.constant 0 : i32
    %dma_start3A_447 = tpu.memref_slice %arg4[%sub3A_442, %dma_start3A_446] : memref<8x100000xf32, #tpu.memory_space<hbm>> -> memref<1x8xf32, #tpu.memory_space<hbm>>
    tpu.enqueue_dma source(%dma_start3A_447 : memref<1x8xf32, #tpu.memory_space<hbm>>) target(%dma_start3A_445 : memref<1x8xf32, #tpu.memory_space<hbm>>) target_semaphore(%arg9 : memref<!tpu.dma_semaphore, #tpu.memory_space<semaphore_mem>>)
    %get3A_448 = arith.constant 0 : index
    %get3A_449 = tpu.vector_load %arg7[%get3A_448] {strides = array<i32>} : memref<32xi32, #tpu.memory_space<vmem>>, vector<16xi32>,
    %get3A_450 = vector.shape_cast %get3A_449 : vector<16xi32> to vector<16xi32>
    %slice3A_451 = vector.extract_strided_slice %get3A_450 {offsets = [2], sizes = [1], strides = [1]} : vector<16xi32> to vector<1xi32>
    %squeeze3A_452 = vector.extract %slice3A_451[0] : i32 from vector<1xi32>
    %jit3A_453 = arith.constant 8 : i32
    %div3A_454 = arith.divsi %squeeze3A_452, %jit3A_453 : i32
    %sign3A_455 = arith.constant 0 : i32
    %sign3A_456 = arith.cmpi sgt, %squeeze3A_452, %sign3A_455 : i32
    %sign3A_457 = arith.extui %sign3A_456 : i1 to i32
    %sign3A_458 = arith.constant 0 : i32
    %sign3A_459 = arith.cmpi slt, %squeeze3A_452, %sign3A_458 : i32
    %sign3A_460 = arith.extui %sign3A_459 : i1 to i32
    %sign3A_461 = arith.subi %sign3A_457, %sign3A_460 : i32
    %sign3A_462 = arith.constant 0 : i32
    %sign3A_463 = arith.cmpi sgt, %jit3A_453, %sign3A_462 : i32
    %sign3A_464 = arith.extui %sign3A_463 : i1 to i32
    %sign3A_465 = arith.constant 0 : i32
    %sign3A_466 = arith.cmpi slt, %jit3A_453, %sign3A_465 : i32
    %sign3A_467 = arith.extui %sign3A_466 : i1 to i32
    %sign3A_468 = arith.subi %sign3A_464, %sign3A_467 : i32
    %ne3A_469 = arith.cmpi ne, %sign3A_461, %sign3A_468 : i32
    %rem3A_470 = arith.remsi %squeeze3A_452, %jit3A_453 : i32
    %ne3A_471 = arith.constant 0 : i32
    %ne3A_472 = arith.cmpi ne, %rem3A_470, %ne3A_471 : i32
    %and3A_473 = arith.andi %ne3A_469, %ne3A_472 : i1
    %sub3A_474 = arith.constant 1 : i32
    %sub3A_475 = arith.subi %div3A_454, %sub3A_474 : i32
    %select_n3A_476 = arith.select %and3A_473, %sub3A_475, %div3A_454 : i32
    %mul3A_477 = arith.constant 8 : i32
    %mul3A_478 = arith.muli %select_n3A_476, %mul3A_477 : i32
    %sub3A_479 = arith.subi %squeeze3A_452, %mul3A_478 : i32
    %add3A_480 = arith.constant 2 : i32
    %add3A_481 = arith.addi %mul3A_2, %add3A_480 : i32
    %dma_start3A_482 = tpu.memref_slice %arg5[%add3A_481, %mul3A_478] : memref<1024x100000xf32, #tpu.memory_space<hbm>> -> memref<1x8xf32, #tpu.memory_space<hbm>>
    %dma_start3A_483 = arith.constant 0 : i32
    %dma_start3A_484 = tpu.memref_slice %arg4[%sub3A_479, %dma_start3A_483] : memref<8x100000xf32, #tpu.memory_space<hbm>> -> memref<1x8xf32, #tpu.memory_space<hbm>>
    tpu.enqueue_dma source(%dma_start3A_484 : memref<1x8xf32, #tpu.memory_space<hbm>>) target(%dma_start3A_482 : memref<1x8xf32, #tpu.memory_space<hbm>>) target_semaphore(%arg9 : memref<!tpu.dma_semaphore, #tpu.memory_space<semaphore_mem>>)
    %get3A_485 = arith.constant 0 : index
    %get3A_486 = tpu.vector_load %arg7[%get3A_485] {strides = array<i32>} : memref<32xi32, #tpu.memory_space<vmem>>, vector<16xi32>,
    %get3A_487 = vector.shape_cast %get3A_486 : vector<16xi32> to vector<16xi32>
    %slice3A_488 = vector.extract_strided_slice %get3A_487 {offsets = [3], sizes = [1], strides = [1]} : vector<16xi32> to vector<1xi32>
    %squeeze3A_489 = vector.extract %slice3A_488[0] : i32 from vector<1xi32>
    %jit3A_490 = arith.constant 8 : i32
    %div3A_491 = arith.divsi %squeeze3A_489, %jit3A_490 : i32
    %sign3A_492 = arith.constant 0 : i32
    %sign3A_493 = arith.cmpi sgt, %squeeze3A_489, %sign3A_492 : i32
    %sign3A_494 = arith.extui %sign3A_493 : i1 to i32
    %sign3A_495 = arith.constant 0 : i32
    %sign3A_496 = arith.cmpi slt, %squeeze3A_489, %sign3A_495 : i32
    %sign3A_497 = arith.extui %sign3A_496 : i1 to i32
    %sign3A_498 = arith.subi %sign3A_494, %sign3A_497 : i32
    %sign3A_499 = arith.constant 0 : i32
    %sign3A_500 = arith.cmpi sgt, %jit3A_490, %sign3A_499 : i32
    %sign3A_501 = arith.extui %sign3A_500 : i1 to i32
    %sign3A_502 = arith.constant 0 : i32
    %sign3A_503 = arith.cmpi slt, %jit3A_490, %sign3A_502 : i32
    %sign3A_504 = arith.extui %sign3A_503 : i1 to i32
    %sign3A_505 = arith.subi %sign3A_501, %sign3A_504 : i32
    %ne3A_506 = arith.cmpi ne, %sign3A_498, %sign3A_505 : i32
    %rem3A_507 = arith.remsi %squeeze3A_489, %jit3A_490 : i32
    %ne3A_508 = arith.constant 0 : i32
    %ne3A_509 = arith.cmpi ne, %rem3A_507, %ne3A_508 : i32
    %and3A_510 = arith.andi %ne3A_506, %ne3A_509 : i1
    %sub3A_511 = arith.constant 1 : i32
    %sub3A_512 = arith.subi %div3A_491, %sub3A_511 : i32
    %select_n3A_513 = arith.select %and3A_510, %sub3A_512, %div3A_491 : i32
    %mul3A_514 = arith.constant 8 : i32
    %mul3A_515 = arith.muli %select_n3A_513, %mul3A_514 : i32
    %sub3A_516 = arith.subi %squeeze3A_489, %mul3A_515 : i32
    %add3A_517 = arith.constant 3 : i32
    %add3A_518 = arith.addi %mul3A_2, %add3A_517 : i32
    %dma_start3A_519 = tpu.memref_slice %arg5[%add3A_518, %mul3A_515] : memref<1024x100000xf32, #tpu.memory_space<hbm>> -> memref<1x8xf32, #tpu.memory_space<hbm>>
    %dma_start3A_520 = arith.constant 0 : i32
    %dma_start3A_521 = tpu.memref_slice %arg4[%sub3A_516, %dma_start3A_520] : memref<8x100000xf32, #tpu.memory_space<hbm>> -> memref<1x8xf32, #tpu.memory_space<hbm>>
    tpu.enqueue_dma source(%dma_start3A_521 : memref<1x8xf32, #tpu.memory_space<hbm>>) target(%dma_start3A_519 : memref<1x8xf32, #tpu.memory_space<hbm>>) target_semaphore(%arg9 : memref<!tpu.dma_semaphore, #tpu.memory_space<semaphore_mem>>)
    %get3A_522 = arith.constant 0 : index
    %get3A_523 = tpu.vector_load %arg7[%get3A_522] {strides = array<i32>} : memref<32xi32, #tpu.memory_space<vmem>>, vector<16xi32>,
    %get3A_524 = vector.shape_cast %get3A_523 : vector<16xi32> to vector<16xi32>
    %slice3A_525 = vector.extract_strided_slice %get3A_524 {offsets = [4], sizes = [1], strides = [1]} : vector<16xi32> to vector<1xi32>
    %squeeze3A_526 = vector.extract %slice3A_525[0] : i32 from vector<1xi32>
    %jit3A_527 = arith.constant 8 : i32
    %div3A_528 = arith.divsi %squeeze3A_526, %jit3A_527 : i32
    %sign3A_529 = arith.constant 0 : i32
    %sign3A_530 = arith.cmpi sgt, %squeeze3A_526, %sign3A_529 : i32
    %sign3A_531 = arith.extui %sign3A_530 : i1 to i32
    %sign3A_532 = arith.constant 0 : i32
    %sign3A_533 = arith.cmpi slt, %squeeze3A_526, %sign3A_532 : i32
    %sign3A_534 = arith.extui %sign3A_533 : i1 to i32
    %sign3A_535 = arith.subi %sign3A_531, %sign3A_534 : i32
    %sign3A_536 = arith.constant 0 : i32
    %sign3A_537 = arith.cmpi sgt, %jit3A_527, %sign3A_536 : i32
    %sign3A_538 = arith.extui %sign3A_537 : i1 to i32
    %sign3A_539 = arith.constant 0 : i32
    %sign3A_540 = arith.cmpi slt, %jit3A_527, %sign3A_539 : i32
    %sign3A_541 = arith.extui %sign3A_540 : i1 to i32
    %sign3A_542 = arith.subi %sign3A_538, %sign3A_541 : i32
    %ne3A_543 = arith.cmpi ne, %sign3A_535, %sign3A_542 : i32
    %rem3A_544 = arith.remsi %squeeze3A_526, %jit3A_527 : i32
    %ne3A_545 = arith.constant 0 : i32
    %ne3A_546 = arith.cmpi ne, %rem3A_544, %ne3A_545 : i32
    %and3A_547 = arith.andi %ne3A_543, %ne3A_546 : i1
    %sub3A_548 = arith.constant 1 : i32
    %sub3A_549 = arith.subi %div3A_528, %sub3A_548 : i32
    %select_n3A_550 = arith.select %and3A_547, %sub3A_549, %div3A_528 : i32
    %mul3A_551 = arith.constant 8 : i32
    %mul3A_552 = arith.muli %select_n3A_550, %mul3A_551 : i32
    %sub3A_553 = arith.subi %squeeze3A_526, %mul3A_552 : i32
    %add3A_554 = arith.constant 4 : i32
    %add3A_555 = arith.addi %mul3A_2, %add3A_554 : i32
    %dma_start3A_556 = tpu.memref_slice %arg5[%add3A_555, %mul3A_552] : memref<1024x100000xf32, #tpu.memory_space<hbm>> -> memref<1x8xf32, #tpu.memory_space<hbm>>
    %dma_start3A_557 = arith.constant 0 : i32
    %dma_start3A_558 = tpu.memref_slice %arg4[%sub3A_553, %dma_start3A_557] : memref<8x100000xf32, #tpu.memory_space<hbm>> -> memref<1x8xf32, #tpu.memory_space<hbm>>
    tpu.enqueue_dma source(%dma_start3A_558 : memref<1x8xf32, #tpu.memory_space<hbm>>) target(%dma_start3A_556 : memref<1x8xf32, #tpu.memory_space<hbm>>) target_semaphore(%arg9 : memref<!tpu.dma_semaphore, #tpu.memory_space<semaphore_mem>>)
    %get3A_559 = arith.constant 0 : index
    %get3A_560 = tpu.vector_load %arg7[%get3A_559] {strides = array<i32>} : memref<32xi32, #tpu.memory_space<vmem>>, vector<16xi32>,
    %get3A_561 = vector.shape_cast %get3A_560 : vector<16xi32> to vector<16xi32>
    %slice3A_562 = vector.extract_strided_slice %get3A_561 {offsets = [5], sizes = [1], strides = [1]} : vector<16xi32> to vector<1xi32>
    %squeeze3A_563 = vector.extract %slice3A_562[0] : i32 from vector<1xi32>
    %jit3A_564 = arith.constant 8 : i32
    %div3A_565 = arith.divsi %squeeze3A_563, %jit3A_564 : i32
    %sign3A_566 = arith.constant 0 : i32
    %sign3A_567 = arith.cmpi sgt, %squeeze3A_563, %sign3A_566 : i32
    %sign3A_568 = arith.extui %sign3A_567 : i1 to i32
    %sign3A_569 = arith.constant 0 : i32
    %sign3A_570 = arith.cmpi slt, %squeeze3A_563, %sign3A_569 : i32
    %sign3A_571 = arith.extui %sign3A_570 : i1 to i32
    %sign3A_572 = arith.subi %sign3A_568, %sign3A_571 : i32
    %sign3A_573 = arith.constant 0 : i32
    %sign3A_574 = arith.cmpi sgt, %jit3A_564, %sign3A_573 : i32
    %sign3A_575 = arith.extui %sign3A_574 : i1 to i32
    %sign3A_576 = arith.constant 0 : i32
    %sign3A_577 = arith.cmpi slt, %jit3A_564, %sign3A_576 : i32
    %sign3A_578 = arith.extui %sign3A_577 : i1 to i32
    %sign3A_579 = arith.subi %sign3A_575, %sign3A_578 : i32
    %ne3A_580 = arith.cmpi ne, %sign3A_572, %sign3A_579 : i32
    %rem3A_581 = arith.remsi %squeeze3A_563, %jit3A_564 : i32
    %ne3A_582 = arith.constant 0 : i32
    %ne3A_583 = arith.cmpi ne, %rem3A_581, %ne3A_582 : i32
    %and3A_584 = arith.andi %ne3A_580, %ne3A_583 : i1
    %sub3A_585 = arith.constant 1 : i32
    %sub3A_586 = arith.subi %div3A_565, %sub3A_585 : i32
    %select_n3A_587 = arith.select %and3A_584, %sub3A_586, %div3A_565 : i32
    %mul3A_588 = arith.constant 8 : i32
    %mul3A_589 = arith.muli %select_n3A_587, %mul3A_588 : i32
    %sub3A_590 = arith.subi %squeeze3A_563, %mul3A_589 : i32
    %add3A_591 = arith.constant 5 : i32
    %add3A_592 = arith.addi %mul3A_2, %add3A_591 : i32
    %dma_start3A_593 = tpu.memref_slice %arg5[%add3A_592, %mul3A_589] : memref<1024x100000xf32, #tpu.memory_space<hbm>> -> memref<1x8xf32, #tpu.memory_space<hbm>>
    %dma_start3A_594 = arith.constant 0 : i32
    %dma_start3A_595 = tpu.memref_slice %arg4[%sub3A_590, %dma_start3A_594] : memref<8x100000xf32, #tpu.memory_space<hbm>> -> memref<1x8xf32, #tpu.memory_space<hbm>>
    tpu.enqueue_dma source(%dma_start3A_595 : memref<1x8xf32, #tpu.memory_space<hbm>>) target(%dma_start3A_593 : memref<1x8xf32, #tpu.memory_space<hbm>>) target_semaphore(%arg9 : memref<!tpu.dma_semaphore, #tpu.memory_space<semaphore_mem>>)
    %get3A_596 = arith.constant 0 : index
    %get3A_597 = tpu.vector_load %arg7[%get3A_596] {strides = array<i32>} : memref<32xi32, #tpu.memory_space<vmem>>, vector<16xi32>,
    %get3A_598 = vector.shape_cast %get3A_597 : vector<16xi32> to vector<16xi32>
    %slice3A_599 = vector.extract_strided_slice %get3A_598 {offsets = [6], sizes = [1], strides = [1]} : vector<16xi32> to vector<1xi32>
    %squeeze3A_600 = vector.extract %slice3A_599[0] : i32 from vector<1xi32>
    %jit3A_601 = arith.constant 8 : i32
    %div3A_602 = arith.divsi %squeeze3A_600, %jit3A_601 : i32
    %sign3A_603 = arith.constant 0 : i32
    %sign3A_604 = arith.cmpi sgt, %squeeze3A_600, %sign3A_603 : i32
    %sign3A_605 = arith.extui %sign3A_604 : i1 to i32
    %sign3A_606 = arith.constant 0 : i32
    %sign3A_607 = arith.cmpi slt, %squeeze3A_600, %sign3A_606 : i32
    %sign3A_608 = arith.extui %sign3A_607 : i1 to i32
    %sign3A_609 = arith.subi %sign3A_605, %sign3A_608 : i32
    %sign3A_610 = arith.constant 0 : i32
    %sign3A_611 = arith.cmpi sgt, %jit3A_601, %sign3A_610 : i32
    %sign3A_612 = arith.extui %sign3A_611 : i1 to i32
    %sign3A_613 = arith.constant 0 : i32
    %sign3A_614 = arith.cmpi slt, %jit3A_601, %sign3A_613 : i32
    %sign3A_615 = arith.extui %sign3A_614 : i1 to i32
    %sign3A_616 = arith.subi %sign3A_612, %sign3A_615 : i32
    %ne3A_617 = arith.cmpi ne, %sign3A_609, %sign3A_616 : i32
    %rem3A_618 = arith.remsi %squeeze3A_600, %jit3A_601 : i32
    %ne3A_619 = arith.constant 0 : i32
    %ne3A_620 = arith.cmpi ne, %rem3A_618, %ne3A_619 : i32
    %and3A_621 = arith.andi %ne3A_617, %ne3A_620 : i1
    %sub3A_622 = arith.constant 1 : i32
    %sub3A_623 = arith.subi %div3A_602, %sub3A_622 : i32
    %select_n3A_624 = arith.select %and3A_621, %sub3A_623, %div3A_602 : i32
    %mul3A_625 = arith.constant 8 : i32
    %mul3A_626 = arith.muli %select_n3A_624, %mul3A_625 : i32
    %sub3A_627 = arith.subi %squeeze3A_600, %mul3A_626 : i32
    %add3A_628 = arith.constant 6 : i32
    %add3A_629 = arith.addi %mul3A_2, %add3A_628 : i32
    %dma_start3A_630 = tpu.memref_slice %arg5[%add3A_629, %mul3A_626] : memref<1024x100000xf32, #tpu.memory_space<hbm>> -> memref<1x8xf32, #tpu.memory_space<hbm>>
    %dma_start3A_631 = arith.constant 0 : i32
    %dma_start3A_632 = tpu.memref_slice %arg4[%sub3A_627, %dma_start3A_631] : memref<8x100000xf32, #tpu.memory_space<hbm>> -> memref<1x8xf32, #tpu.memory_space<hbm>>
    tpu.enqueue_dma source(%dma_start3A_632 : memref<1x8xf32, #tpu.memory_space<hbm>>) target(%dma_start3A_630 : memref<1x8xf32, #tpu.memory_space<hbm>>) target_semaphore(%arg9 : memref<!tpu.dma_semaphore, #tpu.memory_space<semaphore_mem>>)
    %get3A_633 = arith.constant 0 : index
    %get3A_634 = tpu.vector_load %arg7[%get3A_633] {strides = array<i32>} : memref<32xi32, #tpu.memory_space<vmem>>, vector<16xi32>,
    %get3A_635 = vector.shape_cast %get3A_634 : vector<16xi32> to vector<16xi32>
    %slice3A_636 = vector.extract_strided_slice %get3A_635 {offsets = [7], sizes = [1], strides = [1]} : vector<16xi32> to vector<1xi32>
    %squeeze3A_637 = vector.extract %slice3A_636[0] : i32 from vector<1xi32>
    %jit3A_638 = arith.constant 8 : i32
    %div3A_639 = arith.divsi %squeeze3A_637, %jit3A_638 : i32
    %sign3A_640 = arith.constant 0 : i32
    %sign3A_641 = arith.cmpi sgt, %squeeze3A_637, %sign3A_640 : i32
    %sign3A_642 = arith.extui %sign3A_641 : i1 to i32
    %sign3A_643 = arith.constant 0 : i32
    %sign3A_644 = arith.cmpi slt, %squeeze3A_637, %sign3A_643 : i32
    %sign3A_645 = arith.extui %sign3A_644 : i1 to i32
    %sign3A_646 = arith.subi %sign3A_642, %sign3A_645 : i32
    %sign3A_647 = arith.constant 0 : i32
    %sign3A_648 = arith.cmpi sgt, %jit3A_638, %sign3A_647 : i32
    %sign3A_649 = arith.extui %sign3A_648 : i1 to i32
    %sign3A_650 = arith.constant 0 : i32
    %sign3A_651 = arith.cmpi slt, %jit3A_638, %sign3A_650 : i32
    %sign3A_652 = arith.extui %sign3A_651 : i1 to i32
    %sign3A_653 = arith.subi %sign3A_649, %sign3A_652 : i32
    %ne3A_654 = arith.cmpi ne, %sign3A_646, %sign3A_653 : i32
    %rem3A_655 = arith.remsi %squeeze3A_637, %jit3A_638 : i32
    %ne3A_656 = arith.constant 0 : i32
    %ne3A_657 = arith.cmpi ne, %rem3A_655, %ne3A_656 : i32
    %and3A_658 = arith.andi %ne3A_654, %ne3A_657 : i1
    %sub3A_659 = arith.constant 1 : i32
    %sub3A_660 = arith.subi %div3A_639, %sub3A_659 : i32
    %select_n3A_661 = arith.select %and3A_658, %sub3A_660, %div3A_639 : i32
    %mul3A_662 = arith.constant 8 : i32
    %mul3A_663 = arith.muli %select_n3A_661, %mul3A_662 : i32
    %sub3A_664 = arith.subi %squeeze3A_637, %mul3A_663 : i32
    %add3A_665 = arith.constant 7 : i32
    %add3A_666 = arith.addi %mul3A_2, %add3A_665 : i32
    %dma_start3A_667 = tpu.memref_slice %arg5[%add3A_666, %mul3A_663] : memref<1024x100000xf32, #tpu.memory_space<hbm>> -> memref<1x8xf32, #tpu.memory_space<hbm>>
    %dma_start3A_668 = arith.constant 0 : i32
    %dma_start3A_669 = tpu.memref_slice %arg4[%sub3A_664, %dma_start3A_668] : memref<8x100000xf32, #tpu.memory_space<hbm>> -> memref<1x8xf32, #tpu.memory_space<hbm>>
    tpu.enqueue_dma source(%dma_start3A_669 : memref<1x8xf32, #tpu.memory_space<hbm>>) target(%dma_start3A_667 : memref<1x8xf32, #tpu.memory_space<hbm>>) target_semaphore(%arg9 : memref<!tpu.dma_semaphore, #tpu.memory_space<semaphore_mem>>)
    %get3A_670 = arith.constant 0 : index
    %get3A_671 = tpu.vector_load %arg7[%get3A_670] {strides = array<i32>} : memref<32xi32, #tpu.memory_space<vmem>>, vector<16xi32>,
    %get3A_672 = vector.shape_cast %get3A_671 : vector<16xi32> to vector<16xi32>
    %slice3A_673 = vector.extract_strided_slice %get3A_672 {offsets = [8], sizes = [1], strides = [1]} : vector<16xi32> to vector<1xi32>
    %squeeze3A_674 = vector.extract %slice3A_673[0] : i32 from vector<1xi32>
    %jit3A_675 = arith.constant 8 : i32
    %div3A_676 = arith.divsi %squeeze3A_674, %jit3A_675 : i32
    %sign3A_677 = arith.constant 0 : i32
    %sign3A_678 = arith.cmpi sgt, %squeeze3A_674, %sign3A_677 : i32
    %sign3A_679 = arith.extui %sign3A_678 : i1 to i32
    %sign3A_680 = arith.constant 0 : i32
    %sign3A_681 = arith.cmpi slt, %squeeze3A_674, %sign3A_680 : i32
    %sign3A_682 = arith.extui %sign3A_681 : i1 to i32
    %sign3A_683 = arith.subi %sign3A_679, %sign3A_682 : i32
    %sign3A_684 = arith.constant 0 : i32
    %sign3A_685 = arith.cmpi sgt, %jit3A_675, %sign3A_684 : i32
    %sign3A_686 = arith.extui %sign3A_685 : i1 to i32
    %sign3A_687 = arith.constant 0 : i32
    %sign3A_688 = arith.cmpi slt, %jit3A_675, %sign3A_687 : i32
    %sign3A_689 = arith.extui %sign3A_688 : i1 to i32
    %sign3A_690 = arith.subi %sign3A_686, %sign3A_689 : i32
    %ne3A_691 = arith.cmpi ne, %sign3A_683, %sign3A_690 : i32
    %rem3A_692 = arith.remsi %squeeze3A_674, %jit3A_675 : i32
    %ne3A_693 = arith.constant 0 : i32
    %ne3A_694 = arith.cmpi ne, %rem3A_692, %ne3A_693 : i32
    %and3A_695 = arith.andi %ne3A_691, %ne3A_694 : i1
    %sub3A_696 = arith.constant 1 : i32
    %sub3A_697 = arith.subi %div3A_676, %sub3A_696 : i32
    %select_n3A_698 = arith.select %and3A_695, %sub3A_697, %div3A_676 : i32
    %mul3A_699 = arith.constant 8 : i32
    %mul3A_700 = arith.muli %select_n3A_698, %mul3A_699 : i32
    %sub3A_701 = arith.subi %squeeze3A_674, %mul3A_700 : i32
    %add3A_702 = arith.constant 8 : i32
    %add3A_703 = arith.addi %mul3A_2, %add3A_702 : i32
    %dma_start3A_704 = tpu.memref_slice %arg5[%add3A_703, %mul3A_700] : memref<1024x100000xf32, #tpu.memory_space<hbm>> -> memref<1x8xf32, #tpu.memory_space<hbm>>
    %dma_start3A_705 = arith.constant 0 : i32
    %dma_start3A_706 = tpu.memref_slice %arg4[%sub3A_701, %dma_start3A_705] : memref<8x100000xf32, #tpu.memory_space<hbm>> -> memref<1x8xf32, #tpu.memory_space<hbm>>
    tpu.enqueue_dma source(%dma_start3A_706 : memref<1x8xf32, #tpu.memory_space<hbm>>) target(%dma_start3A_704 : memref<1x8xf32, #tpu.memory_space<hbm>>) target_semaphore(%arg9 : memref<!tpu.dma_semaphore, #tpu.memory_space<semaphore_mem>>)
    %get3A_707 = arith.constant 0 : index
    %get3A_708 = tpu.vector_load %arg7[%get3A_707] {strides = array<i32>} : memref<32xi32, #tpu.memory_space<vmem>>, vector<16xi32>,
    %get3A_709 = vector.shape_cast %get3A_708 : vector<16xi32> to vector<16xi32>
    %slice3A_710 = vector.extract_strided_slice %get3A_709 {offsets = [9], sizes = [1], strides = [1]} : vector<16xi32> to vector<1xi32>
    %squeeze3A_711 = vector.extract %slice3A_710[0] : i32 from vector<1xi32>
    %jit3A_712 = arith.constant 8 : i32
    %div3A_713 = arith.divsi %squeeze3A_711, %jit3A_712 : i32
    %sign3A_714 = arith.constant 0 : i32
    %sign3A_715 = arith.cmpi sgt, %squeeze3A_711, %sign3A_714 : i32
    %sign3A_716 = arith.extui %sign3A_715 : i1 to i32
    %sign3A_717 = arith.constant 0 : i32
    %sign3A_718 = arith.cmpi slt, %squeeze3A_711, %sign3A_717 : i32
    %sign3A_719 = arith.extui %sign3A_718 : i1 to i32
    %sign3A_720 = arith.subi %sign3A_716, %sign3A_719 : i32
    %sign3A_721 = arith.constant 0 : i32
    %sign3A_722 = arith.cmpi sgt, %jit3A_712, %sign3A_721 : i32
    %sign3A_723 = arith.extui %sign3A_722 : i1 to i32
    %sign3A_724 = arith.constant 0 : i32
    %sign3A_725 = arith.cmpi slt, %jit3A_712, %sign3A_724 : i32
    %sign3A_726 = arith.extui %sign3A_725 : i1 to i32
    %sign3A_727 = arith.subi %sign3A_723, %sign3A_726 : i32
    %ne3A_728 = arith.cmpi ne, %sign3A_720, %sign3A_727 : i32
    %rem3A_729 = arith.remsi %squeeze3A_711, %jit3A_712 : i32
    %ne3A_730 = arith.constant 0 : i32
    %ne3A_731 = arith.cmpi ne, %rem3A_729, %ne3A_730 : i32
    %and3A_732 = arith.andi %ne3A_728, %ne3A_731 : i1
    %sub3A_733 = arith.constant 1 : i32
    %sub3A_734 = arith.subi %div3A_713, %sub3A_733 : i32
    %select_n3A_735 = arith.select %and3A_732, %sub3A_734, %div3A_713 : i32
    %mul3A_736 = arith.constant 8 : i32
    %mul3A_737 = arith.muli %select_n3A_735, %mul3A_736 : i32
    %sub3A_738 = arith.subi %squeeze3A_711, %mul3A_737 : i32
    %add3A_739 = arith.constant 9 : i32
    %add3A_740 = arith.addi %mul3A_2, %add3A_739 : i32
    %dma_start3A_741 = tpu.memref_slice %arg5[%add3A_740, %mul3A_737] : memref<1024x100000xf32, #tpu.memory_space<hbm>> -> memref<1x8xf32, #tpu.memory_space<hbm>>
    %dma_start3A_742 = arith.constant 0 : i32
    %dma_start3A_743 = tpu.memref_slice %arg4[%sub3A_738, %dma_start3A_742] : memref<8x100000xf32, #tpu.memory_space<hbm>> -> memref<1x8xf32, #tpu.memory_space<hbm>>
    tpu.enqueue_dma source(%dma_start3A_743 : memref<1x8xf32, #tpu.memory_space<hbm>>) target(%dma_start3A_741 : memref<1x8xf32, #tpu.memory_space<hbm>>) target_semaphore(%arg9 : memref<!tpu.dma_semaphore, #tpu.memory_space<semaphore_mem>>)
    %get3A_744 = arith.constant 0 : index
    %get3A_745 = tpu.vector_load %arg7[%get3A_744] {strides = array<i32>} : memref<32xi32, #tpu.memory_space<vmem>>, vector<16xi32>,
    %get3A_746 = vector.shape_cast %get3A_745 : vector<16xi32> to vector<16xi32>
    %slice3A_747 = vector.extract_strided_slice %get3A_746 {offsets = [10], sizes = [1], strides = [1]} : vector<16xi32> to vector<1xi32>
    %squeeze3A_748 = vector.extract %slice3A_747[0] : i32 from vector<1xi32>
    %jit3A_749 = arith.constant 8 : i32
    %div3A_750 = arith.divsi %squeeze3A_748, %jit3A_749 : i32
    %sign3A_751 = arith.constant 0 : i32
    %sign3A_752 = arith.cmpi sgt, %squeeze3A_748, %sign3A_751 : i32
    %sign3A_753 = arith.extui %sign3A_752 : i1 to i32
    %sign3A_754 = arith.constant 0 : i32
    %sign3A_755 = arith.cmpi slt, %squeeze3A_748, %sign3A_754 : i32
    %sign3A_756 = arith.extui %sign3A_755 : i1 to i32
    %sign3A_757 = arith.subi %sign3A_753, %sign3A_756 : i32
    %sign3A_758 = arith.constant 0 : i32
    %sign3A_759 = arith.cmpi sgt, %jit3A_749, %sign3A_758 : i32
    %sign3A_760 = arith.extui %sign3A_759 : i1 to i32
    %sign3A_761 = arith.constant 0 : i32
    %sign3A_762 = arith.cmpi slt, %jit3A_749, %sign3A_761 : i32
    %sign3A_763 = arith.extui %sign3A_762 : i1 to i32
    %sign3A_764 = arith.subi %sign3A_760, %sign3A_763 : i32
    %ne3A_765 = arith.cmpi ne, %sign3A_757, %sign3A_764 : i32
    %rem3A_766 = arith.remsi %squeeze3A_748, %jit3A_749 : i32
    %ne3A_767 = arith.constant 0 : i32
    %ne3A_768 = arith.cmpi ne, %rem3A_766, %ne3A_767 : i32
    %and3A_769 = arith.andi %ne3A_765, %ne3A_768 : i1
    %sub3A_770 = arith.constant 1 : i32
    %sub3A_771 = arith.subi %div3A_750, %sub3A_770 : i32
    %select_n3A_772 = arith.select %and3A_769, %sub3A_771, %div3A_750 : i32
    %mul3A_773 = arith.constant 8 : i32
    %mul3A_774 = arith.muli %select_n3A_772, %mul3A_773 : i32
    %sub3A_775 = arith.subi %squeeze3A_748, %mul3A_774 : i32
    %add3A_776 = arith.constant 10 : i32
    %add3A_777 = arith.addi %mul3A_2, %add3A_776 : i32
    %dma_start3A_778 = tpu.memref_slice %arg5[%add3A_777, %mul3A_774] : memref<1024x100000xf32, #tpu.memory_space<hbm>> -> memref<1x8xf32, #tpu.memory_space<hbm>>
    %dma_start3A_779 = arith.constant 0 : i32
    %dma_start3A_780 = tpu.memref_slice %arg4[%sub3A_775, %dma_start3A_779] : memref<8x100000xf32, #tpu.memory_space<hbm>> -> memref<1x8xf32, #tpu.memory_space<hbm>>
    tpu.enqueue_dma source(%dma_start3A_780 : memref<1x8xf32, #tpu.memory_space<hbm>>) target(%dma_start3A_778 : memref<1x8xf32, #tpu.memory_space<hbm>>) target_semaphore(%arg9 : memref<!tpu.dma_semaphore, #tpu.memory_space<semaphore_mem>>)
    %get3A_781 = arith.constant 0 : index
    %get3A_782 = tpu.vector_load %arg7[%get3A_781] {strides = array<i32>} : memref<32xi32, #tpu.memory_space<vmem>>, vector<16xi32>,
    %get3A_783 = vector.shape_cast %get3A_782 : vector<16xi32> to vector<16xi32>
    %slice3A_784 = vector.extract_strided_slice %get3A_783 {offsets = [11], sizes = [1], strides = [1]} : vector<16xi32> to vector<1xi32>
    %squeeze3A_785 = vector.extract %slice3A_784[0] : i32 from vector<1xi32>
    %jit3A_786 = arith.constant 8 : i32
    %div3A_787 = arith.divsi %squeeze3A_785, %jit3A_786 : i32
    %sign3A_788 = arith.constant 0 : i32
    %sign3A_789 = arith.cmpi sgt, %squeeze3A_785, %sign3A_788 : i32
    %sign3A_790 = arith.extui %sign3A_789 : i1 to i32
    %sign3A_791 = arith.constant 0 : i32
    %sign3A_792 = arith.cmpi slt, %squeeze3A_785, %sign3A_791 : i32
    %sign3A_793 = arith.extui %sign3A_792 : i1 to i32
    %sign3A_794 = arith.subi %sign3A_790, %sign3A_793 : i32
    %sign3A_795 = arith.constant 0 : i32
    %sign3A_796 = arith.cmpi sgt, %jit3A_786, %sign3A_795 : i32
    %sign3A_797 = arith.extui %sign3A_796 : i1 to i32
    %sign3A_798 = arith.constant 0 : i32
    %sign3A_799 = arith.cmpi slt, %jit3A_786, %sign3A_798 : i32
    %sign3A_800 = arith.extui %sign3A_799 : i1 to i32
    %sign3A_801 = arith.subi %sign3A_797, %sign3A_800 : i32
    %ne3A_802 = arith.cmpi ne, %sign3A_794, %sign3A_801 : i32
    %rem3A_803 = arith.remsi %squeeze3A_785, %jit3A_786 : i32
    %ne3A_804 = arith.constant 0 : i32
    %ne3A_805 = arith.cmpi ne, %rem3A_803, %ne3A_804 : i32
    %and3A_806 = arith.andi %ne3A_802, %ne3A_805 : i1
    %sub3A_807 = arith.constant 1 : i32
    %sub3A_808 = arith.subi %div3A_787, %sub3A_807 : i32
    %select_n3A_809 = arith.select %and3A_806, %sub3A_808, %div3A_787 : i32
    %mul3A_810 = arith.constant 8 : i32
    %mul3A_811 = arith.muli %select_n3A_809, %mul3A_810 : i32
    %sub3A_812 = arith.subi %squeeze3A_785, %mul3A_811 : i32
    %add3A_813 = arith.constant 11 : i32
    %add3A_814 = arith.addi %mul3A_2, %add3A_813 : i32
    %dma_start3A_815 = tpu.memref_slice %arg5[%add3A_814, %mul3A_811] : memref<1024x100000xf32, #tpu.memory_space<hbm>> -> memref<1x8xf32, #tpu.memory_space<hbm>>
    %dma_start3A_816 = arith.constant 0 : i32
    %dma_start3A_817 = tpu.memref_slice %arg4[%sub3A_812, %dma_start3A_816] : memref<8x100000xf32, #tpu.memory_space<hbm>> -> memref<1x8xf32, #tpu.memory_space<hbm>>
    tpu.enqueue_dma source(%dma_start3A_817 : memref<1x8xf32, #tpu.memory_space<hbm>>) target(%dma_start3A_815 : memref<1x8xf32, #tpu.memory_space<hbm>>) target_semaphore(%arg9 : memref<!tpu.dma_semaphore, #tpu.memory_space<semaphore_mem>>)
    %get3A_818 = arith.constant 0 : index
    %get3A_819 = tpu.vector_load %arg7[%get3A_818] {strides = array<i32>} : memref<32xi32, #tpu.memory_space<vmem>>, vector<16xi32>,
    %get3A_820 = vector.shape_cast %get3A_819 : vector<16xi32> to vector<16xi32>
    %slice3A_821 = vector.extract_strided_slice %get3A_820 {offsets = [12], sizes = [1], strides = [1]} : vector<16xi32> to vector<1xi32>
    %squeeze3A_822 = vector.extract %slice3A_821[0] : i32 from vector<1xi32>
    %jit3A_823 = arith.constant 8 : i32
    %div3A_824 = arith.divsi %squeeze3A_822, %jit3A_823 : i32
    %sign3A_825 = arith.constant 0 : i32
    %sign3A_826 = arith.cmpi sgt, %squeeze3A_822, %sign3A_825 : i32
    %sign3A_827 = arith.extui %sign3A_826 : i1 to i32
    %sign3A_828 = arith.constant 0 : i32
    %sign3A_829 = arith.cmpi slt, %squeeze3A_822, %sign3A_828 : i32
    %sign3A_830 = arith.extui %sign3A_829 : i1 to i32
    %sign3A_831 = arith.subi %sign3A_827, %sign3A_830 : i32
    %sign3A_832 = arith.constant 0 : i32
    %sign3A_833 = arith.cmpi sgt, %jit3A_823, %sign3A_832 : i32
    %sign3A_834 = arith.extui %sign3A_833 : i1 to i32
    %sign3A_835 = arith.constant 0 : i32
    %sign3A_836 = arith.cmpi slt, %jit3A_823, %sign3A_835 : i32
    %sign3A_837 = arith.extui %sign3A_836 : i1 to i32
    %sign3A_838 = arith.subi %sign3A_834, %sign3A_837 : i32
    %ne3A_839 = arith.cmpi ne, %sign3A_831, %sign3A_838 : i32
    %rem3A_840 = arith.remsi %squeeze3A_822, %jit3A_823 : i32
    %ne3A_841 = arith.constant 0 : i32
    %ne3A_842 = arith.cmpi ne, %rem3A_840, %ne3A_841 : i32
    %and3A_843 = arith.andi %ne3A_839, %ne3A_842 : i1
    %sub3A_844 = arith.constant 1 : i32
    %sub3A_845 = arith.subi %div3A_824, %sub3A_844 : i32
    %select_n3A_846 = arith.select %and3A_843, %sub3A_845, %div3A_824 : i32
    %mul3A_847 = arith.constant 8 : i32
    %mul3A_848 = arith.muli %select_n3A_846, %mul3A_847 : i32
    %sub3A_849 = arith.subi %squeeze3A_822, %mul3A_848 : i32
    %add3A_850 = arith.constant 12 : i32
    %add3A_851 = arith.addi %mul3A_2, %add3A_850 : i32
    %dma_start3A_852 = tpu.memref_slice %arg5[%add3A_851, %mul3A_848] : memref<1024x100000xf32, #tpu.memory_space<hbm>> -> memref<1x8xf32, #tpu.memory_space<hbm>>
    %dma_start3A_853 = arith.constant 0 : i32
    %dma_start3A_854 = tpu.memref_slice %arg4[%sub3A_849, %dma_start3A_853] : memref<8x100000xf32, #tpu.memory_space<hbm>> -> memref<1x8xf32, #tpu.memory_space<hbm>>
    tpu.enqueue_dma source(%dma_start3A_854 : memref<1x8xf32, #tpu.memory_space<hbm>>) target(%dma_start3A_852 : memref<1x8xf32, #tpu.memory_space<hbm>>) target_semaphore(%arg9 : memref<!tpu.dma_semaphore, #tpu.memory_space<semaphore_mem>>)
    %get3A_855 = arith.constant 0 : index
    %get3A_856 = tpu.vector_load %arg7[%get3A_855] {strides = array<i32>} : memref<32xi32, #tpu.memory_space<vmem>>, vector<16xi32>,
    %get3A_857 = vector.shape_cast %get3A_856 : vector<16xi32> to vector<16xi32>
    %slice3A_858 = vector.extract_strided_slice %get3A_857 {offsets = [13], sizes = [1], strides = [1]} : vector<16xi32> to vector<1xi32>
    %squeeze3A_859 = vector.extract %slice3A_858[0] : i32 from vector<1xi32>
    %jit3A_860 = arith.constant 8 : i32
    %div3A_861 = arith.divsi %squeeze3A_859, %jit3A_860 : i32
    %sign3A_862 = arith.constant 0 : i32
    %sign3A_863 = arith.cmpi sgt, %squeeze3A_859, %sign3A_862 : i32
    %sign3A_864 = arith.extui %sign3A_863 : i1 to i32
    %sign3A_865 = arith.constant 0 : i32
    %sign3A_866 = arith.cmpi slt, %squeeze3A_859, %sign3A_865 : i32
    %sign3A_867 = arith.extui %sign3A_866 : i1 to i32
    %sign3A_868 = arith.subi %sign3A_864, %sign3A_867 : i32
    %sign3A_869 = arith.constant 0 : i32
    %sign3A_870 = arith.cmpi sgt, %jit3A_860, %sign3A_869 : i32
    %sign3A_871 = arith.extui %sign3A_870 : i1 to i32
    %sign3A_872 = arith.constant 0 : i32
    %sign3A_873 = arith.cmpi slt, %jit3A_860, %sign3A_872 : i32
    %sign3A_874 = arith.extui %sign3A_873 : i1 to i32
    %sign3A_875 = arith.subi %sign3A_871, %sign3A_874 : i32
    %ne3A_876 = arith.cmpi ne, %sign3A_868, %sign3A_875 : i32
    %rem3A_877 = arith.remsi %squeeze3A_859, %jit3A_860 : i32
    %ne3A_878 = arith.constant 0 : i32
    %ne3A_879 = arith.cmpi ne, %rem3A_877, %ne3A_878 : i32
    %and3A_880 = arith.andi %ne3A_876, %ne3A_879 : i1
    %sub3A_881 = arith.constant 1 : i32
    %sub3A_882 = arith.subi %div3A_861, %sub3A_881 : i32
    %select_n3A_883 = arith.select %and3A_880, %sub3A_882, %div3A_861 : i32
    %mul3A_884 = arith.constant 8 : i32
    %mul3A_885 = arith.muli %select_n3A_883, %mul3A_884 : i32
    %sub3A_886 = arith.subi %squeeze3A_859, %mul3A_885 : i32
    %add3A_887 = arith.constant 13 : i32
    %add3A_888 = arith.addi %mul3A_2, %add3A_887 : i32
    %dma_start3A_889 = tpu.memref_slice %arg5[%add3A_888, %mul3A_885] : memref<1024x100000xf32, #tpu.memory_space<hbm>> -> memref<1x8xf32, #tpu.memory_space<hbm>>
    %dma_start3A_890 = arith.constant 0 : i32
    %dma_start3A_891 = tpu.memref_slice %arg4[%sub3A_886, %dma_start3A_890] : memref<8x100000xf32, #tpu.memory_space<hbm>> -> memref<1x8xf32, #tpu.memory_space<hbm>>
    tpu.enqueue_dma source(%dma_start3A_891 : memref<1x8xf32, #tpu.memory_space<hbm>>) target(%dma_start3A_889 : memref<1x8xf32, #tpu.memory_space<hbm>>) target_semaphore(%arg9 : memref<!tpu.dma_semaphore, #tpu.memory_space<semaphore_mem>>)
    %get3A_892 = arith.constant 0 : index
    %get3A_893 = tpu.vector_load %arg7[%get3A_892] {strides = array<i32>} : memref<32xi32, #tpu.memory_space<vmem>>, vector<16xi32>,
    %get3A_894 = vector.shape_cast %get3A_893 : vector<16xi32> to vector<16xi32>
    %slice3A_895 = vector.extract_strided_slice %get3A_894 {offsets = [14], sizes = [1], strides = [1]} : vector<16xi32> to vector<1xi32>
    %squeeze3A_896 = vector.extract %slice3A_895[0] : i32 from vector<1xi32>
    %jit3A_897 = arith.constant 8 : i32
    %div3A_898 = arith.divsi %squeeze3A_896, %jit3A_897 : i32
    %sign3A_899 = arith.constant 0 : i32
    %sign3A_900 = arith.cmpi sgt, %squeeze3A_896, %sign3A_899 : i32
    %sign3A_901 = arith.extui %sign3A_900 : i1 to i32
    %sign3A_902 = arith.constant 0 : i32
    %sign3A_903 = arith.cmpi slt, %squeeze3A_896, %sign3A_902 : i32
    %sign3A_904 = arith.extui %sign3A_903 : i1 to i32
    %sign3A_905 = arith.subi %sign3A_901, %sign3A_904 : i32
    %sign3A_906 = arith.constant 0 : i32
    %sign3A_907 = arith.cmpi sgt, %jit3A_897, %sign3A_906 : i32
    %sign3A_908 = arith.extui %sign3A_907 : i1 to i32
    %sign3A_909 = arith.constant 0 : i32
    %sign3A_910 = arith.cmpi slt, %jit3A_897, %sign3A_909 : i32
    %sign3A_911 = arith.extui %sign3A_910 : i1 to i32
    %sign3A_912 = arith.subi %sign3A_908, %sign3A_911 : i32
    %ne3A_913 = arith.cmpi ne, %sign3A_905, %sign3A_912 : i32
    %rem3A_914 = arith.remsi %squeeze3A_896, %jit3A_897 : i32
    %ne3A_915 = arith.constant 0 : i32
    %ne3A_916 = arith.cmpi ne, %rem3A_914, %ne3A_915 : i32
    %and3A_917 = arith.andi %ne3A_913, %ne3A_916 : i1
    %sub3A_918 = arith.constant 1 : i32
    %sub3A_919 = arith.subi %div3A_898, %sub3A_918 : i32
    %select_n3A_920 = arith.select %and3A_917, %sub3A_919, %div3A_898 : i32
    %mul3A_921 = arith.constant 8 : i32
    %mul3A_922 = arith.muli %select_n3A_920, %mul3A_921 : i32
    %sub3A_923 = arith.subi %squeeze3A_896, %mul3A_922 : i32
    %add3A_924 = arith.constant 14 : i32
    %add3A_925 = arith.addi %mul3A_2, %add3A_924 : i32
    %dma_start3A_926 = tpu.memref_slice %arg5[%add3A_925, %mul3A_922] : memref<1024x100000xf32, #tpu.memory_space<hbm>> -> memref<1x8xf32, #tpu.memory_space<hbm>>
    %dma_start3A_927 = arith.constant 0 : i32
    %dma_start3A_928 = tpu.memref_slice %arg4[%sub3A_923, %dma_start3A_927] : memref<8x100000xf32, #tpu.memory_space<hbm>> -> memref<1x8xf32, #tpu.memory_space<hbm>>
    tpu.enqueue_dma source(%dma_start3A_928 : memref<1x8xf32, #tpu.memory_space<hbm>>) target(%dma_start3A_926 : memref<1x8xf32, #tpu.memory_space<hbm>>) target_semaphore(%arg9 : memref<!tpu.dma_semaphore, #tpu.memory_space<semaphore_mem>>)
    %get3A_929 = arith.constant 0 : index
    %get3A_930 = tpu.vector_load %arg7[%get3A_929] {strides = array<i32>} : memref<32xi32, #tpu.memory_space<vmem>>, vector<16xi32>,
    %get3A_931 = vector.shape_cast %get3A_930 : vector<16xi32> to vector<16xi32>
    %slice3A_932 = vector.extract_strided_slice %get3A_931 {offsets = [15], sizes = [1], strides = [1]} : vector<16xi32> to vector<1xi32>
    %squeeze3A_933 = vector.extract %slice3A_932[0] : i32 from vector<1xi32>
    %jit3A_934 = arith.constant 8 : i32
    %div3A_935 = arith.divsi %squeeze3A_933, %jit3A_934 : i32
    %sign3A_936 = arith.constant 0 : i32
    %sign3A_937 = arith.cmpi sgt, %squeeze3A_933, %sign3A_936 : i32
    %sign3A_938 = arith.extui %sign3A_937 : i1 to i32
    %sign3A_939 = arith.constant 0 : i32
    %sign3A_940 = arith.cmpi slt, %squeeze3A_933, %sign3A_939 : i32
    %sign3A_941 = arith.extui %sign3A_940 : i1 to i32
    %sign3A_942 = arith.subi %sign3A_938, %sign3A_941 : i32
    %sign3A_943 = arith.constant 0 : i32
    %sign3A_944 = arith.cmpi sgt, %jit3A_934, %sign3A_943 : i32
    %sign3A_945 = arith.extui %sign3A_944 : i1 to i32
    %sign3A_946 = arith.constant 0 : i32
    %sign3A_947 = arith.cmpi slt, %jit3A_934, %sign3A_946 : i32
    %sign3A_948 = arith.extui %sign3A_947 : i1 to i32
    %sign3A_949 = arith.subi %sign3A_945, %sign3A_948 : i32
    %ne3A_950 = arith.cmpi ne, %sign3A_942, %sign3A_949 : i32
    %rem3A_951 = arith.remsi %squeeze3A_933, %jit3A_934 : i32
    %ne3A_952 = arith.constant 0 : i32
    %ne3A_953 = arith.cmpi ne, %rem3A_951, %ne3A_952 : i32
    %and3A_954 = arith.andi %ne3A_950, %ne3A_953 : i1
    %sub3A_955 = arith.constant 1 : i32
    %sub3A_956 = arith.subi %div3A_935, %sub3A_955 : i32
    %select_n3A_957 = arith.select %and3A_954, %sub3A_956, %div3A_935 : i32
    %mul3A_958 = arith.constant 8 : i32
    %mul3A_959 = arith.muli %select_n3A_957, %mul3A_958 : i32
    %sub3A_960 = arith.subi %squeeze3A_933, %mul3A_959 : i32
    %add3A_961 = arith.constant 15 : i32
    %add3A_962 = arith.addi %mul3A_2, %add3A_961 : i32
    %dma_start3A_963 = tpu.memref_slice %arg5[%add3A_962, %mul3A_959] : memref<1024x100000xf32, #tpu.memory_space<hbm>> -> memref<1x8xf32, #tpu.memory_space<hbm>>
    %dma_start3A_964 = arith.constant 0 : i32
    %dma_start3A_965 = tpu.memref_slice %arg4[%sub3A_960, %dma_start3A_964] : memref<8x100000xf32, #tpu.memory_space<hbm>> -> memref<1x8xf32, #tpu.memory_space<hbm>>
    tpu.enqueue_dma source(%dma_start3A_965 : memref<1x8xf32, #tpu.memory_space<hbm>>) target(%dma_start3A_963 : memref<1x8xf32, #tpu.memory_space<hbm>>) target_semaphore(%arg9 : memref<!tpu.dma_semaphore, #tpu.memory_space<semaphore_mem>>)
    %get3A_966 = arith.constant 16 : index
    %get3A_967 = tpu.vector_load %arg7[%get3A_966] {strides = array<i32>} : memref<32xi32, #tpu.memory_space<vmem>>, vector<16xi32>,
    %get3A_968 = vector.shape_cast %get3A_967 : vector<16xi32> to vector<16xi32>
    %slice3A_969 = vector.extract_strided_slice %get3A_968 {offsets = [0], sizes = [1], strides = [1]} : vector<16xi32> to vector<1xi32>
    %squeeze3A_970 = vector.extract %slice3A_969[0] : i32 from vector<1xi32>
    %jit3A_971 = arith.constant 8 : i32
    %div3A_972 = arith.divsi %squeeze3A_970, %jit3A_971 : i32
    %sign3A_973 = arith.constant 0 : i32
    %sign3A_974 = arith.cmpi sgt, %squeeze3A_970, %sign3A_973 : i32
    %sign3A_975 = arith.extui %sign3A_974 : i1 to i32
    %sign3A_976 = arith.constant 0 : i32
    %sign3A_977 = arith.cmpi slt, %squeeze3A_970, %sign3A_976 : i32
    %sign3A_978 = arith.extui %sign3A_977 : i1 to i32
    %sign3A_979 = arith.subi %sign3A_975, %sign3A_978 : i32
    %sign3A_980 = arith.constant 0 : i32
    %sign3A_981 = arith.cmpi sgt, %jit3A_971, %sign3A_980 : i32
    %sign3A_982 = arith.extui %sign3A_981 : i1 to i32
    %sign3A_983 = arith.constant 0 : i32
    %sign3A_984 = arith.cmpi slt, %jit3A_971, %sign3A_983 : i32
    %sign3A_985 = arith.extui %sign3A_984 : i1 to i32
    %sign3A_986 = arith.subi %sign3A_982, %sign3A_985 : i32
    %ne3A_987 = arith.cmpi ne, %sign3A_979, %sign3A_986 : i32
    %rem3A_988 = arith.remsi %squeeze3A_970, %jit3A_971 : i32
    %ne3A_989 = arith.constant 0 : i32
    %ne3A_990 = arith.cmpi ne, %rem3A_988, %ne3A_989 : i32
    %and3A_991 = arith.andi %ne3A_987, %ne3A_990 : i1
    %sub3A_992 = arith.constant 1 : i32
    %sub3A_993 = arith.subi %div3A_972, %sub3A_992 : i32
    %select_n3A_994 = arith.select %and3A_991, %sub3A_993, %div3A_972 : i32
    %mul3A_995 = arith.constant 8 : i32
    %mul3A_996 = arith.muli %select_n3A_994, %mul3A_995 : i32
    %sub3A_997 = arith.subi %squeeze3A_970, %mul3A_996 : i32
    %add3A_998 = arith.constant 16 : i32
    %add3A_999 = arith.addi %mul3A_2, %add3A_998 : i32
    %dma_start3A_1000 = tpu.memref_slice %arg5[%add3A_999, %mul3A_996] : memref<1024x100000xf32, #tpu.memory_space<hbm>> -> memref<1x8xf32, #tpu.memory_space<hbm>>
    %dma_start3A_1001 = arith.constant 0 : i32
    %dma_start3A_1002 = tpu.memref_slice %arg4[%sub3A_997, %dma_start3A_1001] : memref<8x100000xf32, #tpu.memory_space<hbm>> -> memref<1x8xf32, #tpu.memory_space<hbm>>
    tpu.enqueue_dma source(%dma_start3A_1002 : memref<1x8xf32, #tpu.memory_space<hbm>>) target(%dma_start3A_1000 : memref<1x8xf32, #tpu.memory_space<hbm>>) target_semaphore(%arg9 : memref<!tpu.dma_semaphore, #tpu.memory_space<semaphore_mem>>)
    %get3A_1003 = arith.constant 16 : index
    %get3A_1004 = tpu.vector_load %arg7[%get3A_1003] {strides = array<i32>} : memref<32xi32, #tpu.memory_space<vmem>>, vector<16xi32>,
    %get3A_1005 = vector.shape_cast %get3A_1004 : vector<16xi32> to vector<16xi32>
    %slice3A_1006 = vector.extract_strided_slice %get3A_1005 {offsets = [1], sizes = [1], strides = [1]} : vector<16xi32> to vector<1xi32>
    %squeeze3A_1007 = vector.extract %slice3A_1006[0] : i32 from vector<1xi32>
    %jit3A_1008 = arith.constant 8 : i32
    %div3A_1009 = arith.divsi %squeeze3A_1007, %jit3A_1008 : i32
    %sign3A_1010 = arith.constant 0 : i32
    %sign3A_1011 = arith.cmpi sgt, %squeeze3A_1007, %sign3A_1010 : i32
    %sign3A_1012 = arith.extui %sign3A_1011 : i1 to i32
    %sign3A_1013 = arith.constant 0 : i32
    %sign3A_1014 = arith.cmpi slt, %squeeze3A_1007, %sign3A_1013 : i32
    %sign3A_1015 = arith.extui %sign3A_1014 : i1 to i32
    %sign3A_1016 = arith.subi %sign3A_1012, %sign3A_1015 : i32
    %sign3A_1017 = arith.constant 0 : i32
    %sign3A_1018 = arith.cmpi sgt, %jit3A_1008, %sign3A_1017 : i32
    %sign3A_1019 = arith.extui %sign3A_1018 : i1 to i32
    %sign3A_1020 = arith.constant 0 : i32
    %sign3A_1021 = arith.cmpi slt, %jit3A_1008, %sign3A_1020 : i32
    %sign3A_1022 = arith.extui %sign3A_1021 : i1 to i32
    %sign3A_1023 = arith.subi %sign3A_1019, %sign3A_1022 : i32
    %ne3A_1024 = arith.cmpi ne, %sign3A_1016, %sign3A_1023 : i32
    %rem3A_1025 = arith.remsi %squeeze3A_1007, %jit3A_1008 : i32
    %ne3A_1026 = arith.constant 0 : i32
    %ne3A_1027 = arith.cmpi ne, %rem3A_1025, %ne3A_1026 : i32
    %and3A_1028 = arith.andi %ne3A_1024, %ne3A_1027 : i1
    %sub3A_1029 = arith.constant 1 : i32
    %sub3A_1030 = arith.subi %div3A_1009, %sub3A_1029 : i32
    %select_n3A_1031 = arith.select %and3A_1028, %sub3A_1030, %div3A_1009 : i32
    %mul3A_1032 = arith.constant 8 : i32
    %mul3A_1033 = arith.muli %select_n3A_1031, %mul3A_1032 : i32
    %sub3A_1034 = arith.subi %squeeze3A_1007, %mul3A_1033 : i32
    %add3A_1035 = arith.constant 17 : i32
    %add3A_1036 = arith.addi %mul3A_2, %add3A_1035 : i32
    %dma_start3A_1037 = tpu.memref_slice %arg5[%add3A_1036, %mul3A_1033] : memref<1024x100000xf32, #tpu.memory_space<hbm>> -> memref<1x8xf32, #tpu.memory_space<hbm>>
    %dma_start3A_1038 = arith.constant 0 : i32
    %dma_start3A_1039 = tpu.memref_slice %arg4[%sub3A_1034, %dma_start3A_1038] : memref<8x100000xf32, #tpu.memory_space<hbm>> -> memref<1x8xf32, #tpu.memory_space<hbm>>
    tpu.enqueue_dma source(%dma_start3A_1039 : memref<1x8xf32, #tpu.memory_space<hbm>>) target(%dma_start3A_1037 : memref<1x8xf32, #tpu.memory_space<hbm>>) target_semaphore(%arg9 : memref<!tpu.dma_semaphore, #tpu.memory_space<semaphore_mem>>)
    %get3A_1040 = arith.constant 16 : index
    %get3A_1041 = tpu.vector_load %arg7[%get3A_1040] {strides = array<i32>} : memref<32xi32, #tpu.memory_space<vmem>>, vector<16xi32>,
    %get3A_1042 = vector.shape_cast %get3A_1041 : vector<16xi32> to vector<16xi32>
    %slice3A_1043 = vector.extract_strided_slice %get3A_1042 {offsets = [2], sizes = [1], strides = [1]} : vector<16xi32> to vector<1xi32>
    %squeeze3A_1044 = vector.extract %slice3A_1043[0] : i32 from vector<1xi32>
    %jit3A_1045 = arith.constant 8 : i32
    %div3A_1046 = arith.divsi %squeeze3A_1044, %jit3A_1045 : i32
    %sign3A_1047 = arith.constant 0 : i32
    %sign3A_1048 = arith.cmpi sgt, %squeeze3A_1044, %sign3A_1047 : i32
    %sign3A_1049 = arith.extui %sign3A_1048 : i1 to i32
    %sign3A_1050 = arith.constant 0 : i32
    %sign3A_1051 = arith.cmpi slt, %squeeze3A_1044, %sign3A_1050 : i32
    %sign3A_1052 = arith.extui %sign3A_1051 : i1 to i32
    %sign3A_1053 = arith.subi %sign3A_1049, %sign3A_1052 : i32
    %sign3A_1054 = arith.constant 0 : i32
    %sign3A_1055 = arith.cmpi sgt, %jit3A_1045, %sign3A_1054 : i32
    %sign3A_1056 = arith.extui %sign3A_1055 : i1 to i32
    %sign3A_1057 = arith.constant 0 : i32
    %sign3A_1058 = arith.cmpi slt, %jit3A_1045, %sign3A_1057 : i32
    %sign3A_1059 = arith.extui %sign3A_1058 : i1 to i32
    %sign3A_1060 = arith.subi %sign3A_1056, %sign3A_1059 : i32
    %ne3A_1061 = arith.cmpi ne, %sign3A_1053, %sign3A_1060 : i32
    %rem3A_1062 = arith.remsi %squeeze3A_1044, %jit3A_1045 : i32
    %ne3A_1063 = arith.constant 0 : i32
    %ne3A_1064 = arith.cmpi ne, %rem3A_1062, %ne3A_1063 : i32
    %and3A_1065 = arith.andi %ne3A_1061, %ne3A_1064 : i1
    %sub3A_1066 = arith.constant 1 : i32
    %sub3A_1067 = arith.subi %div3A_1046, %sub3A_1066 : i32
    %select_n3A_1068 = arith.select %and3A_1065, %sub3A_1067, %div3A_1046 : i32
    %mul3A_1069 = arith.constant 8 : i32
    %mul3A_1070 = arith.muli %select_n3A_1068, %mul3A_1069 : i32
    %sub3A_1071 = arith.subi %squeeze3A_1044, %mul3A_1070 : i32
    %add3A_1072 = arith.constant 18 : i32
    %add3A_1073 = arith.addi %mul3A_2, %add3A_1072 : i32
    %dma_start3A_1074 = tpu.memref_slice %arg5[%add3A_1073, %mul3A_1070] : memref<1024x100000xf32, #tpu.memory_space<hbm>> -> memref<1x8xf32, #tpu.memory_space<hbm>>
    %dma_start3A_1075 = arith.constant 0 : i32
    %dma_start3A_1076 = tpu.memref_slice %arg4[%sub3A_1071, %dma_start3A_1075] : memref<8x100000xf32, #tpu.memory_space<hbm>> -> memref<1x8xf32, #tpu.memory_space<hbm>>
    tpu.enqueue_dma source(%dma_start3A_1076 : memref<1x8xf32, #tpu.memory_space<hbm>>) target(%dma_start3A_1074 : memref<1x8xf32, #tpu.memory_space<hbm>>) target_semaphore(%arg9 : memref<!tpu.dma_semaphore, #tpu.memory_space<semaphore_mem>>)
    %get3A_1077 = arith.constant 16 : index
    %get3A_1078 = tpu.vector_load %arg7[%get3A_1077] {strides = array<i32>} : memref<32xi32, #tpu.memory_space<vmem>>, vector<16xi32>,
    %get3A_1079 = vector.shape_cast %get3A_1078 : vector<16xi32> to vector<16xi32>
    %slice3A_1080 = vector.extract_strided_slice %get3A_1079 {offsets = [3], sizes = [1], strides = [1]} : vector<16xi32> to vector<1xi32>
    %squeeze3A_1081 = vector.extract %slice3A_1080[0] : i32 from vector<1xi32>
    %jit3A_1082 = arith.constant 8 : i32
    %div3A_1083 = arith.divsi %squeeze3A_1081, %jit3A_1082 : i32
    %sign3A_1084 = arith.constant 0 : i32
    %sign3A_1085 = arith.cmpi sgt, %squeeze3A_1081, %sign3A_1084 : i32
    %sign3A_1086 = arith.extui %sign3A_1085 : i1 to i32
    %sign3A_1087 = arith.constant 0 : i32
    %sign3A_1088 = arith.cmpi slt, %squeeze3A_1081, %sign3A_1087 : i32
    %sign3A_1089 = arith.extui %sign3A_1088 : i1 to i32
    %sign3A_1090 = arith.subi %sign3A_1086, %sign3A_1089 : i32
    %sign3A_1091 = arith.constant 0 : i32
    %sign3A_1092 = arith.cmpi sgt, %jit3A_1082, %sign3A_1091 : i32
    %sign3A_1093 = arith.extui %sign3A_1092 : i1 to i32
    %sign3A_1094 = arith.constant 0 : i32
    %sign3A_1095 = arith.cmpi slt, %jit3A_1082, %sign3A_1094 : i32
    %sign3A_1096 = arith.extui %sign3A_1095 : i1 to i32
    %sign3A_1097 = arith.subi %sign3A_1093, %sign3A_1096 : i32
    %ne3A_1098 = arith.cmpi ne, %sign3A_1090, %sign3A_1097 : i32
    %rem3A_1099 = arith.remsi %squeeze3A_1081, %jit3A_1082 : i32
    %ne3A_1100 = arith.constant 0 : i32
    %ne3A_1101 = arith.cmpi ne, %rem3A_1099, %ne3A_1100 : i32
    %and3A_1102 = arith.andi %ne3A_1098, %ne3A_1101 : i1
    %sub3A_1103 = arith.constant 1 : i32
    %sub3A_1104 = arith.subi %div3A_1083, %sub3A_1103 : i32
    %select_n3A_1105 = arith.select %and3A_1102, %sub3A_1104, %div3A_1083 : i32
    %mul3A_1106 = arith.constant 8 : i32
    %mul3A_1107 = arith.muli %select_n3A_1105, %mul3A_1106 : i32
    %sub3A_1108 = arith.subi %squeeze3A_1081, %mul3A_1107 : i32
    %add3A_1109 = arith.constant 19 : i32
    %add3A_1110 = arith.addi %mul3A_2, %add3A_1109 : i32
    %dma_start3A_1111 = tpu.memref_slice %arg5[%add3A_1110, %mul3A_1107] : memref<1024x100000xf32, #tpu.memory_space<hbm>> -> memref<1x8xf32, #tpu.memory_space<hbm>>
    %dma_start3A_1112 = arith.constant 0 : i32
    %dma_start3A_1113 = tpu.memref_slice %arg4[%sub3A_1108, %dma_start3A_1112] : memref<8x100000xf32, #tpu.memory_space<hbm>> -> memref<1x8xf32, #tpu.memory_space<hbm>>
    tpu.enqueue_dma source(%dma_start3A_1113 : memref<1x8xf32, #tpu.memory_space<hbm>>) target(%dma_start3A_1111 : memref<1x8xf32, #tpu.memory_space<hbm>>) target_semaphore(%arg9 : memref<!tpu.dma_semaphore, #tpu.memory_space<semaphore_mem>>)
    %get3A_1114 = arith.constant 16 : index
    %get3A_1115 = tpu.vector_load %arg7[%get3A_1114] {strides = array<i32>} : memref<32xi32, #tpu.memory_space<vmem>>, vector<16xi32>,
    %get3A_1116 = vector.shape_cast %get3A_1115 : vector<16xi32> to vector<16xi32>
    %slice3A_1117 = vector.extract_strided_slice %get3A_1116 {offsets = [4], sizes = [1], strides = [1]} : vector<16xi32> to vector<1xi32>
    %squeeze3A_1118 = vector.extract %slice3A_1117[0] : i32 from vector<1xi32>
    %jit3A_1119 = arith.constant 8 : i32
    %div3A_1120 = arith.divsi %squeeze3A_1118, %jit3A_1119 : i32
    %sign3A_1121 = arith.constant 0 : i32
    %sign3A_1122 = arith.cmpi sgt, %squeeze3A_1118, %sign3A_1121 : i32
    %sign3A_1123 = arith.extui %sign3A_1122 : i1 to i32
    %sign3A_1124 = arith.constant 0 : i32
    %sign3A_1125 = arith.cmpi slt, %squeeze3A_1118, %sign3A_1124 : i32
    %sign3A_1126 = arith.extui %sign3A_1125 : i1 to i32
    %sign3A_1127 = arith.subi %sign3A_1123, %sign3A_1126 : i32
    %sign3A_1128 = arith.constant 0 : i32
    %sign3A_1129 = arith.cmpi sgt, %jit3A_1119, %sign3A_1128 : i32
    %sign3A_1130 = arith.extui %sign3A_1129 : i1 to i32
    %sign3A_1131 = arith.constant 0 : i32
    %sign3A_1132 = arith.cmpi slt, %jit3A_1119, %sign3A_1131 : i32
    %sign3A_1133 = arith.extui %sign3A_1132 : i1 to i32
    %sign3A_1134 = arith.subi %sign3A_1130, %sign3A_1133 : i32
    %ne3A_1135 = arith.cmpi ne, %sign3A_1127, %sign3A_1134 : i32
    %rem3A_1136 = arith.remsi %squeeze3A_1118, %jit3A_1119 : i32
    %ne3A_1137 = arith.constant 0 : i32
    %ne3A_1138 = arith.cmpi ne, %rem3A_1136, %ne3A_1137 : i32
    %and3A_1139 = arith.andi %ne3A_1135, %ne3A_1138 : i1
    %sub3A_1140 = arith.constant 1 : i32
    %sub3A_1141 = arith.subi %div3A_1120, %sub3A_1140 : i32
    %select_n3A_1142 = arith.select %and3A_1139, %sub3A_1141, %div3A_1120 : i32
    %mul3A_1143 = arith.constant 8 : i32
    %mul3A_1144 = arith.muli %select_n3A_1142, %mul3A_1143 : i32
    %sub3A_1145 = arith.subi %squeeze3A_1118, %mul3A_1144 : i32
    %add3A_1146 = arith.constant 20 : i32
    %add3A_1147 = arith.addi %mul3A_2, %add3A_1146 : i32
    %dma_start3A_1148 = tpu.memref_slice %arg5[%add3A_1147, %mul3A_1144] : memref<1024x100000xf32, #tpu.memory_space<hbm>> -> memref<1x8xf32, #tpu.memory_space<hbm>>
    %dma_start3A_1149 = arith.constant 0 : i32
    %dma_start3A_1150 = tpu.memref_slice %arg4[%sub3A_1145, %dma_start3A_1149] : memref<8x100000xf32, #tpu.memory_space<hbm>> -> memref<1x8xf32, #tpu.memory_space<hbm>>
    tpu.enqueue_dma source(%dma_start3A_1150 : memref<1x8xf32, #tpu.memory_space<hbm>>) target(%dma_start3A_1148 : memref<1x8xf32, #tpu.memory_space<hbm>>) target_semaphore(%arg9 : memref<!tpu.dma_semaphore, #tpu.memory_space<semaphore_mem>>)
    %get3A_1151 = arith.constant 16 : index
    %get3A_1152 = tpu.vector_load %arg7[%get3A_1151] {strides = array<i32>} : memref<32xi32, #tpu.memory_space<vmem>>, vector<16xi32>,
    %get3A_1153 = vector.shape_cast %get3A_1152 : vector<16xi32> to vector<16xi32>
    %slice3A_1154 = vector.extract_strided_slice %get3A_1153 {offsets = [5], sizes = [1], strides = [1]} : vector<16xi32> to vector<1xi32>
    %squeeze3A_1155 = vector.extract %slice3A_1154[0] : i32 from vector<1xi32>
    %jit3A_1156 = arith.constant 8 : i32
    %div3A_1157 = arith.divsi %squeeze3A_1155, %jit3A_1156 : i32
    %sign3A_1158 = arith.constant 0 : i32
    %sign3A_1159 = arith.cmpi sgt, %squeeze3A_1155, %sign3A_1158 : i32
    %sign3A_1160 = arith.extui %sign3A_1159 : i1 to i32
    %sign3A_1161 = arith.constant 0 : i32
    %sign3A_1162 = arith.cmpi slt, %squeeze3A_1155, %sign3A_1161 : i32
    %sign3A_1163 = arith.extui %sign3A_1162 : i1 to i32
    %sign3A_1164 = arith.subi %sign3A_1160, %sign3A_1163 : i32
    %sign3A_1165 = arith.constant 0 : i32
    %sign3A_1166 = arith.cmpi sgt, %jit3A_1156, %sign3A_1165 : i32
    %sign3A_1167 = arith.extui %sign3A_1166 : i1 to i32
    %sign3A_1168 = arith.constant 0 : i32
    %sign3A_1169 = arith.cmpi slt, %jit3A_1156, %sign3A_1168 : i32
    %sign3A_1170 = arith.extui %sign3A_1169 : i1 to i32
    %sign3A_1171 = arith.subi %sign3A_1167, %sign3A_1170 : i32
    %ne3A_1172 = arith.cmpi ne, %sign3A_1164, %sign3A_1171 : i32
    %rem3A_1173 = arith.remsi %squeeze3A_1155, %jit3A_1156 : i32
    %ne3A_1174 = arith.constant 0 : i32
    %ne3A_1175 = arith.cmpi ne, %rem3A_1173, %ne3A_1174 : i32
    %and3A_1176 = arith.andi %ne3A_1172, %ne3A_1175 : i1
    %sub3A_1177 = arith.constant 1 : i32
    %sub3A_1178 = arith.subi %div3A_1157, %sub3A_1177 : i32
    %select_n3A_1179 = arith.select %and3A_1176, %sub3A_1178, %div3A_1157 : i32
    %mul3A_1180 = arith.constant 8 : i32
    %mul3A_1181 = arith.muli %select_n3A_1179, %mul3A_1180 : i32
    %sub3A_1182 = arith.subi %squeeze3A_1155, %mul3A_1181 : i32
    %add3A_1183 = arith.constant 21 : i32
    %add3A_1184 = arith.addi %mul3A_2, %add3A_1183 : i32
    %dma_start3A_1185 = tpu.memref_slice %arg5[%add3A_1184, %mul3A_1181] : memref<1024x100000xf32, #tpu.memory_space<hbm>> -> memref<1x8xf32, #tpu.memory_space<hbm>>
    %dma_start3A_1186 = arith.constant 0 : i32
    %dma_start3A_1187 = tpu.memref_slice %arg4[%sub3A_1182, %dma_start3A_1186] : memref<8x100000xf32, #tpu.memory_space<hbm>> -> memref<1x8xf32, #tpu.memory_space<hbm>>
    tpu.enqueue_dma source(%dma_start3A_1187 : memref<1x8xf32, #tpu.memory_space<hbm>>) target(%dma_start3A_1185 : memref<1x8xf32, #tpu.memory_space<hbm>>) target_semaphore(%arg9 : memref<!tpu.dma_semaphore, #tpu.memory_space<semaphore_mem>>)
    %get3A_1188 = arith.constant 16 : index
    %get3A_1189 = tpu.vector_load %arg7[%get3A_1188] {strides = array<i32>} : memref<32xi32, #tpu.memory_space<vmem>>, vector<16xi32>,
    %get3A_1190 = vector.shape_cast %get3A_1189 : vector<16xi32> to vector<16xi32>
    %slice3A_1191 = vector.extract_strided_slice %get3A_1190 {offsets = [6], sizes = [1], strides = [1]} : vector<16xi32> to vector<1xi32>
    %squeeze3A_1192 = vector.extract %slice3A_1191[0] : i32 from vector<1xi32>
    %jit3A_1193 = arith.constant 8 : i32
    %div3A_1194 = arith.divsi %squeeze3A_1192, %jit3A_1193 : i32
    %sign3A_1195 = arith.constant 0 : i32
    %sign3A_1196 = arith.cmpi sgt, %squeeze3A_1192, %sign3A_1195 : i32
    %sign3A_1197 = arith.extui %sign3A_1196 : i1 to i32
    %sign3A_1198 = arith.constant 0 : i32
    %sign3A_1199 = arith.cmpi slt, %squeeze3A_1192, %sign3A_1198 : i32
    %sign3A_1200 = arith.extui %sign3A_1199 : i1 to i32
    %sign3A_1201 = arith.subi %sign3A_1197, %sign3A_1200 : i32
    %sign3A_1202 = arith.constant 0 : i32
    %sign3A_1203 = arith.cmpi sgt, %jit3A_1193, %sign3A_1202 : i32
    %sign3A_1204 = arith.extui %sign3A_1203 : i1 to i32
    %sign3A_1205 = arith.constant 0 : i32
    %sign3A_1206 = arith.cmpi slt, %jit3A_1193, %sign3A_1205 : i32
    %sign3A_1207 = arith.extui %sign3A_1206 : i1 to i32
    %sign3A_1208 = arith.subi %sign3A_1204, %sign3A_1207 : i32
    %ne3A_1209 = arith.cmpi ne, %sign3A_1201, %sign3A_1208 : i32
    %rem3A_1210 = arith.remsi %squeeze3A_1192, %jit3A_1193 : i32
    %ne3A_1211 = arith.constant 0 : i32
    %ne3A_1212 = arith.cmpi ne, %rem3A_1210, %ne3A_1211 : i32
    %and3A_1213 = arith.andi %ne3A_1209, %ne3A_1212 : i1
    %sub3A_1214 = arith.constant 1 : i32
    %sub3A_1215 = arith.subi %div3A_1194, %sub3A_1214 : i32
    %select_n3A_1216 = arith.select %and3A_1213, %sub3A_1215, %div3A_1194 : i32
    %mul3A_1217 = arith.constant 8 : i32
    %mul3A_1218 = arith.muli %select_n3A_1216, %mul3A_1217 : i32
    %sub3A_1219 = arith.subi %squeeze3A_1192, %mul3A_1218 : i32
    %add3A_1220 = arith.constant 22 : i32
    %add3A_1221 = arith.addi %mul3A_2, %add3A_1220 : i32
    %dma_start3A_1222 = tpu.memref_slice %arg5[%add3A_1221, %mul3A_1218] : memref<1024x100000xf32, #tpu.memory_space<hbm>> -> memref<1x8xf32, #tpu.memory_space<hbm>>
    %dma_start3A_1223 = arith.constant 0 : i32
    %dma_start3A_1224 = tpu.memref_slice %arg4[%sub3A_1219, %dma_start3A_1223] : memref<8x100000xf32, #tpu.memory_space<hbm>> -> memref<1x8xf32, #tpu.memory_space<hbm>>
    tpu.enqueue_dma source(%dma_start3A_1224 : memref<1x8xf32, #tpu.memory_space<hbm>>) target(%dma_start3A_1222 : memref<1x8xf32, #tpu.memory_space<hbm>>) target_semaphore(%arg9 : memref<!tpu.dma_semaphore, #tpu.memory_space<semaphore_mem>>)
    %get3A_1225 = arith.constant 16 : index
    %get3A_1226 = tpu.vector_load %arg7[%get3A_1225] {strides = array<i32>} : memref<32xi32, #tpu.memory_space<vmem>>, vector<16xi32>,
    %get3A_1227 = vector.shape_cast %get3A_1226 : vector<16xi32> to vector<16xi32>
    %slice3A_1228 = vector.extract_strided_slice %get3A_1227 {offsets = [7], sizes = [1], strides = [1]} : vector<16xi32> to vector<1xi32>
    %squeeze3A_1229 = vector.extract %slice3A_1228[0] : i32 from vector<1xi32>
    %jit3A_1230 = arith.constant 8 : i32
    %div3A_1231 = arith.divsi %squeeze3A_1229, %jit3A_1230 : i32
    %sign3A_1232 = arith.constant 0 : i32
    %sign3A_1233 = arith.cmpi sgt, %squeeze3A_1229, %sign3A_1232 : i32
    %sign3A_1234 = arith.extui %sign3A_1233 : i1 to i32
    %sign3A_1235 = arith.constant 0 : i32
    %sign3A_1236 = arith.cmpi slt, %squeeze3A_1229, %sign3A_1235 : i32
    %sign3A_1237 = arith.extui %sign3A_1236 : i1 to i32
    %sign3A_1238 = arith.subi %sign3A_1234, %sign3A_1237 : i32
    %sign3A_1239 = arith.constant 0 : i32
    %sign3A_1240 = arith.cmpi sgt, %jit3A_1230, %sign3A_1239 : i32
    %sign3A_1241 = arith.extui %sign3A_1240 : i1 to i32
    %sign3A_1242 = arith.constant 0 : i32
    %sign3A_1243 = arith.cmpi slt, %jit3A_1230, %sign3A_1242 : i32
    %sign3A_1244 = arith.extui %sign3A_1243 : i1 to i32
    %sign3A_1245 = arith.subi %sign3A_1241, %sign3A_1244 : i32
    %ne3A_1246 = arith.cmpi ne, %sign3A_1238, %sign3A_1245 : i32
    %rem3A_1247 = arith.remsi %squeeze3A_1229, %jit3A_1230 : i32
    %ne3A_1248 = arith.constant 0 : i32
    %ne3A_1249 = arith.cmpi ne, %rem3A_1247, %ne3A_1248 : i32
    %and3A_1250 = arith.andi %ne3A_1246, %ne3A_1249 : i1
    %sub3A_1251 = arith.constant 1 : i32
    %sub3A_1252 = arith.subi %div3A_1231, %sub3A_1251 : i32
    %select_n3A_1253 = arith.select %and3A_1250, %sub3A_1252, %div3A_1231 : i32
    %mul3A_1254 = arith.constant 8 : i32
    %mul3A_1255 = arith.muli %select_n3A_1253, %mul3A_1254 : i32
    %sub3A_1256 = arith.subi %squeeze3A_1229, %mul3A_1255 : i32
    %add3A_1257 = arith.constant 23 : i32
    %add3A_1258 = arith.addi %mul3A_2, %add3A_1257 : i32
    %dma_start3A_1259 = tpu.memref_slice %arg5[%add3A_1258, %mul3A_1255] : memref<1024x100000xf32, #tpu.memory_space<hbm>> -> memref<1x8xf32, #tpu.memory_space<hbm>>
    %dma_start3A_1260 = arith.constant 0 : i32
    %dma_start3A_1261 = tpu.memref_slice %arg4[%sub3A_1256, %dma_start3A_1260] : memref<8x100000xf32, #tpu.memory_space<hbm>> -> memref<1x8xf32, #tpu.memory_space<hbm>>
    tpu.enqueue_dma source(%dma_start3A_1261 : memref<1x8xf32, #tpu.memory_space<hbm>>) target(%dma_start3A_1259 : memref<1x8xf32, #tpu.memory_space<hbm>>) target_semaphore(%arg9 : memref<!tpu.dma_semaphore, #tpu.memory_space<semaphore_mem>>)
    %get3A_1262 = arith.constant 16 : index
    %get3A_1263 = tpu.vector_load %arg7[%get3A_1262] {strides = array<i32>} : memref<32xi32, #tpu.memory_space<vmem>>, vector<16xi32>,
    %get3A_1264 = vector.shape_cast %get3A_1263 : vector<16xi32> to vector<16xi32>
    %slice3A_1265 = vector.extract_strided_slice %get3A_1264 {offsets = [8], sizes = [1], strides = [1]} : vector<16xi32> to vector<1xi32>
    %squeeze3A_1266 = vector.extract %slice3A_1265[0] : i32 from vector<1xi32>
    %jit3A_1267 = arith.constant 8 : i32
    %div3A_1268 = arith.divsi %squeeze3A_1266, %jit3A_1267 : i32
    %sign3A_1269 = arith.constant 0 : i32
    %sign3A_1270 = arith.cmpi sgt, %squeeze3A_1266, %sign3A_1269 : i32
    %sign3A_1271 = arith.extui %sign3A_1270 : i1 to i32
    %sign3A_1272 = arith.constant 0 : i32
    %sign3A_1273 = arith.cmpi slt, %squeeze3A_1266, %sign3A_1272 : i32
    %sign3A_1274 = arith.extui %sign3A_1273 : i1 to i32
    %sign3A_1275 = arith.subi %sign3A_1271, %sign3A_1274 : i32
    %sign3A_1276 = arith.constant 0 : i32
    %sign3A_1277 = arith.cmpi sgt, %jit3A_1267, %sign3A_1276 : i32
    %sign3A_1278 = arith.extui %sign3A_1277 : i1 to i32
    %sign3A_1279 = arith.constant 0 : i32
    %sign3A_1280 = arith.cmpi slt, %jit3A_1267, %sign3A_1279 : i32
    %sign3A_1281 = arith.extui %sign3A_1280 : i1 to i32
    %sign3A_1282 = arith.subi %sign3A_1278, %sign3A_1281 : i32
    %ne3A_1283 = arith.cmpi ne, %sign3A_1275, %sign3A_1282 : i32
    %rem3A_1284 = arith.remsi %squeeze3A_1266, %jit3A_1267 : i32
    %ne3A_1285 = arith.constant 0 : i32
    %ne3A_1286 = arith.cmpi ne, %rem3A_1284, %ne3A_1285 : i32
    %and3A_1287 = arith.andi %ne3A_1283, %ne3A_1286 : i1
    %sub3A_1288 = arith.constant 1 : i32
    %sub3A_1289 = arith.subi %div3A_1268, %sub3A_1288 : i32
    %select_n3A_1290 = arith.select %and3A_1287, %sub3A_1289, %div3A_1268 : i32
    %mul3A_1291 = arith.constant 8 : i32
    %mul3A_1292 = arith.muli %select_n3A_1290, %mul3A_1291 : i32
    %sub3A_1293 = arith.subi %squeeze3A_1266, %mul3A_1292 : i32
    %add3A_1294 = arith.constant 24 : i32
    %add3A_1295 = arith.addi %mul3A_2, %add3A_1294 : i32
    %dma_start3A_1296 = tpu.memref_slice %arg5[%add3A_1295, %mul3A_1292] : memref<1024x100000xf32, #tpu.memory_space<hbm>> -> memref<1x8xf32, #tpu.memory_space<hbm>>
    %dma_start3A_1297 = arith.constant 0 : i32
    %dma_start3A_1298 = tpu.memref_slice %arg4[%sub3A_1293, %dma_start3A_1297] : memref<8x100000xf32, #tpu.memory_space<hbm>> -> memref<1x8xf32, #tpu.memory_space<hbm>>
    tpu.enqueue_dma source(%dma_start3A_1298 : memref<1x8xf32, #tpu.memory_space<hbm>>) target(%dma_start3A_1296 : memref<1x8xf32, #tpu.memory_space<hbm>>) target_semaphore(%arg9 : memref<!tpu.dma_semaphore, #tpu.memory_space<semaphore_mem>>)
    %get3A_1299 = arith.constant 16 : index
    %get3A_1300 = tpu.vector_load %arg7[%get3A_1299] {strides = array<i32>} : memref<32xi32, #tpu.memory_space<vmem>>, vector<16xi32>,
    %get3A_1301 = vector.shape_cast %get3A_1300 : vector<16xi32> to vector<16xi32>
    %slice3A_1302 = vector.extract_strided_slice %get3A_1301 {offsets = [9], sizes = [1], strides = [1]} : vector<16xi32> to vector<1xi32>
    %squeeze3A_1303 = vector.extract %slice3A_1302[0] : i32 from vector<1xi32>
    %jit3A_1304 = arith.constant 8 : i32
    %div3A_1305 = arith.divsi %squeeze3A_1303, %jit3A_1304 : i32
    %sign3A_1306 = arith.constant 0 : i32
    %sign3A_1307 = arith.cmpi sgt, %squeeze3A_1303, %sign3A_1306 : i32
    %sign3A_1308 = arith.extui %sign3A_1307 : i1 to i32
    %sign3A_1309 = arith.constant 0 : i32
    %sign3A_1310 = arith.cmpi slt, %squeeze3A_1303, %sign3A_1309 : i32
    %sign3A_1311 = arith.extui %sign3A_1310 : i1 to i32
    %sign3A_1312 = arith.subi %sign3A_1308, %sign3A_1311 : i32
    %sign3A_1313 = arith.constant 0 : i32
    %sign3A_1314 = arith.cmpi sgt, %jit3A_1304, %sign3A_1313 : i32
    %sign3A_1315 = arith.extui %sign3A_1314 : i1 to i32
    %sign3A_1316 = arith.constant 0 : i32
    %sign3A_1317 = arith.cmpi slt, %jit3A_1304, %sign3A_1316 : i32
    %sign3A_1318 = arith.extui %sign3A_1317 : i1 to i32
    %sign3A_1319 = arith.subi %sign3A_1315, %sign3A_1318 : i32
    %ne3A_1320 = arith.cmpi ne, %sign3A_1312, %sign3A_1319 : i32
    %rem3A_1321 = arith.remsi %squeeze3A_1303, %jit3A_1304 : i32
    %ne3A_1322 = arith.constant 0 : i32
    %ne3A_1323 = arith.cmpi ne, %rem3A_1321, %ne3A_1322 : i32
    %and3A_1324 = arith.andi %ne3A_1320, %ne3A_1323 : i1
    %sub3A_1325 = arith.constant 1 : i32
    %sub3A_1326 = arith.subi %div3A_1305, %sub3A_1325 : i32
    %select_n3A_1327 = arith.select %and3A_1324, %sub3A_1326, %div3A_1305 : i32
    %mul3A_1328 = arith.constant 8 : i32
    %mul3A_1329 = arith.muli %select_n3A_1327, %mul3A_1328 : i32
    %sub3A_1330 = arith.subi %squeeze3A_1303, %mul3A_1329 : i32
    %add3A_1331 = arith.constant 25 : i32
    %add3A_1332 = arith.addi %mul3A_2, %add3A_1331 : i32
    %dma_start3A_1333 = tpu.memref_slice %arg5[%add3A_1332, %mul3A_1329] : memref<1024x100000xf32, #tpu.memory_space<hbm>> -> memref<1x8xf32, #tpu.memory_space<hbm>>
    %dma_start3A_1334 = arith.constant 0 : i32
    %dma_start3A_1335 = tpu.memref_slice %arg4[%sub3A_1330, %dma_start3A_1334] : memref<8x100000xf32, #tpu.memory_space<hbm>> -> memref<1x8xf32, #tpu.memory_space<hbm>>
    tpu.enqueue_dma source(%dma_start3A_1335 : memref<1x8xf32, #tpu.memory_space<hbm>>) target(%dma_start3A_1333 : memref<1x8xf32, #tpu.memory_space<hbm>>) target_semaphore(%arg9 : memref<!tpu.dma_semaphore, #tpu.memory_space<semaphore_mem>>)
    %get3A_1336 = arith.constant 16 : index
    %get3A_1337 = tpu.vector_load %arg7[%get3A_1336] {strides = array<i32>} : memref<32xi32, #tpu.memory_space<vmem>>, vector<16xi32>,
    %get3A_1338 = vector.shape_cast %get3A_1337 : vector<16xi32> to vector<16xi32>
    %slice3A_1339 = vector.extract_strided_slice %get3A_1338 {offsets = [10], sizes = [1], strides = [1]} : vector<16xi32> to vector<1xi32>
    %squeeze3A_1340 = vector.extract %slice3A_1339[0] : i32 from vector<1xi32>
    %jit3A_1341 = arith.constant 8 : i32
    %div3A_1342 = arith.divsi %squeeze3A_1340, %jit3A_1341 : i32
    %sign3A_1343 = arith.constant 0 : i32
    %sign3A_1344 = arith.cmpi sgt, %squeeze3A_1340, %sign3A_1343 : i32
    %sign3A_1345 = arith.extui %sign3A_1344 : i1 to i32
    %sign3A_1346 = arith.constant 0 : i32
    %sign3A_1347 = arith.cmpi slt, %squeeze3A_1340, %sign3A_1346 : i32
    %sign3A_1348 = arith.extui %sign3A_1347 : i1 to i32
    %sign3A_1349 = arith.subi %sign3A_1345, %sign3A_1348 : i32
    %sign3A_1350 = arith.constant 0 : i32
    %sign3A_1351 = arith.cmpi sgt, %jit3A_1341, %sign3A_1350 : i32
    %sign3A_1352 = arith.extui %sign3A_1351 : i1 to i32
    %sign3A_1353 = arith.constant 0 : i32
    %sign3A_1354 = arith.cmpi slt, %jit3A_1341, %sign3A_1353 : i32
    %sign3A_1355 = arith.extui %sign3A_1354 : i1 to i32
    %sign3A_1356 = arith.subi %sign3A_1352, %sign3A_1355 : i32
    %ne3A_1357 = arith.cmpi ne, %sign3A_1349, %sign3A_1356 : i32
    %rem3A_1358 = arith.remsi %squeeze3A_1340, %jit3A_1341 : i32
    %ne3A_1359 = arith.constant 0 : i32
    %ne3A_1360 = arith.cmpi ne, %rem3A_1358, %ne3A_1359 : i32
    %and3A_1361 = arith.andi %ne3A_1357, %ne3A_1360 : i1
    %sub3A_1362 = arith.constant 1 : i32
    %sub3A_1363 = arith.subi %div3A_1342, %sub3A_1362 : i32
    %select_n3A_1364 = arith.select %and3A_1361, %sub3A_1363, %div3A_1342 : i32
    %mul3A_1365 = arith.constant 8 : i32
    %mul3A_1366 = arith.muli %select_n3A_1364, %mul3A_1365 : i32
    %sub3A_1367 = arith.subi %squeeze3A_1340, %mul3A_1366 : i32
    %add3A_1368 = arith.constant 26 : i32
    %add3A_1369 = arith.addi %mul3A_2, %add3A_1368 : i32
    %dma_start3A_1370 = tpu.memref_slice %arg5[%add3A_1369, %mul3A_1366] : memref<1024x100000xf32, #tpu.memory_space<hbm>> -> memref<1x8xf32, #tpu.memory_space<hbm>>
    %dma_start3A_1371 = arith.constant 0 : i32
    %dma_start3A_1372 = tpu.memref_slice %arg4[%sub3A_1367, %dma_start3A_1371] : memref<8x100000xf32, #tpu.memory_space<hbm>> -> memref<1x8xf32, #tpu.memory_space<hbm>>
    tpu.enqueue_dma source(%dma_start3A_1372 : memref<1x8xf32, #tpu.memory_space<hbm>>) target(%dma_start3A_1370 : memref<1x8xf32, #tpu.memory_space<hbm>>) target_semaphore(%arg9 : memref<!tpu.dma_semaphore, #tpu.memory_space<semaphore_mem>>)
    %get3A_1373 = arith.constant 16 : index
    %get3A_1374 = tpu.vector_load %arg7[%get3A_1373] {strides = array<i32>} : memref<32xi32, #tpu.memory_space<vmem>>, vector<16xi32>,
    %get3A_1375 = vector.shape_cast %get3A_1374 : vector<16xi32> to vector<16xi32>
    %slice3A_1376 = vector.extract_strided_slice %get3A_1375 {offsets = [11], sizes = [1], strides = [1]} : vector<16xi32> to vector<1xi32>
    %squeeze3A_1377 = vector.extract %slice3A_1376[0] : i32 from vector<1xi32>
    %jit3A_1378 = arith.constant 8 : i32
    %div3A_1379 = arith.divsi %squeeze3A_1377, %jit3A_1378 : i32
    %sign3A_1380 = arith.constant 0 : i32
    %sign3A_1381 = arith.cmpi sgt, %squeeze3A_1377, %sign3A_1380 : i32
    %sign3A_1382 = arith.extui %sign3A_1381 : i1 to i32
    %sign3A_1383 = arith.constant 0 : i32
    %sign3A_1384 = arith.cmpi slt, %squeeze3A_1377, %sign3A_1383 : i32
    %sign3A_1385 = arith.extui %sign3A_1384 : i1 to i32
    %sign3A_1386 = arith.subi %sign3A_1382, %sign3A_1385 : i32
    %sign3A_1387 = arith.constant 0 : i32
    %sign3A_1388 = arith.cmpi sgt, %jit3A_1378, %sign3A_1387 : i32
    %sign3A_1389 = arith.extui %sign3A_1388 : i1 to i32
    %sign3A_1390 = arith.constant 0 : i32
    %sign3A_1391 = arith.cmpi slt, %jit3A_1378, %sign3A_1390 : i32
    %sign3A_1392 = arith.extui %sign3A_1391 : i1 to i32
    %sign3A_1393 = arith.subi %sign3A_1389, %sign3A_1392 : i32
    %ne3A_1394 = arith.cmpi ne, %sign3A_1386, %sign3A_1393 : i32
    %rem3A_1395 = arith.remsi %squeeze3A_1377, %jit3A_1378 : i32
    %ne3A_1396 = arith.constant 0 : i32
    %ne3A_1397 = arith.cmpi ne, %rem3A_1395, %ne3A_1396 : i32
    %and3A_1398 = arith.andi %ne3A_1394, %ne3A_1397 : i1
    %sub3A_1399 = arith.constant 1 : i32
    %sub3A_1400 = arith.subi %div3A_1379, %sub3A_1399 : i32
    %select_n3A_1401 = arith.select %and3A_1398, %sub3A_1400, %div3A_1379 : i32
    %mul3A_1402 = arith.constant 8 : i32
    %mul3A_1403 = arith.muli %select_n3A_1401, %mul3A_1402 : i32
    %sub3A_1404 = arith.subi %squeeze3A_1377, %mul3A_1403 : i32
    %add3A_1405 = arith.constant 27 : i32
    %add3A_1406 = arith.addi %mul3A_2, %add3A_1405 : i32
    %dma_start3A_1407 = tpu.memref_slice %arg5[%add3A_1406, %mul3A_1403] : memref<1024x100000xf32, #tpu.memory_space<hbm>> -> memref<1x8xf32, #tpu.memory_space<hbm>>
    %dma_start3A_1408 = arith.constant 0 : i32
    %dma_start3A_1409 = tpu.memref_slice %arg4[%sub3A_1404, %dma_start3A_1408] : memref<8x100000xf32, #tpu.memory_space<hbm>> -> memref<1x8xf32, #tpu.memory_space<hbm>>
    tpu.enqueue_dma source(%dma_start3A_1409 : memref<1x8xf32, #tpu.memory_space<hbm>>) target(%dma_start3A_1407 : memref<1x8xf32, #tpu.memory_space<hbm>>) target_semaphore(%arg9 : memref<!tpu.dma_semaphore, #tpu.memory_space<semaphore_mem>>)
    %get3A_1410 = arith.constant 16 : index
    %get3A_1411 = tpu.vector_load %arg7[%get3A_1410] {strides = array<i32>} : memref<32xi32, #tpu.memory_space<vmem>>, vector<16xi32>,
    %get3A_1412 = vector.shape_cast %get3A_1411 : vector<16xi32> to vector<16xi32>
    %slice3A_1413 = vector.extract_strided_slice %get3A_1412 {offsets = [12], sizes = [1], strides = [1]} : vector<16xi32> to vector<1xi32>
    %squeeze3A_1414 = vector.extract %slice3A_1413[0] : i32 from vector<1xi32>
    %jit3A_1415 = arith.constant 8 : i32
    %div3A_1416 = arith.divsi %squeeze3A_1414, %jit3A_1415 : i32
    %sign3A_1417 = arith.constant 0 : i32
    %sign3A_1418 = arith.cmpi sgt, %squeeze3A_1414, %sign3A_1417 : i32
    %sign3A_1419 = arith.extui %sign3A_1418 : i1 to i32
    %sign3A_1420 = arith.constant 0 : i32
    %sign3A_1421 = arith.cmpi slt, %squeeze3A_1414, %sign3A_1420 : i32
    %sign3A_1422 = arith.extui %sign3A_1421 : i1 to i32
    %sign3A_1423 = arith.subi %sign3A_1419, %sign3A_1422 : i32
    %sign3A_1424 = arith.constant 0 : i32
    %sign3A_1425 = arith.cmpi sgt, %jit3A_1415, %sign3A_1424 : i32
    %sign3A_1426 = arith.extui %sign3A_1425 : i1 to i32
    %sign3A_1427 = arith.constant 0 : i32
    %sign3A_1428 = arith.cmpi slt, %jit3A_1415, %sign3A_1427 : i32
    %sign3A_1429 = arith.extui %sign3A_1428 : i1 to i32
    %sign3A_1430 = arith.subi %sign3A_1426, %sign3A_1429 : i32
    %ne3A_1431 = arith.cmpi ne, %sign3A_1423, %sign3A_1430 : i32
    %rem3A_1432 = arith.remsi %squeeze3A_1414, %jit3A_1415 : i32
    %ne3A_1433 = arith.constant 0 : i32
    %ne3A_1434 = arith.cmpi ne, %rem3A_1432, %ne3A_1433 : i32
    %and3A_1435 = arith.andi %ne3A_1431, %ne3A_1434 : i1
    %sub3A_1436 = arith.constant 1 : i32
    %sub3A_1437 = arith.subi %div3A_1416, %sub3A_1436 : i32
    %select_n3A_1438 = arith.select %and3A_1435, %sub3A_1437, %div3A_1416 : i32
    %mul3A_1439 = arith.constant 8 : i32
    %mul3A_1440 = arith.muli %select_n3A_1438, %mul3A_1439 : i32
    %sub3A_1441 = arith.subi %squeeze3A_1414, %mul3A_1440 : i32
    %add3A_1442 = arith.constant 28 : i32
    %add3A_1443 = arith.addi %mul3A_2, %add3A_1442 : i32
    %dma_start3A_1444 = tpu.memref_slice %arg5[%add3A_1443, %mul3A_1440] : memref<1024x100000xf32, #tpu.memory_space<hbm>> -> memref<1x8xf32, #tpu.memory_space<hbm>>
    %dma_start3A_1445 = arith.constant 0 : i32
    %dma_start3A_1446 = tpu.memref_slice %arg4[%sub3A_1441, %dma_start3A_1445] : memref<8x100000xf32, #tpu.memory_space<hbm>> -> memref<1x8xf32, #tpu.memory_space<hbm>>
    tpu.enqueue_dma source(%dma_start3A_1446 : memref<1x8xf32, #tpu.memory_space<hbm>>) target(%dma_start3A_1444 : memref<1x8xf32, #tpu.memory_space<hbm>>) target_semaphore(%arg9 : memref<!tpu.dma_semaphore, #tpu.memory_space<semaphore_mem>>)
    %get3A_1447 = arith.constant 16 : index
    %get3A_1448 = tpu.vector_load %arg7[%get3A_1447] {strides = array<i32>} : memref<32xi32, #tpu.memory_space<vmem>>, vector<16xi32>,
    %get3A_1449 = vector.shape_cast %get3A_1448 : vector<16xi32> to vector<16xi32>
    %slice3A_1450 = vector.extract_strided_slice %get3A_1449 {offsets = [13], sizes = [1], strides = [1]} : vector<16xi32> to vector<1xi32>
    %squeeze3A_1451 = vector.extract %slice3A_1450[0] : i32 from vector<1xi32>
    %jit3A_1452 = arith.constant 8 : i32
    %div3A_1453 = arith.divsi %squeeze3A_1451, %jit3A_1452 : i32
    %sign3A_1454 = arith.constant 0 : i32
    %sign3A_1455 = arith.cmpi sgt, %squeeze3A_1451, %sign3A_1454 : i32
    %sign3A_1456 = arith.extui %sign3A_1455 : i1 to i32
    %sign3A_1457 = arith.constant 0 : i32
    %sign3A_1458 = arith.cmpi slt, %squeeze3A_1451, %sign3A_1457 : i32
    %sign3A_1459 = arith.extui %sign3A_1458 : i1 to i32
    %sign3A_1460 = arith.subi %sign3A_1456, %sign3A_1459 : i32
    %sign3A_1461 = arith.constant 0 : i32
    %sign3A_1462 = arith.cmpi sgt, %jit3A_1452, %sign3A_1461 : i32
    %sign3A_1463 = arith.extui %sign3A_1462 : i1 to i32
    %sign3A_1464 = arith.constant 0 : i32
    %sign3A_1465 = arith.cmpi slt, %jit3A_1452, %sign3A_1464 : i32
    %sign3A_1466 = arith.extui %sign3A_1465 : i1 to i32
    %sign3A_1467 = arith.subi %sign3A_1463, %sign3A_1466 : i32
    %ne3A_1468 = arith.cmpi ne, %sign3A_1460, %sign3A_1467 : i32
    %rem3A_1469 = arith.remsi %squeeze3A_1451, %jit3A_1452 : i32
    %ne3A_1470 = arith.constant 0 : i32
    %ne3A_1471 = arith.cmpi ne, %rem3A_1469, %ne3A_1470 : i32
    %and3A_1472 = arith.andi %ne3A_1468, %ne3A_1471 : i1
    %sub3A_1473 = arith.constant 1 : i32
    %sub3A_1474 = arith.subi %div3A_1453, %sub3A_1473 : i32
    %select_n3A_1475 = arith.select %and3A_1472, %sub3A_1474, %div3A_1453 : i32
    %mul3A_1476 = arith.constant 8 : i32
    %mul3A_1477 = arith.muli %select_n3A_1475, %mul3A_1476 : i32
    %sub3A_1478 = arith.subi %squeeze3A_1451, %mul3A_1477 : i32
    %add3A_1479 = arith.constant 29 : i32
    %add3A_1480 = arith.addi %mul3A_2, %add3A_1479 : i32
    %dma_start3A_1481 = tpu.memref_slice %arg5[%add3A_1480, %mul3A_1477] : memref<1024x100000xf32, #tpu.memory_space<hbm>> -> memref<1x8xf32, #tpu.memory_space<hbm>>
    %dma_start3A_1482 = arith.constant 0 : i32
    %dma_start3A_1483 = tpu.memref_slice %arg4[%sub3A_1478, %dma_start3A_1482] : memref<8x100000xf32, #tpu.memory_space<hbm>> -> memref<1x8xf32, #tpu.memory_space<hbm>>
    tpu.enqueue_dma source(%dma_start3A_1483 : memref<1x8xf32, #tpu.memory_space<hbm>>) target(%dma_start3A_1481 : memref<1x8xf32, #tpu.memory_space<hbm>>) target_semaphore(%arg9 : memref<!tpu.dma_semaphore, #tpu.memory_space<semaphore_mem>>)
    %get3A_1484 = arith.constant 16 : index
    %get3A_1485 = tpu.vector_load %arg7[%get3A_1484] {strides = array<i32>} : memref<32xi32, #tpu.memory_space<vmem>>, vector<16xi32>,
    %get3A_1486 = vector.shape_cast %get3A_1485 : vector<16xi32> to vector<16xi32>
    %slice3A_1487 = vector.extract_strided_slice %get3A_1486 {offsets = [14], sizes = [1], strides = [1]} : vector<16xi32> to vector<1xi32>
    %squeeze3A_1488 = vector.extract %slice3A_1487[0] : i32 from vector<1xi32>
    %jit3A_1489 = arith.constant 8 : i32
    %div3A_1490 = arith.divsi %squeeze3A_1488, %jit3A_1489 : i32
    %sign3A_1491 = arith.constant 0 : i32
    %sign3A_1492 = arith.cmpi sgt, %squeeze3A_1488, %sign3A_1491 : i32
    %sign3A_1493 = arith.extui %sign3A_1492 : i1 to i32
    %sign3A_1494 = arith.constant 0 : i32
    %sign3A_1495 = arith.cmpi slt, %squeeze3A_1488, %sign3A_1494 : i32
    %sign3A_1496 = arith.extui %sign3A_1495 : i1 to i32
    %sign3A_1497 = arith.subi %sign3A_1493, %sign3A_1496 : i32
    %sign3A_1498 = arith.constant 0 : i32
    %sign3A_1499 = arith.cmpi sgt, %jit3A_1489, %sign3A_1498 : i32
    %sign3A_1500 = arith.extui %sign3A_1499 : i1 to i32
    %sign3A_1501 = arith.constant 0 : i32
    %sign3A_1502 = arith.cmpi slt, %jit3A_1489, %sign3A_1501 : i32
    %sign3A_1503 = arith.extui %sign3A_1502 : i1 to i32
    %sign3A_1504 = arith.subi %sign3A_1500, %sign3A_1503 : i32
    %ne3A_1505 = arith.cmpi ne, %sign3A_1497, %sign3A_1504 : i32
    %rem3A_1506 = arith.remsi %squeeze3A_1488, %jit3A_1489 : i32
    %ne3A_1507 = arith.constant 0 : i32
    %ne3A_1508 = arith.cmpi ne, %rem3A_1506, %ne3A_1507 : i32
    %and3A_1509 = arith.andi %ne3A_1505, %ne3A_1508 : i1
    %sub3A_1510 = arith.constant 1 : i32
    %sub3A_1511 = arith.subi %div3A_1490, %sub3A_1510 : i32
    %select_n3A_1512 = arith.select %and3A_1509, %sub3A_1511, %div3A_1490 : i32
    %mul3A_1513 = arith.constant 8 : i32
    %mul3A_1514 = arith.muli %select_n3A_1512, %mul3A_1513 : i32
    %sub3A_1515 = arith.subi %squeeze3A_1488, %mul3A_1514 : i32
    %add3A_1516 = arith.constant 30 : i32
    %add3A_1517 = arith.addi %mul3A_2, %add3A_1516 : i32
    %dma_start3A_1518 = tpu.memref_slice %arg5[%add3A_1517, %mul3A_1514] : memref<1024x100000xf32, #tpu.memory_space<hbm>> -> memref<1x8xf32, #tpu.memory_space<hbm>>
    %dma_start3A_1519 = arith.constant 0 : i32
    %dma_start3A_1520 = tpu.memref_slice %arg4[%sub3A_1515, %dma_start3A_1519] : memref<8x100000xf32, #tpu.memory_space<hbm>> -> memref<1x8xf32, #tpu.memory_space<hbm>>
    tpu.enqueue_dma source(%dma_start3A_1520 : memref<1x8xf32, #tpu.memory_space<hbm>>) target(%dma_start3A_1518 : memref<1x8xf32, #tpu.memory_space<hbm>>) target_semaphore(%arg9 : memref<!tpu.dma_semaphore, #tpu.memory_space<semaphore_mem>>)
    %get3A_1521 = arith.constant 16 : index
    %get3A_1522 = tpu.vector_load %arg7[%get3A_1521] {strides = array<i32>} : memref<32xi32, #tpu.memory_space<vmem>>, vector<16xi32>,
    %get3A_1523 = vector.shape_cast %get3A_1522 : vector<16xi32> to vector<16xi32>
    %slice3A_1524 = vector.extract_strided_slice %get3A_1523 {offsets = [15], sizes = [1], strides = [1]} : vector<16xi32> to vector<1xi32>
    %squeeze3A_1525 = vector.extract %slice3A_1524[0] : i32 from vector<1xi32>
    %jit3A_1526 = arith.constant 8 : i32
    %div3A_1527 = arith.divsi %squeeze3A_1525, %jit3A_1526 : i32
    %sign3A_1528 = arith.constant 0 : i32
    %sign3A_1529 = arith.cmpi sgt, %squeeze3A_1525, %sign3A_1528 : i32
    %sign3A_1530 = arith.extui %sign3A_1529 : i1 to i32
    %sign3A_1531 = arith.constant 0 : i32
    %sign3A_1532 = arith.cmpi slt, %squeeze3A_1525, %sign3A_1531 : i32
    %sign3A_1533 = arith.extui %sign3A_1532 : i1 to i32
    %sign3A_1534 = arith.subi %sign3A_1530, %sign3A_1533 : i32
    %sign3A_1535 = arith.constant 0 : i32
    %sign3A_1536 = arith.cmpi sgt, %jit3A_1526, %sign3A_1535 : i32
    %sign3A_1537 = arith.extui %sign3A_1536 : i1 to i32
    %sign3A_1538 = arith.constant 0 : i32
    %sign3A_1539 = arith.cmpi slt, %jit3A_1526, %sign3A_1538 : i32
    %sign3A_1540 = arith.extui %sign3A_1539 : i1 to i32
    %sign3A_1541 = arith.subi %sign3A_1537, %sign3A_1540 : i32
    %ne3A_1542 = arith.cmpi ne, %sign3A_1534, %sign3A_1541 : i32
    %rem3A_1543 = arith.remsi %squeeze3A_1525, %jit3A_1526 : i32
    %ne3A_1544 = arith.constant 0 : i32
    %ne3A_1545 = arith.cmpi ne, %rem3A_1543, %ne3A_1544 : i32
    %and3A_1546 = arith.andi %ne3A_1542, %ne3A_1545 : i1
    %sub3A_1547 = arith.constant 1 : i32
    %sub3A_1548 = arith.subi %div3A_1527, %sub3A_1547 : i32
    %select_n3A_1549 = arith.select %and3A_1546, %sub3A_1548, %div3A_1527 : i32
    %mul3A_1550 = arith.constant 8 : i32
    %mul3A_1551 = arith.muli %select_n3A_1549, %mul3A_1550 : i32
    %sub3A_1552 = arith.subi %squeeze3A_1525, %mul3A_1551 : i32
    %add3A_1553 = arith.constant 31 : i32
    %add3A_1554 = arith.addi %mul3A_2, %add3A_1553 : i32
    %dma_start3A_1555 = tpu.memref_slice %arg5[%add3A_1554, %mul3A_1551] : memref<1024x100000xf32, #tpu.memory_space<hbm>> -> memref<1x8xf32, #tpu.memory_space<hbm>>
    %dma_start3A_1556 = arith.constant 0 : i32
    %dma_start3A_1557 = tpu.memref_slice %arg4[%sub3A_1552, %dma_start3A_1556] : memref<8x100000xf32, #tpu.memory_space<hbm>> -> memref<1x8xf32, #tpu.memory_space<hbm>>
    tpu.enqueue_dma source(%dma_start3A_1557 : memref<1x8xf32, #tpu.memory_space<hbm>>) target(%dma_start3A_1555 : memref<1x8xf32, #tpu.memory_space<hbm>>) target_semaphore(%arg9 : memref<!tpu.dma_semaphore, #tpu.memory_space<semaphore_mem>>)
    %get3A_1558 = arith.constant 0 : index
    %get3A_1559 = tpu.vector_load %arg7[%get3A_1558] {strides = array<i32>} : memref<32xi32, #tpu.memory_space<vmem>>, vector<16xi32>,
    %get3A_1560 = vector.shape_cast %get3A_1559 : vector<16xi32> to vector<16xi32>
    %slice3A_1561 = vector.extract_strided_slice %get3A_1560 {offsets = [0], sizes = [1], strides = [1]} : vector<16xi32> to vector<1xi32>
    %squeeze3A_1562 = vector.extract %slice3A_1561[0] : i32 from vector<1xi32>
    %jit3A_1563 = arith.constant 8 : i32
    %div3A_1564 = arith.divsi %squeeze3A_1562, %jit3A_1563 : i32
    %sign3A_1565 = arith.constant 0 : i32
    %sign3A_1566 = arith.cmpi sgt, %squeeze3A_1562, %sign3A_1565 : i32
    %sign3A_1567 = arith.extui %sign3A_1566 : i1 to i32
    %sign3A_1568 = arith.constant 0 : i32
    %sign3A_1569 = arith.cmpi slt, %squeeze3A_1562, %sign3A_1568 : i32
    %sign3A_1570 = arith.extui %sign3A_1569 : i1 to i32
    %sign3A_1571 = arith.subi %sign3A_1567, %sign3A_1570 : i32
    %sign3A_1572 = arith.constant 0 : i32
    %sign3A_1573 = arith.cmpi sgt, %jit3A_1563, %sign3A_1572 : i32
    %sign3A_1574 = arith.extui %sign3A_1573 : i1 to i32
    %sign3A_1575 = arith.constant 0 : i32
    %sign3A_1576 = arith.cmpi slt, %jit3A_1563, %sign3A_1575 : i32
    %sign3A_1577 = arith.extui %sign3A_1576 : i1 to i32
    %sign3A_1578 = arith.subi %sign3A_1574, %sign3A_1577 : i32
    %ne3A_1579 = arith.cmpi ne, %sign3A_1571, %sign3A_1578 : i32
    %rem3A_1580 = arith.remsi %squeeze3A_1562, %jit3A_1563 : i32
    %ne3A_1581 = arith.constant 0 : i32
    %ne3A_1582 = arith.cmpi ne, %rem3A_1580, %ne3A_1581 : i32
    %and3A_1583 = arith.andi %ne3A_1579, %ne3A_1582 : i1
    %sub3A_1584 = arith.constant 1 : i32
    %sub3A_1585 = arith.subi %div3A_1564, %sub3A_1584 : i32
    %select_n3A_1586 = arith.select %and3A_1583, %sub3A_1585, %div3A_1564 : i32
    %mul3A_1587 = arith.constant 8 : i32
    %mul3A_1588 = arith.muli %select_n3A_1586, %mul3A_1587 : i32
    %sub3A_1589 = arith.subi %squeeze3A_1562, %mul3A_1588 : i32
    %add3A_1590 = arith.constant 0 : i32
    %add3A_1591 = arith.addi %mul3A_2, %add3A_1590 : i32
    %dma_wait3A_1592 = tpu.memref_slice %arg5[%add3A_1591, %mul3A_1588] : memref<1024x100000xf32, #tpu.memory_space<hbm>> -> memref<1x8xf32, #tpu.memory_space<hbm>>
    %dma_wait3A_1593 = arith.constant 0 : i32
    %dma_wait3A_1594 = tpu.memref_slice %arg4[%sub3A_1589, %dma_wait3A_1593] : memref<8x100000xf32, #tpu.memory_space<hbm>> -> memref<1x8xf32, #tpu.memory_space<hbm>>
    tpu.wait_dma2 semaphore(%arg9 : memref<!tpu.dma_semaphore, #tpu.memory_space<semaphore_mem>>) src(%dma_wait3A_1594 : memref<1x8xf32, #tpu.memory_space<hbm>>) dst(%dma_wait3A_1592 : memref<1x8xf32, #tpu.memory_space<hbm>>)
    %get3A_1595 = arith.constant 0 : index
    %get3A_1596 = tpu.vector_load %arg7[%get3A_1595] {strides = array<i32>} : memref<32xi32, #tpu.memory_space<vmem>>, vector<16xi32>,
    %get3A_1597 = vector.shape_cast %get3A_1596 : vector<16xi32> to vector<16xi32>
    %slice3A_1598 = vector.extract_strided_slice %get3A_1597 {offsets = [1], sizes = [1], strides = [1]} : vector<16xi32> to vector<1xi32>
    %squeeze3A_1599 = vector.extract %slice3A_1598[0] : i32 from vector<1xi32>
    %jit3A_1600 = arith.constant 8 : i32
    %div3A_1601 = arith.divsi %squeeze3A_1599, %jit3A_1600 : i32
    %sign3A_1602 = arith.constant 0 : i32
    %sign3A_1603 = arith.cmpi sgt, %squeeze3A_1599, %sign3A_1602 : i32
    %sign3A_1604 = arith.extui %sign3A_1603 : i1 to i32
    %sign3A_1605 = arith.constant 0 : i32
    %sign3A_1606 = arith.cmpi slt, %squeeze3A_1599, %sign3A_1605 : i32
    %sign3A_1607 = arith.extui %sign3A_1606 : i1 to i32
    %sign3A_1608 = arith.subi %sign3A_1604, %sign3A_1607 : i32
    %sign3A_1609 = arith.constant 0 : i32
    %sign3A_1610 = arith.cmpi sgt, %jit3A_1600, %sign3A_1609 : i32
    %sign3A_1611 = arith.extui %sign3A_1610 : i1 to i32
    %sign3A_1612 = arith.constant 0 : i32
    %sign3A_1613 = arith.cmpi slt, %jit3A_1600, %sign3A_1612 : i32
    %sign3A_1614 = arith.extui %sign3A_1613 : i1 to i32
    %sign3A_1615 = arith.subi %sign3A_1611, %sign3A_1614 : i32
    %ne3A_1616 = arith.cmpi ne, %sign3A_1608, %sign3A_1615 : i32
    %rem3A_1617 = arith.remsi %squeeze3A_1599, %jit3A_1600 : i32
    %ne3A_1618 = arith.constant 0 : i32
    %ne3A_1619 = arith.cmpi ne, %rem3A_1617, %ne3A_1618 : i32
    %and3A_1620 = arith.andi %ne3A_1616, %ne3A_1619 : i1
    %sub3A_1621 = arith.constant 1 : i32
    %sub3A_1622 = arith.subi %div3A_1601, %sub3A_1621 : i32
    %select_n3A_1623 = arith.select %and3A_1620, %sub3A_1622, %div3A_1601 : i32
    %mul3A_1624 = arith.constant 8 : i32
    %mul3A_1625 = arith.muli %select_n3A_1623, %mul3A_1624 : i32
    %sub3A_1626 = arith.subi %squeeze3A_1599, %mul3A_1625 : i32
    %add3A_1627 = arith.constant 1 : i32
    %add3A_1628 = arith.addi %mul3A_2, %add3A_1627 : i32
    %dma_wait3A_1629 = tpu.memref_slice %arg5[%add3A_1628, %mul3A_1625] : memref<1024x100000xf32, #tpu.memory_space<hbm>> -> memref<1x8xf32, #tpu.memory_space<hbm>>
    %dma_wait3A_1630 = arith.constant 0 : i32
    %dma_wait3A_1631 = tpu.memref_slice %arg4[%sub3A_1626, %dma_wait3A_1630] : memref<8x100000xf32, #tpu.memory_space<hbm>> -> memref<1x8xf32, #tpu.memory_space<hbm>>
    tpu.wait_dma2 semaphore(%arg9 : memref<!tpu.dma_semaphore, #tpu.memory_space<semaphore_mem>>) src(%dma_wait3A_1631 : memref<1x8xf32, #tpu.memory_space<hbm>>) dst(%dma_wait3A_1629 : memref<1x8xf32, #tpu.memory_space<hbm>>)
    %get3A_1632 = arith.constant 0 : index
    %get3A_1633 = tpu.vector_load %arg7[%get3A_1632] {strides = array<i32>} : memref<32xi32, #tpu.memory_space<vmem>>, vector<16xi32>,
    %get3A_1634 = vector.shape_cast %get3A_1633 : vector<16xi32> to vector<16xi32>
    %slice3A_1635 = vector.extract_strided_slice %get3A_1634 {offsets = [2], sizes = [1], strides = [1]} : vector<16xi32> to vector<1xi32>
    %squeeze3A_1636 = vector.extract %slice3A_1635[0] : i32 from vector<1xi32>
    %jit3A_1637 = arith.constant 8 : i32
    %div3A_1638 = arith.divsi %squeeze3A_1636, %jit3A_1637 : i32
    %sign3A_1639 = arith.constant 0 : i32
    %sign3A_1640 = arith.cmpi sgt, %squeeze3A_1636, %sign3A_1639 : i32
    %sign3A_1641 = arith.extui %sign3A_1640 : i1 to i32
    %sign3A_1642 = arith.constant 0 : i32
    %sign3A_1643 = arith.cmpi slt, %squeeze3A_1636, %sign3A_1642 : i32
    %sign3A_1644 = arith.extui %sign3A_1643 : i1 to i32
    %sign3A_1645 = arith.subi %sign3A_1641, %sign3A_1644 : i32
    %sign3A_1646 = arith.constant 0 : i32
    %sign3A_1647 = arith.cmpi sgt, %jit3A_1637, %sign3A_1646 : i32
    %sign3A_1648 = arith.extui %sign3A_1647 : i1 to i32
    %sign3A_1649 = arith.constant 0 : i32
    %sign3A_1650 = arith.cmpi slt, %jit3A_1637, %sign3A_1649 : i32
    %sign3A_1651 = arith.extui %sign3A_1650 : i1 to i32
    %sign3A_1652 = arith.subi %sign3A_1648, %sign3A_1651 : i32
    %ne3A_1653 = arith.cmpi ne, %sign3A_1645, %sign3A_1652 : i32
    %rem3A_1654 = arith.remsi %squeeze3A_1636, %jit3A_1637 : i32
    %ne3A_1655 = arith.constant 0 : i32
    %ne3A_1656 = arith.cmpi ne, %rem3A_1654, %ne3A_1655 : i32
    %and3A_1657 = arith.andi %ne3A_1653, %ne3A_1656 : i1
    %sub3A_1658 = arith.constant 1 : i32
    %sub3A_1659 = arith.subi %div3A_1638, %sub3A_1658 : i32
    %select_n3A_1660 = arith.select %and3A_1657, %sub3A_1659, %div3A_1638 : i32
    %mul3A_1661 = arith.constant 8 : i32
    %mul3A_1662 = arith.muli %select_n3A_1660, %mul3A_1661 : i32
    %sub3A_1663 = arith.subi %squeeze3A_1636, %mul3A_1662 : i32
    %add3A_1664 = arith.constant 2 : i32
    %add3A_1665 = arith.addi %mul3A_2, %add3A_1664 : i32
    %dma_wait3A_1666 = tpu.memref_slice %arg5[%add3A_1665, %mul3A_1662] : memref<1024x100000xf32, #tpu.memory_space<hbm>> -> memref<1x8xf32, #tpu.memory_space<hbm>>
    %dma_wait3A_1667 = arith.constant 0 : i32
    %dma_wait3A_1668 = tpu.memref_slice %arg4[%sub3A_1663, %dma_wait3A_1667] : memref<8x100000xf32, #tpu.memory_space<hbm>> -> memref<1x8xf32, #tpu.memory_space<hbm>>
    tpu.wait_dma2 semaphore(%arg9 : memref<!tpu.dma_semaphore, #tpu.memory_space<semaphore_mem>>) src(%dma_wait3A_1668 : memref<1x8xf32, #tpu.memory_space<hbm>>) dst(%dma_wait3A_1666 : memref<1x8xf32, #tpu.memory_space<hbm>>)
    %get3A_1669 = arith.constant 0 : index
    %get3A_1670 = tpu.vector_load %arg7[%get3A_1669] {strides = array<i32>} : memref<32xi32, #tpu.memory_space<vmem>>, vector<16xi32>,
    %get3A_1671 = vector.shape_cast %get3A_1670 : vector<16xi32> to vector<16xi32>
    %slice3A_1672 = vector.extract_strided_slice %get3A_1671 {offsets = [3], sizes = [1], strides = [1]} : vector<16xi32> to vector<1xi32>
    %squeeze3A_1673 = vector.extract %slice3A_1672[0] : i32 from vector<1xi32>
    %jit3A_1674 = arith.constant 8 : i32
    %div3A_1675 = arith.divsi %squeeze3A_1673, %jit3A_1674 : i32
    %sign3A_1676 = arith.constant 0 : i32
    %sign3A_1677 = arith.cmpi sgt, %squeeze3A_1673, %sign3A_1676 : i32
    %sign3A_1678 = arith.extui %sign3A_1677 : i1 to i32
    %sign3A_1679 = arith.constant 0 : i32
    %sign3A_1680 = arith.cmpi slt, %squeeze3A_1673, %sign3A_1679 : i32
    %sign3A_1681 = arith.extui %sign3A_1680 : i1 to i32
    %sign3A_1682 = arith.subi %sign3A_1678, %sign3A_1681 : i32
    %sign3A_1683 = arith.constant 0 : i32
    %sign3A_1684 = arith.cmpi sgt, %jit3A_1674, %sign3A_1683 : i32
    %sign3A_1685 = arith.extui %sign3A_1684 : i1 to i32
    %sign3A_1686 = arith.constant 0 : i32
    %sign3A_1687 = arith.cmpi slt, %jit3A_1674, %sign3A_1686 : i32
    %sign3A_1688 = arith.extui %sign3A_1687 : i1 to i32
    %sign3A_1689 = arith.subi %sign3A_1685, %sign3A_1688 : i32
    %ne3A_1690 = arith.cmpi ne, %sign3A_1682, %sign3A_1689 : i32
    %rem3A_1691 = arith.remsi %squeeze3A_1673, %jit3A_1674 : i32
    %ne3A_1692 = arith.constant 0 : i32
    %ne3A_1693 = arith.cmpi ne, %rem3A_1691, %ne3A_1692 : i32
    %and3A_1694 = arith.andi %ne3A_1690, %ne3A_1693 : i1
    %sub3A_1695 = arith.constant 1 : i32
    %sub3A_1696 = arith.subi %div3A_1675, %sub3A_1695 : i32
    %select_n3A_1697 = arith.select %and3A_1694, %sub3A_1696, %div3A_1675 : i32
    %mul3A_1698 = arith.constant 8 : i32
    %mul3A_1699 = arith.muli %select_n3A_1697, %mul3A_1698 : i32
    %sub3A_1700 = arith.subi %squeeze3A_1673, %mul3A_1699 : i32
    %add3A_1701 = arith.constant 3 : i32
    %add3A_1702 = arith.addi %mul3A_2, %add3A_1701 : i32
    %dma_wait3A_1703 = tpu.memref_slice %arg5[%add3A_1702, %mul3A_1699] : memref<1024x100000xf32, #tpu.memory_space<hbm>> -> memref<1x8xf32, #tpu.memory_space<hbm>>
    %dma_wait3A_1704 = arith.constant 0 : i32
    %dma_wait3A_1705 = tpu.memref_slice %arg4[%sub3A_1700, %dma_wait3A_1704] : memref<8x100000xf32, #tpu.memory_space<hbm>> -> memref<1x8xf32, #tpu.memory_space<hbm>>
    tpu.wait_dma2 semaphore(%arg9 : memref<!tpu.dma_semaphore, #tpu.memory_space<semaphore_mem>>) src(%dma_wait3A_1705 : memref<1x8xf32, #tpu.memory_space<hbm>>) dst(%dma_wait3A_1703 : memref<1x8xf32, #tpu.memory_space<hbm>>)
    %get3A_1706 = arith.constant 0 : index
    %get3A_1707 = tpu.vector_load %arg7[%get3A_1706] {strides = array<i32>} : memref<32xi32, #tpu.memory_space<vmem>>, vector<16xi32>,
    %get3A_1708 = vector.shape_cast %get3A_1707 : vector<16xi32> to vector<16xi32>
    %slice3A_1709 = vector.extract_strided_slice %get3A_1708 {offsets = [4], sizes = [1], strides = [1]} : vector<16xi32> to vector<1xi32>
    %squeeze3A_1710 = vector.extract %slice3A_1709[0] : i32 from vector<1xi32>
    %jit3A_1711 = arith.constant 8 : i32
    %div3A_1712 = arith.divsi %squeeze3A_1710, %jit3A_1711 : i32
    %sign3A_1713 = arith.constant 0 : i32
    %sign3A_1714 = arith.cmpi sgt, %squeeze3A_1710, %sign3A_1713 : i32
    %sign3A_1715 = arith.extui %sign3A_1714 : i1 to i32
    %sign3A_1716 = arith.constant 0 : i32
    %sign3A_1717 = arith.cmpi slt, %squeeze3A_1710, %sign3A_1716 : i32
    %sign3A_1718 = arith.extui %sign3A_1717 : i1 to i32
    %sign3A_1719 = arith.subi %sign3A_1715, %sign3A_1718 : i32
    %sign3A_1720 = arith.constant 0 : i32
    %sign3A_1721 = arith.cmpi sgt, %jit3A_1711, %sign3A_1720 : i32
    %sign3A_1722 = arith.extui %sign3A_1721 : i1 to i32
    %sign3A_1723 = arith.constant 0 : i32
    %sign3A_1724 = arith.cmpi slt, %jit3A_1711, %sign3A_1723 : i32
    %sign3A_1725 = arith.extui %sign3A_1724 : i1 to i32
    %sign3A_1726 = arith.subi %sign3A_1722, %sign3A_1725 : i32
    %ne3A_1727 = arith.cmpi ne, %sign3A_1719, %sign3A_1726 : i32
    %rem3A_1728 = arith.remsi %squeeze3A_1710, %jit3A_1711 : i32
    %ne3A_1729 = arith.constant 0 : i32
    %ne3A_1730 = arith.cmpi ne, %rem3A_1728, %ne3A_1729 : i32
    %and3A_1731 = arith.andi %ne3A_1727, %ne3A_1730 : i1
    %sub3A_1732 = arith.constant 1 : i32
    %sub3A_1733 = arith.subi %div3A_1712, %sub3A_1732 : i32
    %select_n3A_1734 = arith.select %and3A_1731, %sub3A_1733, %div3A_1712 : i32
    %mul3A_1735 = arith.constant 8 : i32
    %mul3A_1736 = arith.muli %select_n3A_1734, %mul3A_1735 : i32
    %sub3A_1737 = arith.subi %squeeze3A_1710, %mul3A_1736 : i32
    %add3A_1738 = arith.constant 4 : i32
    %add3A_1739 = arith.addi %mul3A_2, %add3A_1738 : i32
    %dma_wait3A_1740 = tpu.memref_slice %arg5[%add3A_1739, %mul3A_1736] : memref<1024x100000xf32, #tpu.memory_space<hbm>> -> memref<1x8xf32, #tpu.memory_space<hbm>>
    %dma_wait3A_1741 = arith.constant 0 : i32
    %dma_wait3A_1742 = tpu.memref_slice %arg4[%sub3A_1737, %dma_wait3A_1741] : memref<8x100000xf32, #tpu.memory_space<hbm>> -> memref<1x8xf32, #tpu.memory_space<hbm>>
    tpu.wait_dma2 semaphore(%arg9 : memref<!tpu.dma_semaphore, #tpu.memory_space<semaphore_mem>>) src(%dma_wait3A_1742 : memref<1x8xf32, #tpu.memory_space<hbm>>) dst(%dma_wait3A_1740 : memref<1x8xf32, #tpu.memory_space<hbm>>)
    %get3A_1743 = arith.constant 0 : index
    %get3A_1744 = tpu.vector_load %arg7[%get3A_1743] {strides = array<i32>} : memref<32xi32, #tpu.memory_space<vmem>>, vector<16xi32>,
    %get3A_1745 = vector.shape_cast %get3A_1744 : vector<16xi32> to vector<16xi32>
    %slice3A_1746 = vector.extract_strided_slice %get3A_1745 {offsets = [5], sizes = [1], strides = [1]} : vector<16xi32> to vector<1xi32>
    %squeeze3A_1747 = vector.extract %slice3A_1746[0] : i32 from vector<1xi32>
    %jit3A_1748 = arith.constant 8 : i32
    %div3A_1749 = arith.divsi %squeeze3A_1747, %jit3A_1748 : i32
    %sign3A_1750 = arith.constant 0 : i32
    %sign3A_1751 = arith.cmpi sgt, %squeeze3A_1747, %sign3A_1750 : i32
    %sign3A_1752 = arith.extui %sign3A_1751 : i1 to i32
    %sign3A_1753 = arith.constant 0 : i32
    %sign3A_1754 = arith.cmpi slt, %squeeze3A_1747, %sign3A_1753 : i32
    %sign3A_1755 = arith.extui %sign3A_1754 : i1 to i32
    %sign3A_1756 = arith.subi %sign3A_1752, %sign3A_1755 : i32
    %sign3A_1757 = arith.constant 0 : i32
    %sign3A_1758 = arith.cmpi sgt, %jit3A_1748, %sign3A_1757 : i32
    %sign3A_1759 = arith.extui %sign3A_1758 : i1 to i32
    %sign3A_1760 = arith.constant 0 : i32
    %sign3A_1761 = arith.cmpi slt, %jit3A_1748, %sign3A_1760 : i32
    %sign3A_1762 = arith.extui %sign3A_1761 : i1 to i32
    %sign3A_1763 = arith.subi %sign3A_1759, %sign3A_1762 : i32
    %ne3A_1764 = arith.cmpi ne, %sign3A_1756, %sign3A_1763 : i32
    %rem3A_1765 = arith.remsi %squeeze3A_1747, %jit3A_1748 : i32
    %ne3A_1766 = arith.constant 0 : i32
    %ne3A_1767 = arith.cmpi ne, %rem3A_1765, %ne3A_1766 : i32
    %and3A_1768 = arith.andi %ne3A_1764, %ne3A_1767 : i1
    %sub3A_1769 = arith.constant 1 : i32
    %sub3A_1770 = arith.subi %div3A_1749, %sub3A_1769 : i32
    %select_n3A_1771 = arith.select %and3A_1768, %sub3A_1770, %div3A_1749 : i32
    %mul3A_1772 = arith.constant 8 : i32
    %mul3A_1773 = arith.muli %select_n3A_1771, %mul3A_1772 : i32
    %sub3A_1774 = arith.subi %squeeze3A_1747, %mul3A_1773 : i32
    %add3A_1775 = arith.constant 5 : i32
    %add3A_1776 = arith.addi %mul3A_2, %add3A_1775 : i32
    %dma_wait3A_1777 = tpu.memref_slice %arg5[%add3A_1776, %mul3A_1773] : memref<1024x100000xf32, #tpu.memory_space<hbm>> -> memref<1x8xf32, #tpu.memory_space<hbm>>
    %dma_wait3A_1778 = arith.constant 0 : i32
    %dma_wait3A_1779 = tpu.memref_slice %arg4[%sub3A_1774, %dma_wait3A_1778] : memref<8x100000xf32, #tpu.memory_space<hbm>> -> memref<1x8xf32, #tpu.memory_space<hbm>>
    tpu.wait_dma2 semaphore(%arg9 : memref<!tpu.dma_semaphore, #tpu.memory_space<semaphore_mem>>) src(%dma_wait3A_1779 : memref<1x8xf32, #tpu.memory_space<hbm>>) dst(%dma_wait3A_1777 : memref<1x8xf32, #tpu.memory_space<hbm>>)
    %get3A_1780 = arith.constant 0 : index
    %get3A_1781 = tpu.vector_load %arg7[%get3A_1780] {strides = array<i32>} : memref<32xi32, #tpu.memory_space<vmem>>, vector<16xi32>,
    %get3A_1782 = vector.shape_cast %get3A_1781 : vector<16xi32> to vector<16xi32>
    %slice3A_1783 = vector.extract_strided_slice %get3A_1782 {offsets = [6], sizes = [1], strides = [1]} : vector<16xi32> to vector<1xi32>
    %squeeze3A_1784 = vector.extract %slice3A_1783[0] : i32 from vector<1xi32>
    %jit3A_1785 = arith.constant 8 : i32
    %div3A_1786 = arith.divsi %squeeze3A_1784, %jit3A_1785 : i32
    %sign3A_1787 = arith.constant 0 : i32
    %sign3A_1788 = arith.cmpi sgt, %squeeze3A_1784, %sign3A_1787 : i32
    %sign3A_1789 = arith.extui %sign3A_1788 : i1 to i32
    %sign3A_1790 = arith.constant 0 : i32
    %sign3A_1791 = arith.cmpi slt, %squeeze3A_1784, %sign3A_1790 : i32
    %sign3A_1792 = arith.extui %sign3A_1791 : i1 to i32
    %sign3A_1793 = arith.subi %sign3A_1789, %sign3A_1792 : i32
    %sign3A_1794 = arith.constant 0 : i32
    %sign3A_1795 = arith.cmpi sgt, %jit3A_1785, %sign3A_1794 : i32
    %sign3A_1796 = arith.extui %sign3A_1795 : i1 to i32
    %sign3A_1797 = arith.constant 0 : i32
    %sign3A_1798 = arith.cmpi slt, %jit3A_1785, %sign3A_1797 : i32
    %sign3A_1799 = arith.extui %sign3A_1798 : i1 to i32
    %sign3A_1800 = arith.subi %sign3A_1796, %sign3A_1799 : i32
    %ne3A_1801 = arith.cmpi ne, %sign3A_1793, %sign3A_1800 : i32
    %rem3A_1802 = arith.remsi %squeeze3A_1784, %jit3A_1785 : i32
    %ne3A_1803 = arith.constant 0 : i32
    %ne3A_1804 = arith.cmpi ne, %rem3A_1802, %ne3A_1803 : i32
    %and3A_1805 = arith.andi %ne3A_1801, %ne3A_1804 : i1
    %sub3A_1806 = arith.constant 1 : i32
    %sub3A_1807 = arith.subi %div3A_1786, %sub3A_1806 : i32
    %select_n3A_1808 = arith.select %and3A_1805, %sub3A_1807, %div3A_1786 : i32
    %mul3A_1809 = arith.constant 8 : i32
    %mul3A_1810 = arith.muli %select_n3A_1808, %mul3A_1809 : i32
    %sub3A_1811 = arith.subi %squeeze3A_1784, %mul3A_1810 : i32
    %add3A_1812 = arith.constant 6 : i32
    %add3A_1813 = arith.addi %mul3A_2, %add3A_1812 : i32
    %dma_wait3A_1814 = tpu.memref_slice %arg5[%add3A_1813, %mul3A_1810] : memref<1024x100000xf32, #tpu.memory_space<hbm>> -> memref<1x8xf32, #tpu.memory_space<hbm>>
    %dma_wait3A_1815 = arith.constant 0 : i32
    %dma_wait3A_1816 = tpu.memref_slice %arg4[%sub3A_1811, %dma_wait3A_1815] : memref<8x100000xf32, #tpu.memory_space<hbm>> -> memref<1x8xf32, #tpu.memory_space<hbm>>
    tpu.wait_dma2 semaphore(%arg9 : memref<!tpu.dma_semaphore, #tpu.memory_space<semaphore_mem>>) src(%dma_wait3A_1816 : memref<1x8xf32, #tpu.memory_space<hbm>>) dst(%dma_wait3A_1814 : memref<1x8xf32, #tpu.memory_space<hbm>>)
    %get3A_1817 = arith.constant 0 : index
    %get3A_1818 = tpu.vector_load %arg7[%get3A_1817] {strides = array<i32>} : memref<32xi32, #tpu.memory_space<vmem>>, vector<16xi32>,
    %get3A_1819 = vector.shape_cast %get3A_1818 : vector<16xi32> to vector<16xi32>
    %slice3A_1820 = vector.extract_strided_slice %get3A_1819 {offsets = [7], sizes = [1], strides = [1]} : vector<16xi32> to vector<1xi32>
    %squeeze3A_1821 = vector.extract %slice3A_1820[0] : i32 from vector<1xi32>
    %jit3A_1822 = arith.constant 8 : i32
    %div3A_1823 = arith.divsi %squeeze3A_1821, %jit3A_1822 : i32
    %sign3A_1824 = arith.constant 0 : i32
    %sign3A_1825 = arith.cmpi sgt, %squeeze3A_1821, %sign3A_1824 : i32
    %sign3A_1826 = arith.extui %sign3A_1825 : i1 to i32
    %sign3A_1827 = arith.constant 0 : i32
    %sign3A_1828 = arith.cmpi slt, %squeeze3A_1821, %sign3A_1827 : i32
    %sign3A_1829 = arith.extui %sign3A_1828 : i1 to i32
    %sign3A_1830 = arith.subi %sign3A_1826, %sign3A_1829 : i32
    %sign3A_1831 = arith.constant 0 : i32
    %sign3A_1832 = arith.cmpi sgt, %jit3A_1822, %sign3A_1831 : i32
    %sign3A_1833 = arith.extui %sign3A_1832 : i1 to i32
    %sign3A_1834 = arith.constant 0 : i32
    %sign3A_1835 = arith.cmpi slt, %jit3A_1822, %sign3A_1834 : i32
    %sign3A_1836 = arith.extui %sign3A_1835 : i1 to i32
    %sign3A_1837 = arith.subi %sign3A_1833, %sign3A_1836 : i32
    %ne3A_1838 = arith.cmpi ne, %sign3A_1830, %sign3A_1837 : i32
    %rem3A_1839 = arith.remsi %squeeze3A_1821, %jit3A_1822 : i32
    %ne3A_1840 = arith.constant 0 : i32
    %ne3A_1841 = arith.cmpi ne, %rem3A_1839, %ne3A_1840 : i32
    %and3A_1842 = arith.andi %ne3A_1838, %ne3A_1841 : i1
    %sub3A_1843 = arith.constant 1 : i32
    %sub3A_1844 = arith.subi %div3A_1823, %sub3A_1843 : i32
    %select_n3A_1845 = arith.select %and3A_1842, %sub3A_1844, %div3A_1823 : i32
    %mul3A_1846 = arith.constant 8 : i32
    %mul3A_1847 = arith.muli %select_n3A_1845, %mul3A_1846 : i32
    %sub3A_1848 = arith.subi %squeeze3A_1821, %mul3A_1847 : i32
    %add3A_1849 = arith.constant 7 : i32
    %add3A_1850 = arith.addi %mul3A_2, %add3A_1849 : i32
    %dma_wait3A_1851 = tpu.memref_slice %arg5[%add3A_1850, %mul3A_1847] : memref<1024x100000xf32, #tpu.memory_space<hbm>> -> memref<1x8xf32, #tpu.memory_space<hbm>>
    %dma_wait3A_1852 = arith.constant 0 : i32
    %dma_wait3A_1853 = tpu.memref_slice %arg4[%sub3A_1848, %dma_wait3A_1852] : memref<8x100000xf32, #tpu.memory_space<hbm>> -> memref<1x8xf32, #tpu.memory_space<hbm>>
    tpu.wait_dma2 semaphore(%arg9 : memref<!tpu.dma_semaphore, #tpu.memory_space<semaphore_mem>>) src(%dma_wait3A_1853 : memref<1x8xf32, #tpu.memory_space<hbm>>) dst(%dma_wait3A_1851 : memref<1x8xf32, #tpu.memory_space<hbm>>)
    %get3A_1854 = arith.constant 0 : index
    %get3A_1855 = tpu.vector_load %arg7[%get3A_1854] {strides = array<i32>} : memref<32xi32, #tpu.memory_space<vmem>>, vector<16xi32>,
    %get3A_1856 = vector.shape_cast %get3A_1855 : vector<16xi32> to vector<16xi32>
    %slice3A_1857 = vector.extract_strided_slice %get3A_1856 {offsets = [8], sizes = [1], strides = [1]} : vector<16xi32> to vector<1xi32>
    %squeeze3A_1858 = vector.extract %slice3A_1857[0] : i32 from vector<1xi32>
    %jit3A_1859 = arith.constant 8 : i32
    %div3A_1860 = arith.divsi %squeeze3A_1858, %jit3A_1859 : i32
    %sign3A_1861 = arith.constant 0 : i32
    %sign3A_1862 = arith.cmpi sgt, %squeeze3A_1858, %sign3A_1861 : i32
    %sign3A_1863 = arith.extui %sign3A_1862 : i1 to i32
    %sign3A_1864 = arith.constant 0 : i32
    %sign3A_1865 = arith.cmpi slt, %squeeze3A_1858, %sign3A_1864 : i32
    %sign3A_1866 = arith.extui %sign3A_1865 : i1 to i32
    %sign3A_1867 = arith.subi %sign3A_1863, %sign3A_1866 : i32
    %sign3A_1868 = arith.constant 0 : i32
    %sign3A_1869 = arith.cmpi sgt, %jit3A_1859, %sign3A_1868 : i32
    %sign3A_1870 = arith.extui %sign3A_1869 : i1 to i32
    %sign3A_1871 = arith.constant 0 : i32
    %sign3A_1872 = arith.cmpi slt, %jit3A_1859, %sign3A_1871 : i32
    %sign3A_1873 = arith.extui %sign3A_1872 : i1 to i32
    %sign3A_1874 = arith.subi %sign3A_1870, %sign3A_1873 : i32
    %ne3A_1875 = arith.cmpi ne, %sign3A_1867, %sign3A_1874 : i32
    %rem3A_1876 = arith.remsi %squeeze3A_1858, %jit3A_1859 : i32
    %ne3A_1877 = arith.constant 0 : i32
    %ne3A_1878 = arith.cmpi ne, %rem3A_1876, %ne3A_1877 : i32
    %and3A_1879 = arith.andi %ne3A_1875, %ne3A_1878 : i1
    %sub3A_1880 = arith.constant 1 : i32
    %sub3A_1881 = arith.subi %div3A_1860, %sub3A_1880 : i32
    %select_n3A_1882 = arith.select %and3A_1879, %sub3A_1881, %div3A_1860 : i32
    %mul3A_1883 = arith.constant 8 : i32
    %mul3A_1884 = arith.muli %select_n3A_1882, %mul3A_1883 : i32
    %sub3A_1885 = arith.subi %squeeze3A_1858, %mul3A_1884 : i32
    %add3A_1886 = arith.constant 8 : i32
    %add3A_1887 = arith.addi %mul3A_2, %add3A_1886 : i32
    %dma_wait3A_1888 = tpu.memref_slice %arg5[%add3A_1887, %mul3A_1884] : memref<1024x100000xf32, #tpu.memory_space<hbm>> -> memref<1x8xf32, #tpu.memory_space<hbm>>
    %dma_wait3A_1889 = arith.constant 0 : i32
    %dma_wait3A_1890 = tpu.memref_slice %arg4[%sub3A_1885, %dma_wait3A_1889] : memref<8x100000xf32, #tpu.memory_space<hbm>> -> memref<1x8xf32, #tpu.memory_space<hbm>>
    tpu.wait_dma2 semaphore(%arg9 : memref<!tpu.dma_semaphore, #tpu.memory_space<semaphore_mem>>) src(%dma_wait3A_1890 : memref<1x8xf32, #tpu.memory_space<hbm>>) dst(%dma_wait3A_1888 : memref<1x8xf32, #tpu.memory_space<hbm>>)
    %get3A_1891 = arith.constant 0 : index
    %get3A_1892 = tpu.vector_load %arg7[%get3A_1891] {strides = array<i32>} : memref<32xi32, #tpu.memory_space<vmem>>, vector<16xi32>,
    %get3A_1893 = vector.shape_cast %get3A_1892 : vector<16xi32> to vector<16xi32>
    %slice3A_1894 = vector.extract_strided_slice %get3A_1893 {offsets = [9], sizes = [1], strides = [1]} : vector<16xi32> to vector<1xi32>
    %squeeze3A_1895 = vector.extract %slice3A_1894[0] : i32 from vector<1xi32>
    %jit3A_1896 = arith.constant 8 : i32
    %div3A_1897 = arith.divsi %squeeze3A_1895, %jit3A_1896 : i32
    %sign3A_1898 = arith.constant 0 : i32
    %sign3A_1899 = arith.cmpi sgt, %squeeze3A_1895, %sign3A_1898 : i32
    %sign3A_1900 = arith.extui %sign3A_1899 : i1 to i32
    %sign3A_1901 = arith.constant 0 : i32
    %sign3A_1902 = arith.cmpi slt, %squeeze3A_1895, %sign3A_1901 : i32
    %sign3A_1903 = arith.extui %sign3A_1902 : i1 to i32
    %sign3A_1904 = arith.subi %sign3A_1900, %sign3A_1903 : i32
    %sign3A_1905 = arith.constant 0 : i32
    %sign3A_1906 = arith.cmpi sgt, %jit3A_1896, %sign3A_1905 : i32
    %sign3A_1907 = arith.extui %sign3A_1906 : i1 to i32
    %sign3A_1908 = arith.constant 0 : i32
    %sign3A_1909 = arith.cmpi slt, %jit3A_1896, %sign3A_1908 : i32
    %sign3A_1910 = arith.extui %sign3A_1909 : i1 to i32
    %sign3A_1911 = arith.subi %sign3A_1907, %sign3A_1910 : i32
    %ne3A_1912 = arith.cmpi ne, %sign3A_1904, %sign3A_1911 : i32
    %rem3A_1913 = arith.remsi %squeeze3A_1895, %jit3A_1896 : i32
    %ne3A_1914 = arith.constant 0 : i32
    %ne3A_1915 = arith.cmpi ne, %rem3A_1913, %ne3A_1914 : i32
    %and3A_1916 = arith.andi %ne3A_1912, %ne3A_1915 : i1
    %sub3A_1917 = arith.constant 1 : i32
    %sub3A_1918 = arith.subi %div3A_1897, %sub3A_1917 : i32
    %select_n3A_1919 = arith.select %and3A_1916, %sub3A_1918, %div3A_1897 : i32
    %mul3A_1920 = arith.constant 8 : i32
    %mul3A_1921 = arith.muli %select_n3A_1919, %mul3A_1920 : i32
    %sub3A_1922 = arith.subi %squeeze3A_1895, %mul3A_1921 : i32
    %add3A_1923 = arith.constant 9 : i32
    %add3A_1924 = arith.addi %mul3A_2, %add3A_1923 : i32
    %dma_wait3A_1925 = tpu.memref_slice %arg5[%add3A_1924, %mul3A_1921] : memref<1024x100000xf32, #tpu.memory_space<hbm>> -> memref<1x8xf32, #tpu.memory_space<hbm>>
    %dma_wait3A_1926 = arith.constant 0 : i32
    %dma_wait3A_1927 = tpu.memref_slice %arg4[%sub3A_1922, %dma_wait3A_1926] : memref<8x100000xf32, #tpu.memory_space<hbm>> -> memref<1x8xf32, #tpu.memory_space<hbm>>
    tpu.wait_dma2 semaphore(%arg9 : memref<!tpu.dma_semaphore, #tpu.memory_space<semaphore_mem>>) src(%dma_wait3A_1927 : memref<1x8xf32, #tpu.memory_space<hbm>>) dst(%dma_wait3A_1925 : memref<1x8xf32, #tpu.memory_space<hbm>>)
    %get3A_1928 = arith.constant 0 : index
    %get3A_1929 = tpu.vector_load %arg7[%get3A_1928] {strides = array<i32>} : memref<32xi32, #tpu.memory_space<vmem>>, vector<16xi32>,
    %get3A_1930 = vector.shape_cast %get3A_1929 : vector<16xi32> to vector<16xi32>
    %slice3A_1931 = vector.extract_strided_slice %get3A_1930 {offsets = [10], sizes = [1], strides = [1]} : vector<16xi32> to vector<1xi32>
    %squeeze3A_1932 = vector.extract %slice3A_1931[0] : i32 from vector<1xi32>
    %jit3A_1933 = arith.constant 8 : i32
    %div3A_1934 = arith.divsi %squeeze3A_1932, %jit3A_1933 : i32
    %sign3A_1935 = arith.constant 0 : i32
    %sign3A_1936 = arith.cmpi sgt, %squeeze3A_1932, %sign3A_1935 : i32
    %sign3A_1937 = arith.extui %sign3A_1936 : i1 to i32
    %sign3A_1938 = arith.constant 0 : i32
    %sign3A_1939 = arith.cmpi slt, %squeeze3A_1932, %sign3A_1938 : i32
    %sign3A_1940 = arith.extui %sign3A_1939 : i1 to i32
    %sign3A_1941 = arith.subi %sign3A_1937, %sign3A_1940 : i32
    %sign3A_1942 = arith.constant 0 : i32
    %sign3A_1943 = arith.cmpi sgt, %jit3A_1933, %sign3A_1942 : i32
    %sign3A_1944 = arith.extui %sign3A_1943 : i1 to i32
    %sign3A_1945 = arith.constant 0 : i32
    %sign3A_1946 = arith.cmpi slt, %jit3A_1933, %sign3A_1945 : i32
    %sign3A_1947 = arith.extui %sign3A_1946 : i1 to i32
    %sign3A_1948 = arith.subi %sign3A_1944, %sign3A_1947 : i32
    %ne3A_1949 = arith.cmpi ne, %sign3A_1941, %sign3A_1948 : i32
    %rem3A_1950 = arith.remsi %squeeze3A_1932, %jit3A_1933 : i32
    %ne3A_1951 = arith.constant 0 : i32
    %ne3A_1952 = arith.cmpi ne, %rem3A_1950, %ne3A_1951 : i32
    %and3A_1953 = arith.andi %ne3A_1949, %ne3A_1952 : i1
    %sub3A_1954 = arith.constant 1 : i32
    %sub3A_1955 = arith.subi %div3A_1934, %sub3A_1954 : i32
    %select_n3A_1956 = arith.select %and3A_1953, %sub3A_1955, %div3A_1934 : i32
    %mul3A_1957 = arith.constant 8 : i32
    %mul3A_1958 = arith.muli %select_n3A_1956, %mul3A_1957 : i32
    %sub3A_1959 = arith.subi %squeeze3A_1932, %mul3A_1958 : i32
    %add3A_1960 = arith.constant 10 : i32
    %add3A_1961 = arith.addi %mul3A_2, %add3A_1960 : i32
    %dma_wait3A_1962 = tpu.memref_slice %arg5[%add3A_1961, %mul3A_1958] : memref<1024x100000xf32, #tpu.memory_space<hbm>> -> memref<1x8xf32, #tpu.memory_space<hbm>>
    %dma_wait3A_1963 = arith.constant 0 : i32
    %dma_wait3A_1964 = tpu.memref_slice %arg4[%sub3A_1959, %dma_wait3A_1963] : memref<8x100000xf32, #tpu.memory_space<hbm>> -> memref<1x8xf32, #tpu.memory_space<hbm>>
    tpu.wait_dma2 semaphore(%arg9 : memref<!tpu.dma_semaphore, #tpu.memory_space<semaphore_mem>>) src(%dma_wait3A_1964 : memref<1x8xf32, #tpu.memory_space<hbm>>) dst(%dma_wait3A_1962 : memref<1x8xf32, #tpu.memory_space<hbm>>)
    %get3A_1965 = arith.constant 0 : index
    %get3A_1966 = tpu.vector_load %arg7[%get3A_1965] {strides = array<i32>} : memref<32xi32, #tpu.memory_space<vmem>>, vector<16xi32>,
    %get3A_1967 = vector.shape_cast %get3A_1966 : vector<16xi32> to vector<16xi32>
    %slice3A_1968 = vector.extract_strided_slice %get3A_1967 {offsets = [11], sizes = [1], strides = [1]} : vector<16xi32> to vector<1xi32>
    %squeeze3A_1969 = vector.extract %slice3A_1968[0] : i32 from vector<1xi32>
    %jit3A_1970 = arith.constant 8 : i32
    %div3A_1971 = arith.divsi %squeeze3A_1969, %jit3A_1970 : i32
    %sign3A_1972 = arith.constant 0 : i32
    %sign3A_1973 = arith.cmpi sgt, %squeeze3A_1969, %sign3A_1972 : i32
    %sign3A_1974 = arith.extui %sign3A_1973 : i1 to i32
    %sign3A_1975 = arith.constant 0 : i32
    %sign3A_1976 = arith.cmpi slt, %squeeze3A_1969, %sign3A_1975 : i32
    %sign3A_1977 = arith.extui %sign3A_1976 : i1 to i32
    %sign3A_1978 = arith.subi %sign3A_1974, %sign3A_1977 : i32
    %sign3A_1979 = arith.constant 0 : i32
    %sign3A_1980 = arith.cmpi sgt, %jit3A_1970, %sign3A_1979 : i32
    %sign3A_1981 = arith.extui %sign3A_1980 : i1 to i32
    %sign3A_1982 = arith.constant 0 : i32
    %sign3A_1983 = arith.cmpi slt, %jit3A_1970, %sign3A_1982 : i32
    %sign3A_1984 = arith.extui %sign3A_1983 : i1 to i32
    %sign3A_1985 = arith.subi %sign3A_1981, %sign3A_1984 : i32
    %ne3A_1986 = arith.cmpi ne, %sign3A_1978, %sign3A_1985 : i32
    %rem3A_1987 = arith.remsi %squeeze3A_1969, %jit3A_1970 : i32
    %ne3A_1988 = arith.constant 0 : i32
    %ne3A_1989 = arith.cmpi ne, %rem3A_1987, %ne3A_1988 : i32
    %and3A_1990 = arith.andi %ne3A_1986, %ne3A_1989 : i1
    %sub3A_1991 = arith.constant 1 : i32
    %sub3A_1992 = arith.subi %div3A_1971, %sub3A_1991 : i32
    %select_n3A_1993 = arith.select %and3A_1990, %sub3A_1992, %div3A_1971 : i32
    %mul3A_1994 = arith.constant 8 : i32
    %mul3A_1995 = arith.muli %select_n3A_1993, %mul3A_1994 : i32
    %sub3A_1996 = arith.subi %squeeze3A_1969, %mul3A_1995 : i32
    %add3A_1997 = arith.constant 11 : i32
    %add3A_1998 = arith.addi %mul3A_2, %add3A_1997 : i32
    %dma_wait3A_1999 = tpu.memref_slice %arg5[%add3A_1998, %mul3A_1995] : memref<1024x100000xf32, #tpu.memory_space<hbm>> -> memref<1x8xf32, #tpu.memory_space<hbm>>
    %dma_wait3A_2000 = arith.constant 0 : i32
    %dma_wait3A_2001 = tpu.memref_slice %arg4[%sub3A_1996, %dma_wait3A_2000] : memref<8x100000xf32, #tpu.memory_space<hbm>> -> memref<1x8xf32, #tpu.memory_space<hbm>>
    tpu.wait_dma2 semaphore(%arg9 : memref<!tpu.dma_semaphore, #tpu.memory_space<semaphore_mem>>) src(%dma_wait3A_2001 : memref<1x8xf32, #tpu.memory_space<hbm>>) dst(%dma_wait3A_1999 : memref<1x8xf32, #tpu.memory_space<hbm>>)
    %get3A_2002 = arith.constant 0 : index
    %get3A_2003 = tpu.vector_load %arg7[%get3A_2002] {strides = array<i32>} : memref<32xi32, #tpu.memory_space<vmem>>, vector<16xi32>,
    %get3A_2004 = vector.shape_cast %get3A_2003 : vector<16xi32> to vector<16xi32>
    %slice3A_2005 = vector.extract_strided_slice %get3A_2004 {offsets = [12], sizes = [1], strides = [1]} : vector<16xi32> to vector<1xi32>
    %squeeze3A_2006 = vector.extract %slice3A_2005[0] : i32 from vector<1xi32>
    %jit3A_2007 = arith.constant 8 : i32
    %div3A_2008 = arith.divsi %squeeze3A_2006, %jit3A_2007 : i32
    %sign3A_2009 = arith.constant 0 : i32
    %sign3A_2010 = arith.cmpi sgt, %squeeze3A_2006, %sign3A_2009 : i32
    %sign3A_2011 = arith.extui %sign3A_2010 : i1 to i32
    %sign3A_2012 = arith.constant 0 : i32
    %sign3A_2013 = arith.cmpi slt, %squeeze3A_2006, %sign3A_2012 : i32
    %sign3A_2014 = arith.extui %sign3A_2013 : i1 to i32
    %sign3A_2015 = arith.subi %sign3A_2011, %sign3A_2014 : i32
    %sign3A_2016 = arith.constant 0 : i32
    %sign3A_2017 = arith.cmpi sgt, %jit3A_2007, %sign3A_2016 : i32
    %sign3A_2018 = arith.extui %sign3A_2017 : i1 to i32
    %sign3A_2019 = arith.constant 0 : i32
    %sign3A_2020 = arith.cmpi slt, %jit3A_2007, %sign3A_2019 : i32
    %sign3A_2021 = arith.extui %sign3A_2020 : i1 to i32
    %sign3A_2022 = arith.subi %sign3A_2018, %sign3A_2021 : i32
    %ne3A_2023 = arith.cmpi ne, %sign3A_2015, %sign3A_2022 : i32
    %rem3A_2024 = arith.remsi %squeeze3A_2006, %jit3A_2007 : i32
    %ne3A_2025 = arith.constant 0 : i32
    %ne3A_2026 = arith.cmpi ne, %rem3A_2024, %ne3A_2025 : i32
    %and3A_2027 = arith.andi %ne3A_2023, %ne3A_2026 : i1
    %sub3A_2028 = arith.constant 1 : i32
    %sub3A_2029 = arith.subi %div3A_2008, %sub3A_2028 : i32
    %select_n3A_2030 = arith.select %and3A_2027, %sub3A_2029, %div3A_2008 : i32
    %mul3A_2031 = arith.constant 8 : i32
    %mul3A_2032 = arith.muli %select_n3A_2030, %mul3A_2031 : i32
    %sub3A_2033 = arith.subi %squeeze3A_2006, %mul3A_2032 : i32
    %add3A_2034 = arith.constant 12 : i32
    %add3A_2035 = arith.addi %mul3A_2, %add3A_2034 : i32
    %dma_wait3A_2036 = tpu.memref_slice %arg5[%add3A_2035, %mul3A_2032] : memref<1024x100000xf32, #tpu.memory_space<hbm>> -> memref<1x8xf32, #tpu.memory_space<hbm>>
    %dma_wait3A_2037 = arith.constant 0 : i32
    %dma_wait3A_2038 = tpu.memref_slice %arg4[%sub3A_2033, %dma_wait3A_2037] : memref<8x100000xf32, #tpu.memory_space<hbm>> -> memref<1x8xf32, #tpu.memory_space<hbm>>
    tpu.wait_dma2 semaphore(%arg9 : memref<!tpu.dma_semaphore, #tpu.memory_space<semaphore_mem>>) src(%dma_wait3A_2038 : memref<1x8xf32, #tpu.memory_space<hbm>>) dst(%dma_wait3A_2036 : memref<1x8xf32, #tpu.memory_space<hbm>>)
    %get3A_2039 = arith.constant 0 : index
    %get3A_2040 = tpu.vector_load %arg7[%get3A_2039] {strides = array<i32>} : memref<32xi32, #tpu.memory_space<vmem>>, vector<16xi32>,
    %get3A_2041 = vector.shape_cast %get3A_2040 : vector<16xi32> to vector<16xi32>
    %slice3A_2042 = vector.extract_strided_slice %get3A_2041 {offsets = [13], sizes = [1], strides = [1]} : vector<16xi32> to vector<1xi32>
    %squeeze3A_2043 = vector.extract %slice3A_2042[0] : i32 from vector<1xi32>
    %jit3A_2044 = arith.constant 8 : i32
    %div3A_2045 = arith.divsi %squeeze3A_2043, %jit3A_2044 : i32
    %sign3A_2046 = arith.constant 0 : i32
    %sign3A_2047 = arith.cmpi sgt, %squeeze3A_2043, %sign3A_2046 : i32
    %sign3A_2048 = arith.extui %sign3A_2047 : i1 to i32
    %sign3A_2049 = arith.constant 0 : i32
    %sign3A_2050 = arith.cmpi slt, %squeeze3A_2043, %sign3A_2049 : i32
    %sign3A_2051 = arith.extui %sign3A_2050 : i1 to i32
    %sign3A_2052 = arith.subi %sign3A_2048, %sign3A_2051 : i32
    %sign3A_2053 = arith.constant 0 : i32
    %sign3A_2054 = arith.cmpi sgt, %jit3A_2044, %sign3A_2053 : i32
    %sign3A_2055 = arith.extui %sign3A_2054 : i1 to i32
    %sign3A_2056 = arith.constant 0 : i32
    %sign3A_2057 = arith.cmpi slt, %jit3A_2044, %sign3A_2056 : i32
    %sign3A_2058 = arith.extui %sign3A_2057 : i1 to i32
    %sign3A_2059 = arith.subi %sign3A_2055, %sign3A_2058 : i32
    %ne3A_2060 = arith.cmpi ne, %sign3A_2052, %sign3A_2059 : i32
    %rem3A_2061 = arith.remsi %squeeze3A_2043, %jit3A_2044 : i32
    %ne3A_2062 = arith.constant 0 : i32
    %ne3A_2063 = arith.cmpi ne, %rem3A_2061, %ne3A_2062 : i32
    %and3A_2064 = arith.andi %ne3A_2060, %ne3A_2063 : i1
    %sub3A_2065 = arith.constant 1 : i32
    %sub3A_2066 = arith.subi %div3A_2045, %sub3A_2065 : i32
    %select_n3A_2067 = arith.select %and3A_2064, %sub3A_2066, %div3A_2045 : i32
    %mul3A_2068 = arith.constant 8 : i32
    %mul3A_2069 = arith.muli %select_n3A_2067, %mul3A_2068 : i32
    %sub3A_2070 = arith.subi %squeeze3A_2043, %mul3A_2069 : i32
    %add3A_2071 = arith.constant 13 : i32
    %add3A_2072 = arith.addi %mul3A_2, %add3A_2071 : i32
    %dma_wait3A_2073 = tpu.memref_slice %arg5[%add3A_2072, %mul3A_2069] : memref<1024x100000xf32, #tpu.memory_space<hbm>> -> memref<1x8xf32, #tpu.memory_space<hbm>>
    %dma_wait3A_2074 = arith.constant 0 : i32
    %dma_wait3A_2075 = tpu.memref_slice %arg4[%sub3A_2070, %dma_wait3A_2074] : memref<8x100000xf32, #tpu.memory_space<hbm>> -> memref<1x8xf32, #tpu.memory_space<hbm>>
    tpu.wait_dma2 semaphore(%arg9 : memref<!tpu.dma_semaphore, #tpu.memory_space<semaphore_mem>>) src(%dma_wait3A_2075 : memref<1x8xf32, #tpu.memory_space<hbm>>) dst(%dma_wait3A_2073 : memref<1x8xf32, #tpu.memory_space<hbm>>)
    %get3A_2076 = arith.constant 0 : index
    %get3A_2077 = tpu.vector_load %arg7[%get3A_2076] {strides = array<i32>} : memref<32xi32, #tpu.memory_space<vmem>>, vector<16xi32>,
    %get3A_2078 = vector.shape_cast %get3A_2077 : vector<16xi32> to vector<16xi32>
    %slice3A_2079 = vector.extract_strided_slice %get3A_2078 {offsets = [14], sizes = [1], strides = [1]} : vector<16xi32> to vector<1xi32>
    %squeeze3A_2080 = vector.extract %slice3A_2079[0] : i32 from vector<1xi32>
    %jit3A_2081 = arith.constant 8 : i32
    %div3A_2082 = arith.divsi %squeeze3A_2080, %jit3A_2081 : i32
    %sign3A_2083 = arith.constant 0 : i32
    %sign3A_2084 = arith.cmpi sgt, %squeeze3A_2080, %sign3A_2083 : i32
    %sign3A_2085 = arith.extui %sign3A_2084 : i1 to i32
    %sign3A_2086 = arith.constant 0 : i32
    %sign3A_2087 = arith.cmpi slt, %squeeze3A_2080, %sign3A_2086 : i32
    %sign3A_2088 = arith.extui %sign3A_2087 : i1 to i32
    %sign3A_2089 = arith.subi %sign3A_2085, %sign3A_2088 : i32
    %sign3A_2090 = arith.constant 0 : i32
    %sign3A_2091 = arith.cmpi sgt, %jit3A_2081, %sign3A_2090 : i32
    %sign3A_2092 = arith.extui %sign3A_2091 : i1 to i32
    %sign3A_2093 = arith.constant 0 : i32
    %sign3A_2094 = arith.cmpi slt, %jit3A_2081, %sign3A_2093 : i32
    %sign3A_2095 = arith.extui %sign3A_2094 : i1 to i32
    %sign3A_2096 = arith.subi %sign3A_2092, %sign3A_2095 : i32
    %ne3A_2097 = arith.cmpi ne, %sign3A_2089, %sign3A_2096 : i32
    %rem3A_2098 = arith.remsi %squeeze3A_2080, %jit3A_2081 : i32
    %ne3A_2099 = arith.constant 0 : i32
    %ne3A_2100 = arith.cmpi ne, %rem3A_2098, %ne3A_2099 : i32
    %and3A_2101 = arith.andi %ne3A_2097, %ne3A_2100 : i1
    %sub3A_2102 = arith.constant 1 : i32
    %sub3A_2103 = arith.subi %div3A_2082, %sub3A_2102 : i32
    %select_n3A_2104 = arith.select %and3A_2101, %sub3A_2103, %div3A_2082 : i32
    %mul3A_2105 = arith.constant 8 : i32
    %mul3A_2106 = arith.muli %select_n3A_2104, %mul3A_2105 : i32
    %sub3A_2107 = arith.subi %squeeze3A_2080, %mul3A_2106 : i32
    %add3A_2108 = arith.constant 14 : i32
    %add3A_2109 = arith.addi %mul3A_2, %add3A_2108 : i32
    %dma_wait3A_2110 = tpu.memref_slice %arg5[%add3A_2109, %mul3A_2106] : memref<1024x100000xf32, #tpu.memory_space<hbm>> -> memref<1x8xf32, #tpu.memory_space<hbm>>
    %dma_wait3A_2111 = arith.constant 0 : i32
    %dma_wait3A_2112 = tpu.memref_slice %arg4[%sub3A_2107, %dma_wait3A_2111] : memref<8x100000xf32, #tpu.memory_space<hbm>> -> memref<1x8xf32, #tpu.memory_space<hbm>>
    tpu.wait_dma2 semaphore(%arg9 : memref<!tpu.dma_semaphore, #tpu.memory_space<semaphore_mem>>) src(%dma_wait3A_2112 : memref<1x8xf32, #tpu.memory_space<hbm>>) dst(%dma_wait3A_2110 : memref<1x8xf32, #tpu.memory_space<hbm>>)
    %get3A_2113 = arith.constant 0 : index
    %get3A_2114 = tpu.vector_load %arg7[%get3A_2113] {strides = array<i32>} : memref<32xi32, #tpu.memory_space<vmem>>, vector<16xi32>,
    %get3A_2115 = vector.shape_cast %get3A_2114 : vector<16xi32> to vector<16xi32>
    %slice3A_2116 = vector.extract_strided_slice %get3A_2115 {offsets = [15], sizes = [1], strides = [1]} : vector<16xi32> to vector<1xi32>
    %squeeze3A_2117 = vector.extract %slice3A_2116[0] : i32 from vector<1xi32>
    %jit3A_2118 = arith.constant 8 : i32
    %div3A_2119 = arith.divsi %squeeze3A_2117, %jit3A_2118 : i32
    %sign3A_2120 = arith.constant 0 : i32
    %sign3A_2121 = arith.cmpi sgt, %squeeze3A_2117, %sign3A_2120 : i32
    %sign3A_2122 = arith.extui %sign3A_2121 : i1 to i32
    %sign3A_2123 = arith.constant 0 : i32
    %sign3A_2124 = arith.cmpi slt, %squeeze3A_2117, %sign3A_2123 : i32
    %sign3A_2125 = arith.extui %sign3A_2124 : i1 to i32
    %sign3A_2126 = arith.subi %sign3A_2122, %sign3A_2125 : i32
    %sign3A_2127 = arith.constant 0 : i32
    %sign3A_2128 = arith.cmpi sgt, %jit3A_2118, %sign3A_2127 : i32
    %sign3A_2129 = arith.extui %sign3A_2128 : i1 to i32
    %sign3A_2130 = arith.constant 0 : i32
    %sign3A_2131 = arith.cmpi slt, %jit3A_2118, %sign3A_2130 : i32
    %sign3A_2132 = arith.extui %sign3A_2131 : i1 to i32
    %sign3A_2133 = arith.subi %sign3A_2129, %sign3A_2132 : i32
    %ne3A_2134 = arith.cmpi ne, %sign3A_2126, %sign3A_2133 : i32
    %rem3A_2135 = arith.remsi %squeeze3A_2117, %jit3A_2118 : i32
    %ne3A_2136 = arith.constant 0 : i32
    %ne3A_2137 = arith.cmpi ne, %rem3A_2135, %ne3A_2136 : i32
    %and3A_2138 = arith.andi %ne3A_2134, %ne3A_2137 : i1
    %sub3A_2139 = arith.constant 1 : i32
    %sub3A_2140 = arith.subi %div3A_2119, %sub3A_2139 : i32
    %select_n3A_2141 = arith.select %and3A_2138, %sub3A_2140, %div3A_2119 : i32
    %mul3A_2142 = arith.constant 8 : i32
    %mul3A_2143 = arith.muli %select_n3A_2141, %mul3A_2142 : i32
    %sub3A_2144 = arith.subi %squeeze3A_2117, %mul3A_2143 : i32
    %add3A_2145 = arith.constant 15 : i32
    %add3A_2146 = arith.addi %mul3A_2, %add3A_2145 : i32
    %dma_wait3A_2147 = tpu.memref_slice %arg5[%add3A_2146, %mul3A_2143] : memref<1024x100000xf32, #tpu.memory_space<hbm>> -> memref<1x8xf32, #tpu.memory_space<hbm>>
    %dma_wait3A_2148 = arith.constant 0 : i32
    %dma_wait3A_2149 = tpu.memref_slice %arg4[%sub3A_2144, %dma_wait3A_2148] : memref<8x100000xf32, #tpu.memory_space<hbm>> -> memref<1x8xf32, #tpu.memory_space<hbm>>
    tpu.wait_dma2 semaphore(%arg9 : memref<!tpu.dma_semaphore, #tpu.memory_space<semaphore_mem>>) src(%dma_wait3A_2149 : memref<1x8xf32, #tpu.memory_space<hbm>>) dst(%dma_wait3A_2147 : memref<1x8xf32, #tpu.memory_space<hbm>>)
    %get3A_2150 = arith.constant 16 : index
    %get3A_2151 = tpu.vector_load %arg7[%get3A_2150] {strides = array<i32>} : memref<32xi32, #tpu.memory_space<vmem>>, vector<16xi32>,
    %get3A_2152 = vector.shape_cast %get3A_2151 : vector<16xi32> to vector<16xi32>
    %slice3A_2153 = vector.extract_strided_slice %get3A_2152 {offsets = [0], sizes = [1], strides = [1]} : vector<16xi32> to vector<1xi32>
    %squeeze3A_2154 = vector.extract %slice3A_2153[0] : i32 from vector<1xi32>
    %jit3A_2155 = arith.constant 8 : i32
    %div3A_2156 = arith.divsi %squeeze3A_2154, %jit3A_2155 : i32
    %sign3A_2157 = arith.constant 0 : i32
    %sign3A_2158 = arith.cmpi sgt, %squeeze3A_2154, %sign3A_2157 : i32
    %sign3A_2159 = arith.extui %sign3A_2158 : i1 to i32
    %sign3A_2160 = arith.constant 0 : i32
    %sign3A_2161 = arith.cmpi slt, %squeeze3A_2154, %sign3A_2160 : i32
    %sign3A_2162 = arith.extui %sign3A_2161 : i1 to i32
    %sign3A_2163 = arith.subi %sign3A_2159, %sign3A_2162 : i32
    %sign3A_2164 = arith.constant 0 : i32
    %sign3A_2165 = arith.cmpi sgt, %jit3A_2155, %sign3A_2164 : i32
    %sign3A_2166 = arith.extui %sign3A_2165 : i1 to i32
    %sign3A_2167 = arith.constant 0 : i32
    %sign3A_2168 = arith.cmpi slt, %jit3A_2155, %sign3A_2167 : i32
    %sign3A_2169 = arith.extui %sign3A_2168 : i1 to i32
    %sign3A_2170 = arith.subi %sign3A_2166, %sign3A_2169 : i32
    %ne3A_2171 = arith.cmpi ne, %sign3A_2163, %sign3A_2170 : i32
    %rem3A_2172 = arith.remsi %squeeze3A_2154, %jit3A_2155 : i32
    %ne3A_2173 = arith.constant 0 : i32
    %ne3A_2174 = arith.cmpi ne, %rem3A_2172, %ne3A_2173 : i32
    %and3A_2175 = arith.andi %ne3A_2171, %ne3A_2174 : i1
    %sub3A_2176 = arith.constant 1 : i32
    %sub3A_2177 = arith.subi %div3A_2156, %sub3A_2176 : i32
    %select_n3A_2178 = arith.select %and3A_2175, %sub3A_2177, %div3A_2156 : i32
    %mul3A_2179 = arith.constant 8 : i32
    %mul3A_2180 = arith.muli %select_n3A_2178, %mul3A_2179 : i32
    %sub3A_2181 = arith.subi %squeeze3A_2154, %mul3A_2180 : i32
    %add3A_2182 = arith.constant 16 : i32
    %add3A_2183 = arith.addi %mul3A_2, %add3A_2182 : i32
    %dma_wait3A_2184 = tpu.memref_slice %arg5[%add3A_2183, %mul3A_2180] : memref<1024x100000xf32, #tpu.memory_space<hbm>> -> memref<1x8xf32, #tpu.memory_space<hbm>>
    %dma_wait3A_2185 = arith.constant 0 : i32
    %dma_wait3A_2186 = tpu.memref_slice %arg4[%sub3A_2181, %dma_wait3A_2185] : memref<8x100000xf32, #tpu.memory_space<hbm>> -> memref<1x8xf32, #tpu.memory_space<hbm>>
    tpu.wait_dma2 semaphore(%arg9 : memref<!tpu.dma_semaphore, #tpu.memory_space<semaphore_mem>>) src(%dma_wait3A_2186 : memref<1x8xf32, #tpu.memory_space<hbm>>) dst(%dma_wait3A_2184 : memref<1x8xf32, #tpu.memory_space<hbm>>)
    %get3A_2187 = arith.constant 16 : index
    %get3A_2188 = tpu.vector_load %arg7[%get3A_2187] {strides = array<i32>} : memref<32xi32, #tpu.memory_space<vmem>>, vector<16xi32>,
    %get3A_2189 = vector.shape_cast %get3A_2188 : vector<16xi32> to vector<16xi32>
    %slice3A_2190 = vector.extract_strided_slice %get3A_2189 {offsets = [1], sizes = [1], strides = [1]} : vector<16xi32> to vector<1xi32>
    %squeeze3A_2191 = vector.extract %slice3A_2190[0] : i32 from vector<1xi32>
    %jit3A_2192 = arith.constant 8 : i32
    %div3A_2193 = arith.divsi %squeeze3A_2191, %jit3A_2192 : i32
    %sign3A_2194 = arith.constant 0 : i32
    %sign3A_2195 = arith.cmpi sgt, %squeeze3A_2191, %sign3A_2194 : i32
    %sign3A_2196 = arith.extui %sign3A_2195 : i1 to i32
    %sign3A_2197 = arith.constant 0 : i32
    %sign3A_2198 = arith.cmpi slt, %squeeze3A_2191, %sign3A_2197 : i32
    %sign3A_2199 = arith.extui %sign3A_2198 : i1 to i32
    %sign3A_2200 = arith.subi %sign3A_2196, %sign3A_2199 : i32
    %sign3A_2201 = arith.constant 0 : i32
    %sign3A_2202 = arith.cmpi sgt, %jit3A_2192, %sign3A_2201 : i32
    %sign3A_2203 = arith.extui %sign3A_2202 : i1 to i32
    %sign3A_2204 = arith.constant 0 : i32
    %sign3A_2205 = arith.cmpi slt, %jit3A_2192, %sign3A_2204 : i32
    %sign3A_2206 = arith.extui %sign3A_2205 : i1 to i32
    %sign3A_2207 = arith.subi %sign3A_2203, %sign3A_2206 : i32
    %ne3A_2208 = arith.cmpi ne, %sign3A_2200, %sign3A_2207 : i32
    %rem3A_2209 = arith.remsi %squeeze3A_2191, %jit3A_2192 : i32
    %ne3A_2210 = arith.constant 0 : i32
    %ne3A_2211 = arith.cmpi ne, %rem3A_2209, %ne3A_2210 : i32
    %and3A_2212 = arith.andi %ne3A_2208, %ne3A_2211 : i1
    %sub3A_2213 = arith.constant 1 : i32
    %sub3A_2214 = arith.subi %div3A_2193, %sub3A_2213 : i32
    %select_n3A_2215 = arith.select %and3A_2212, %sub3A_2214, %div3A_2193 : i32
    %mul3A_2216 = arith.constant 8 : i32
    %mul3A_2217 = arith.muli %select_n3A_2215, %mul3A_2216 : i32
    %sub3A_2218 = arith.subi %squeeze3A_2191, %mul3A_2217 : i32
    %add3A_2219 = arith.constant 17 : i32
    %add3A_2220 = arith.addi %mul3A_2, %add3A_2219 : i32
    %dma_wait3A_2221 = tpu.memref_slice %arg5[%add3A_2220, %mul3A_2217] : memref<1024x100000xf32, #tpu.memory_space<hbm>> -> memref<1x8xf32, #tpu.memory_space<hbm>>
    %dma_wait3A_2222 = arith.constant 0 : i32
    %dma_wait3A_2223 = tpu.memref_slice %arg4[%sub3A_2218, %dma_wait3A_2222] : memref<8x100000xf32, #tpu.memory_space<hbm>> -> memref<1x8xf32, #tpu.memory_space<hbm>>
    tpu.wait_dma2 semaphore(%arg9 : memref<!tpu.dma_semaphore, #tpu.memory_space<semaphore_mem>>) src(%dma_wait3A_2223 : memref<1x8xf32, #tpu.memory_space<hbm>>) dst(%dma_wait3A_2221 : memref<1x8xf32, #tpu.memory_space<hbm>>)
    %get3A_2224 = arith.constant 16 : index
    %get3A_2225 = tpu.vector_load %arg7[%get3A_2224] {strides = array<i32>} : memref<32xi32, #tpu.memory_space<vmem>>, vector<16xi32>,
    %get3A_2226 = vector.shape_cast %get3A_2225 : vector<16xi32> to vector<16xi32>
    %slice3A_2227 = vector.extract_strided_slice %get3A_2226 {offsets = [2], sizes = [1], strides = [1]} : vector<16xi32> to vector<1xi32>
    %squeeze3A_2228 = vector.extract %slice3A_2227[0] : i32 from vector<1xi32>
    %jit3A_2229 = arith.constant 8 : i32
    %div3A_2230 = arith.divsi %squeeze3A_2228, %jit3A_2229 : i32
    %sign3A_2231 = arith.constant 0 : i32
    %sign3A_2232 = arith.cmpi sgt, %squeeze3A_2228, %sign3A_2231 : i32
    %sign3A_2233 = arith.extui %sign3A_2232 : i1 to i32
    %sign3A_2234 = arith.constant 0 : i32
    %sign3A_2235 = arith.cmpi slt, %squeeze3A_2228, %sign3A_2234 : i32
    %sign3A_2236 = arith.extui %sign3A_2235 : i1 to i32
    %sign3A_2237 = arith.subi %sign3A_2233, %sign3A_2236 : i32
    %sign3A_2238 = arith.constant 0 : i32
    %sign3A_2239 = arith.cmpi sgt, %jit3A_2229, %sign3A_2238 : i32
    %sign3A_2240 = arith.extui %sign3A_2239 : i1 to i32
    %sign3A_2241 = arith.constant 0 : i32
    %sign3A_2242 = arith.cmpi slt, %jit3A_2229, %sign3A_2241 : i32
    %sign3A_2243 = arith.extui %sign3A_2242 : i1 to i32
    %sign3A_2244 = arith.subi %sign3A_2240, %sign3A_2243 : i32
    %ne3A_2245 = arith.cmpi ne, %sign3A_2237, %sign3A_2244 : i32
    %rem3A_2246 = arith.remsi %squeeze3A_2228, %jit3A_2229 : i32
    %ne3A_2247 = arith.constant 0 : i32
    %ne3A_2248 = arith.cmpi ne, %rem3A_2246, %ne3A_2247 : i32
    %and3A_2249 = arith.andi %ne3A_2245, %ne3A_2248 : i1
    %sub3A_2250 = arith.constant 1 : i32
    %sub3A_2251 = arith.subi %div3A_2230, %sub3A_2250 : i32
    %select_n3A_2252 = arith.select %and3A_2249, %sub3A_2251, %div3A_2230 : i32
    %mul3A_2253 = arith.constant 8 : i32
    %mul3A_2254 = arith.muli %select_n3A_2252, %mul3A_2253 : i32
    %sub3A_2255 = arith.subi %squeeze3A_2228, %mul3A_2254 : i32
    %add3A_2256 = arith.constant 18 : i32
    %add3A_2257 = arith.addi %mul3A_2, %add3A_2256 : i32
    %dma_wait3A_2258 = tpu.memref_slice %arg5[%add3A_2257, %mul3A_2254] : memref<1024x100000xf32, #tpu.memory_space<hbm>> -> memref<1x8xf32, #tpu.memory_space<hbm>>
    %dma_wait3A_2259 = arith.constant 0 : i32
    %dma_wait3A_2260 = tpu.memref_slice %arg4[%sub3A_2255, %dma_wait3A_2259] : memref<8x100000xf32, #tpu.memory_space<hbm>> -> memref<1x8xf32, #tpu.memory_space<hbm>>
    tpu.wait_dma2 semaphore(%arg9 : memref<!tpu.dma_semaphore, #tpu.memory_space<semaphore_mem>>) src(%dma_wait3A_2260 : memref<1x8xf32, #tpu.memory_space<hbm>>) dst(%dma_wait3A_2258 : memref<1x8xf32, #tpu.memory_space<hbm>>)
    %get3A_2261 = arith.constant 16 : index
    %get3A_2262 = tpu.vector_load %arg7[%get3A_2261] {strides = array<i32>} : memref<32xi32, #tpu.memory_space<vmem>>, vector<16xi32>,
    %get3A_2263 = vector.shape_cast %get3A_2262 : vector<16xi32> to vector<16xi32>
    %slice3A_2264 = vector.extract_strided_slice %get3A_2263 {offsets = [3], sizes = [1], strides = [1]} : vector<16xi32> to vector<1xi32>
    %squeeze3A_2265 = vector.extract %slice3A_2264[0] : i32 from vector<1xi32>
    %jit3A_2266 = arith.constant 8 : i32
    %div3A_2267 = arith.divsi %squeeze3A_2265, %jit3A_2266 : i32
    %sign3A_2268 = arith.constant 0 : i32
    %sign3A_2269 = arith.cmpi sgt, %squeeze3A_2265, %sign3A_2268 : i32
    %sign3A_2270 = arith.extui %sign3A_2269 : i1 to i32
    %sign3A_2271 = arith.constant 0 : i32
    %sign3A_2272 = arith.cmpi slt, %squeeze3A_2265, %sign3A_2271 : i32
    %sign3A_2273 = arith.extui %sign3A_2272 : i1 to i32
    %sign3A_2274 = arith.subi %sign3A_2270, %sign3A_2273 : i32
    %sign3A_2275 = arith.constant 0 : i32
    %sign3A_2276 = arith.cmpi sgt, %jit3A_2266, %sign3A_2275 : i32
    %sign3A_2277 = arith.extui %sign3A_2276 : i1 to i32
    %sign3A_2278 = arith.constant 0 : i32
    %sign3A_2279 = arith.cmpi slt, %jit3A_2266, %sign3A_2278 : i32
    %sign3A_2280 = arith.extui %sign3A_2279 : i1 to i32
    %sign3A_2281 = arith.subi %sign3A_2277, %sign3A_2280 : i32
    %ne3A_2282 = arith.cmpi ne, %sign3A_2274, %sign3A_2281 : i32
    %rem3A_2283 = arith.remsi %squeeze3A_2265, %jit3A_2266 : i32
    %ne3A_2284 = arith.constant 0 : i32
    %ne3A_2285 = arith.cmpi ne, %rem3A_2283, %ne3A_2284 : i32
    %and3A_2286 = arith.andi %ne3A_2282, %ne3A_2285 : i1
    %sub3A_2287 = arith.constant 1 : i32
    %sub3A_2288 = arith.subi %div3A_2267, %sub3A_2287 : i32
    %select_n3A_2289 = arith.select %and3A_2286, %sub3A_2288, %div3A_2267 : i32
    %mul3A_2290 = arith.constant 8 : i32
    %mul3A_2291 = arith.muli %select_n3A_2289, %mul3A_2290 : i32
    %sub3A_2292 = arith.subi %squeeze3A_2265, %mul3A_2291 : i32
    %add3A_2293 = arith.constant 19 : i32
    %add3A_2294 = arith.addi %mul3A_2, %add3A_2293 : i32
    %dma_wait3A_2295 = tpu.memref_slice %arg5[%add3A_2294, %mul3A_2291] : memref<1024x100000xf32, #tpu.memory_space<hbm>> -> memref<1x8xf32, #tpu.memory_space<hbm>>
    %dma_wait3A_2296 = arith.constant 0 : i32
    %dma_wait3A_2297 = tpu.memref_slice %arg4[%sub3A_2292, %dma_wait3A_2296] : memref<8x100000xf32, #tpu.memory_space<hbm>> -> memref<1x8xf32, #tpu.memory_space<hbm>>
    tpu.wait_dma2 semaphore(%arg9 : memref<!tpu.dma_semaphore, #tpu.memory_space<semaphore_mem>>) src(%dma_wait3A_2297 : memref<1x8xf32, #tpu.memory_space<hbm>>) dst(%dma_wait3A_2295 : memref<1x8xf32, #tpu.memory_space<hbm>>)
    %get3A_2298 = arith.constant 16 : index
    %get3A_2299 = tpu.vector_load %arg7[%get3A_2298] {strides = array<i32>} : memref<32xi32, #tpu.memory_space<vmem>>, vector<16xi32>,
    %get3A_2300 = vector.shape_cast %get3A_2299 : vector<16xi32> to vector<16xi32>
    %slice3A_2301 = vector.extract_strided_slice %get3A_2300 {offsets = [4], sizes = [1], strides = [1]} : vector<16xi32> to vector<1xi32>
    %squeeze3A_2302 = vector.extract %slice3A_2301[0] : i32 from vector<1xi32>
    %jit3A_2303 = arith.constant 8 : i32
    %div3A_2304 = arith.divsi %squeeze3A_2302, %jit3A_2303 : i32
    %sign3A_2305 = arith.constant 0 : i32
    %sign3A_2306 = arith.cmpi sgt, %squeeze3A_2302, %sign3A_2305 : i32
    %sign3A_2307 = arith.extui %sign3A_2306 : i1 to i32
    %sign3A_2308 = arith.constant 0 : i32
    %sign3A_2309 = arith.cmpi slt, %squeeze3A_2302, %sign3A_2308 : i32
    %sign3A_2310 = arith.extui %sign3A_2309 : i1 to i32
    %sign3A_2311 = arith.subi %sign3A_2307, %sign3A_2310 : i32
    %sign3A_2312 = arith.constant 0 : i32
    %sign3A_2313 = arith.cmpi sgt, %jit3A_2303, %sign3A_2312 : i32
    %sign3A_2314 = arith.extui %sign3A_2313 : i1 to i32
    %sign3A_2315 = arith.constant 0 : i32
    %sign3A_2316 = arith.cmpi slt, %jit3A_2303, %sign3A_2315 : i32
    %sign3A_2317 = arith.extui %sign3A_2316 : i1 to i32
    %sign3A_2318 = arith.subi %sign3A_2314, %sign3A_2317 : i32
    %ne3A_2319 = arith.cmpi ne, %sign3A_2311, %sign3A_2318 : i32
    %rem3A_2320 = arith.remsi %squeeze3A_2302, %jit3A_2303 : i32
    %ne3A_2321 = arith.constant 0 : i32
    %ne3A_2322 = arith.cmpi ne, %rem3A_2320, %ne3A_2321 : i32
    %and3A_2323 = arith.andi %ne3A_2319, %ne3A_2322 : i1
    %sub3A_2324 = arith.constant 1 : i32
    %sub3A_2325 = arith.subi %div3A_2304, %sub3A_2324 : i32
    %select_n3A_2326 = arith.select %and3A_2323, %sub3A_2325, %div3A_2304 : i32
    %mul3A_2327 = arith.constant 8 : i32
    %mul3A_2328 = arith.muli %select_n3A_2326, %mul3A_2327 : i32
    %sub3A_2329 = arith.subi %squeeze3A_2302, %mul3A_2328 : i32
    %add3A_2330 = arith.constant 20 : i32
    %add3A_2331 = arith.addi %mul3A_2, %add3A_2330 : i32
    %dma_wait3A_2332 = tpu.memref_slice %arg5[%add3A_2331, %mul3A_2328] : memref<1024x100000xf32, #tpu.memory_space<hbm>> -> memref<1x8xf32, #tpu.memory_space<hbm>>
    %dma_wait3A_2333 = arith.constant 0 : i32
    %dma_wait3A_2334 = tpu.memref_slice %arg4[%sub3A_2329, %dma_wait3A_2333] : memref<8x100000xf32, #tpu.memory_space<hbm>> -> memref<1x8xf32, #tpu.memory_space<hbm>>
    tpu.wait_dma2 semaphore(%arg9 : memref<!tpu.dma_semaphore, #tpu.memory_space<semaphore_mem>>) src(%dma_wait3A_2334 : memref<1x8xf32, #tpu.memory_space<hbm>>) dst(%dma_wait3A_2332 : memref<1x8xf32, #tpu.memory_space<hbm>>)
    %get3A_2335 = arith.constant 16 : index
    %get3A_2336 = tpu.vector_load %arg7[%get3A_2335] {strides = array<i32>} : memref<32xi32, #tpu.memory_space<vmem>>, vector<16xi32>,
    %get3A_2337 = vector.shape_cast %get3A_2336 : vector<16xi32> to vector<16xi32>
    %slice3A_2338 = vector.extract_strided_slice %get3A_2337 {offsets = [5], sizes = [1], strides = [1]} : vector<16xi32> to vector<1xi32>
    %squeeze3A_2339 = vector.extract %slice3A_2338[0] : i32 from vector<1xi32>
    %jit3A_2340 = arith.constant 8 : i32
    %div3A_2341 = arith.divsi %squeeze3A_2339, %jit3A_2340 : i32
    %sign3A_2342 = arith.constant 0 : i32
    %sign3A_2343 = arith.cmpi sgt, %squeeze3A_2339, %sign3A_2342 : i32
    %sign3A_2344 = arith.extui %sign3A_2343 : i1 to i32
    %sign3A_2345 = arith.constant 0 : i32
    %sign3A_2346 = arith.cmpi slt, %squeeze3A_2339, %sign3A_2345 : i32
    %sign3A_2347 = arith.extui %sign3A_2346 : i1 to i32
    %sign3A_2348 = arith.subi %sign3A_2344, %sign3A_2347 : i32
    %sign3A_2349 = arith.constant 0 : i32
    %sign3A_2350 = arith.cmpi sgt, %jit3A_2340, %sign3A_2349 : i32
    %sign3A_2351 = arith.extui %sign3A_2350 : i1 to i32
    %sign3A_2352 = arith.constant 0 : i32
    %sign3A_2353 = arith.cmpi slt, %jit3A_2340, %sign3A_2352 : i32
    %sign3A_2354 = arith.extui %sign3A_2353 : i1 to i32
    %sign3A_2355 = arith.subi %sign3A_2351, %sign3A_2354 : i32
    %ne3A_2356 = arith.cmpi ne, %sign3A_2348, %sign3A_2355 : i32
    %rem3A_2357 = arith.remsi %squeeze3A_2339, %jit3A_2340 : i32
    %ne3A_2358 = arith.constant 0 : i32
    %ne3A_2359 = arith.cmpi ne, %rem3A_2357, %ne3A_2358 : i32
    %and3A_2360 = arith.andi %ne3A_2356, %ne3A_2359 : i1
    %sub3A_2361 = arith.constant 1 : i32
    %sub3A_2362 = arith.subi %div3A_2341, %sub3A_2361 : i32
    %select_n3A_2363 = arith.select %and3A_2360, %sub3A_2362, %div3A_2341 : i32
    %mul3A_2364 = arith.constant 8 : i32
    %mul3A_2365 = arith.muli %select_n3A_2363, %mul3A_2364 : i32
    %sub3A_2366 = arith.subi %squeeze3A_2339, %mul3A_2365 : i32
    %add3A_2367 = arith.constant 21 : i32
    %add3A_2368 = arith.addi %mul3A_2, %add3A_2367 : i32
    %dma_wait3A_2369 = tpu.memref_slice %arg5[%add3A_2368, %mul3A_2365] : memref<1024x100000xf32, #tpu.memory_space<hbm>> -> memref<1x8xf32, #tpu.memory_space<hbm>>
    %dma_wait3A_2370 = arith.constant 0 : i32
    %dma_wait3A_2371 = tpu.memref_slice %arg4[%sub3A_2366, %dma_wait3A_2370] : memref<8x100000xf32, #tpu.memory_space<hbm>> -> memref<1x8xf32, #tpu.memory_space<hbm>>
    tpu.wait_dma2 semaphore(%arg9 : memref<!tpu.dma_semaphore, #tpu.memory_space<semaphore_mem>>) src(%dma_wait3A_2371 : memref<1x8xf32, #tpu.memory_space<hbm>>) dst(%dma_wait3A_2369 : memref<1x8xf32, #tpu.memory_space<hbm>>)
    %get3A_2372 = arith.constant 16 : index
    %get3A_2373 = tpu.vector_load %arg7[%get3A_2372] {strides = array<i32>} : memref<32xi32, #tpu.memory_space<vmem>>, vector<16xi32>,
    %get3A_2374 = vector.shape_cast %get3A_2373 : vector<16xi32> to vector<16xi32>
    %slice3A_2375 = vector.extract_strided_slice %get3A_2374 {offsets = [6], sizes = [1], strides = [1]} : vector<16xi32> to vector<1xi32>
    %squeeze3A_2376 = vector.extract %slice3A_2375[0] : i32 from vector<1xi32>
    %jit3A_2377 = arith.constant 8 : i32
    %div3A_2378 = arith.divsi %squeeze3A_2376, %jit3A_2377 : i32
    %sign3A_2379 = arith.constant 0 : i32
    %sign3A_2380 = arith.cmpi sgt, %squeeze3A_2376, %sign3A_2379 : i32
    %sign3A_2381 = arith.extui %sign3A_2380 : i1 to i32
    %sign3A_2382 = arith.constant 0 : i32
    %sign3A_2383 = arith.cmpi slt, %squeeze3A_2376, %sign3A_2382 : i32
    %sign3A_2384 = arith.extui %sign3A_2383 : i1 to i32
    %sign3A_2385 = arith.subi %sign3A_2381, %sign3A_2384 : i32
    %sign3A_2386 = arith.constant 0 : i32
    %sign3A_2387 = arith.cmpi sgt, %jit3A_2377, %sign3A_2386 : i32
    %sign3A_2388 = arith.extui %sign3A_2387 : i1 to i32
    %sign3A_2389 = arith.constant 0 : i32
    %sign3A_2390 = arith.cmpi slt, %jit3A_2377, %sign3A_2389 : i32
    %sign3A_2391 = arith.extui %sign3A_2390 : i1 to i32
    %sign3A_2392 = arith.subi %sign3A_2388, %sign3A_2391 : i32
    %ne3A_2393 = arith.cmpi ne, %sign3A_2385, %sign3A_2392 : i32
    %rem3A_2394 = arith.remsi %squeeze3A_2376, %jit3A_2377 : i32
    %ne3A_2395 = arith.constant 0 : i32
    %ne3A_2396 = arith.cmpi ne, %rem3A_2394, %ne3A_2395 : i32
    %and3A_2397 = arith.andi %ne3A_2393, %ne3A_2396 : i1
    %sub3A_2398 = arith.constant 1 : i32
    %sub3A_2399 = arith.subi %div3A_2378, %sub3A_2398 : i32
    %select_n3A_2400 = arith.select %and3A_2397, %sub3A_2399, %div3A_2378 : i32
    %mul3A_2401 = arith.constant 8 : i32
    %mul3A_2402 = arith.muli %select_n3A_2400, %mul3A_2401 : i32
    %sub3A_2403 = arith.subi %squeeze3A_2376, %mul3A_2402 : i32
    %add3A_2404 = arith.constant 22 : i32
    %add3A_2405 = arith.addi %mul3A_2, %add3A_2404 : i32
    %dma_wait3A_2406 = tpu.memref_slice %arg5[%add3A_2405, %mul3A_2402] : memref<1024x100000xf32, #tpu.memory_space<hbm>> -> memref<1x8xf32, #tpu.memory_space<hbm>>
    %dma_wait3A_2407 = arith.constant 0 : i32
    %dma_wait3A_2408 = tpu.memref_slice %arg4[%sub3A_2403, %dma_wait3A_2407] : memref<8x100000xf32, #tpu.memory_space<hbm>> -> memref<1x8xf32, #tpu.memory_space<hbm>>
    tpu.wait_dma2 semaphore(%arg9 : memref<!tpu.dma_semaphore, #tpu.memory_space<semaphore_mem>>) src(%dma_wait3A_2408 : memref<1x8xf32, #tpu.memory_space<hbm>>) dst(%dma_wait3A_2406 : memref<1x8xf32, #tpu.memory_space<hbm>>)
    %get3A_2409 = arith.constant 16 : index
    %get3A_2410 = tpu.vector_load %arg7[%get3A_2409] {strides = array<i32>} : memref<32xi32, #tpu.memory_space<vmem>>, vector<16xi32>,
    %get3A_2411 = vector.shape_cast %get3A_2410 : vector<16xi32> to vector<16xi32>
    %slice3A_2412 = vector.extract_strided_slice %get3A_2411 {offsets = [7], sizes = [1], strides = [1]} : vector<16xi32> to vector<1xi32>
    %squeeze3A_2413 = vector.extract %slice3A_2412[0] : i32 from vector<1xi32>
    %jit3A_2414 = arith.constant 8 : i32
    %div3A_2415 = arith.divsi %squeeze3A_2413, %jit3A_2414 : i32
    %sign3A_2416 = arith.constant 0 : i32
    %sign3A_2417 = arith.cmpi sgt, %squeeze3A_2413, %sign3A_2416 : i32
    %sign3A_2418 = arith.extui %sign3A_2417 : i1 to i32
    %sign3A_2419 = arith.constant 0 : i32
    %sign3A_2420 = arith.cmpi slt, %squeeze3A_2413, %sign3A_2419 : i32
    %sign3A_2421 = arith.extui %sign3A_2420 : i1 to i32
    %sign3A_2422 = arith.subi %sign3A_2418, %sign3A_2421 : i32
    %sign3A_2423 = arith.constant 0 : i32
    %sign3A_2424 = arith.cmpi sgt, %jit3A_2414, %sign3A_2423 : i32
    %sign3A_2425 = arith.extui %sign3A_2424 : i1 to i32
    %sign3A_2426 = arith.constant 0 : i32
    %sign3A_2427 = arith.cmpi slt, %jit3A_2414, %sign3A_2426 : i32
    %sign3A_2428 = arith.extui %sign3A_2427 : i1 to i32
    %sign3A_2429 = arith.subi %sign3A_2425, %sign3A_2428 : i32
    %ne3A_2430 = arith.cmpi ne, %sign3A_2422, %sign3A_2429 : i32
    %rem3A_2431 = arith.remsi %squeeze3A_2413, %jit3A_2414 : i32
    %ne3A_2432 = arith.constant 0 : i32
    %ne3A_2433 = arith.cmpi ne, %rem3A_2431, %ne3A_2432 : i32
    %and3A_2434 = arith.andi %ne3A_2430, %ne3A_2433 : i1
    %sub3A_2435 = arith.constant 1 : i32
    %sub3A_2436 = arith.subi %div3A_2415, %sub3A_2435 : i32
    %select_n3A_2437 = arith.select %and3A_2434, %sub3A_2436, %div3A_2415 : i32
    %mul3A_2438 = arith.constant 8 : i32
    %mul3A_2439 = arith.muli %select_n3A_2437, %mul3A_2438 : i32
    %sub3A_2440 = arith.subi %squeeze3A_2413, %mul3A_2439 : i32
    %add3A_2441 = arith.constant 23 : i32
    %add3A_2442 = arith.addi %mul3A_2, %add3A_2441 : i32
    %dma_wait3A_2443 = tpu.memref_slice %arg5[%add3A_2442, %mul3A_2439] : memref<1024x100000xf32, #tpu.memory_space<hbm>> -> memref<1x8xf32, #tpu.memory_space<hbm>>
    %dma_wait3A_2444 = arith.constant 0 : i32
    %dma_wait3A_2445 = tpu.memref_slice %arg4[%sub3A_2440, %dma_wait3A_2444] : memref<8x100000xf32, #tpu.memory_space<hbm>> -> memref<1x8xf32, #tpu.memory_space<hbm>>
    tpu.wait_dma2 semaphore(%arg9 : memref<!tpu.dma_semaphore, #tpu.memory_space<semaphore_mem>>) src(%dma_wait3A_2445 : memref<1x8xf32, #tpu.memory_space<hbm>>) dst(%dma_wait3A_2443 : memref<1x8xf32, #tpu.memory_space<hbm>>)
    %get3A_2446 = arith.constant 16 : index
    %get3A_2447 = tpu.vector_load %arg7[%get3A_2446] {strides = array<i32>} : memref<32xi32, #tpu.memory_space<vmem>>, vector<16xi32>,
    %get3A_2448 = vector.shape_cast %get3A_2447 : vector<16xi32> to vector<16xi32>
    %slice3A_2449 = vector.extract_strided_slice %get3A_2448 {offsets = [8], sizes = [1], strides = [1]} : vector<16xi32> to vector<1xi32>
    %squeeze3A_2450 = vector.extract %slice3A_2449[0] : i32 from vector<1xi32>
    %jit3A_2451 = arith.constant 8 : i32
    %div3A_2452 = arith.divsi %squeeze3A_2450, %jit3A_2451 : i32
    %sign3A_2453 = arith.constant 0 : i32
    %sign3A_2454 = arith.cmpi sgt, %squeeze3A_2450, %sign3A_2453 : i32
    %sign3A_2455 = arith.extui %sign3A_2454 : i1 to i32
    %sign3A_2456 = arith.constant 0 : i32
    %sign3A_2457 = arith.cmpi slt, %squeeze3A_2450, %sign3A_2456 : i32
    %sign3A_2458 = arith.extui %sign3A_2457 : i1 to i32
    %sign3A_2459 = arith.subi %sign3A_2455, %sign3A_2458 : i32
    %sign3A_2460 = arith.constant 0 : i32
    %sign3A_2461 = arith.cmpi sgt, %jit3A_2451, %sign3A_2460 : i32
    %sign3A_2462 = arith.extui %sign3A_2461 : i1 to i32
    %sign3A_2463 = arith.constant 0 : i32
    %sign3A_2464 = arith.cmpi slt, %jit3A_2451, %sign3A_2463 : i32
    %sign3A_2465 = arith.extui %sign3A_2464 : i1 to i32
    %sign3A_2466 = arith.subi %sign3A_2462, %sign3A_2465 : i32
    %ne3A_2467 = arith.cmpi ne, %sign3A_2459, %sign3A_2466 : i32
    %rem3A_2468 = arith.remsi %squeeze3A_2450, %jit3A_2451 : i32
    %ne3A_2469 = arith.constant 0 : i32
    %ne3A_2470 = arith.cmpi ne, %rem3A_2468, %ne3A_2469 : i32
    %and3A_2471 = arith.andi %ne3A_2467, %ne3A_2470 : i1
    %sub3A_2472 = arith.constant 1 : i32
    %sub3A_2473 = arith.subi %div3A_2452, %sub3A_2472 : i32
    %select_n3A_2474 = arith.select %and3A_2471, %sub3A_2473, %div3A_2452 : i32
    %mul3A_2475 = arith.constant 8 : i32
    %mul3A_2476 = arith.muli %select_n3A_2474, %mul3A_2475 : i32
    %sub3A_2477 = arith.subi %squeeze3A_2450, %mul3A_2476 : i32
    %add3A_2478 = arith.constant 24 : i32
    %add3A_2479 = arith.addi %mul3A_2, %add3A_2478 : i32
    %dma_wait3A_2480 = tpu.memref_slice %arg5[%add3A_2479, %mul3A_2476] : memref<1024x100000xf32, #tpu.memory_space<hbm>> -> memref<1x8xf32, #tpu.memory_space<hbm>>
    %dma_wait3A_2481 = arith.constant 0 : i32
    %dma_wait3A_2482 = tpu.memref_slice %arg4[%sub3A_2477, %dma_wait3A_2481] : memref<8x100000xf32, #tpu.memory_space<hbm>> -> memref<1x8xf32, #tpu.memory_space<hbm>>
    tpu.wait_dma2 semaphore(%arg9 : memref<!tpu.dma_semaphore, #tpu.memory_space<semaphore_mem>>) src(%dma_wait3A_2482 : memref<1x8xf32, #tpu.memory_space<hbm>>) dst(%dma_wait3A_2480 : memref<1x8xf32, #tpu.memory_space<hbm>>)
    %get3A_2483 = arith.constant 16 : index
    %get3A_2484 = tpu.vector_load %arg7[%get3A_2483] {strides = array<i32>} : memref<32xi32, #tpu.memory_space<vmem>>, vector<16xi32>,
    %get3A_2485 = vector.shape_cast %get3A_2484 : vector<16xi32> to vector<16xi32>
    %slice3A_2486 = vector.extract_strided_slice %get3A_2485 {offsets = [9], sizes = [1], strides = [1]} : vector<16xi32> to vector<1xi32>
    %squeeze3A_2487 = vector.extract %slice3A_2486[0] : i32 from vector<1xi32>
    %jit3A_2488 = arith.constant 8 : i32
    %div3A_2489 = arith.divsi %squeeze3A_2487, %jit3A_2488 : i32
    %sign3A_2490 = arith.constant 0 : i32
    %sign3A_2491 = arith.cmpi sgt, %squeeze3A_2487, %sign3A_2490 : i32
    %sign3A_2492 = arith.extui %sign3A_2491 : i1 to i32
    %sign3A_2493 = arith.constant 0 : i32
    %sign3A_2494 = arith.cmpi slt, %squeeze3A_2487, %sign3A_2493 : i32
    %sign3A_2495 = arith.extui %sign3A_2494 : i1 to i32
    %sign3A_2496 = arith.subi %sign3A_2492, %sign3A_2495 : i32
    %sign3A_2497 = arith.constant 0 : i32
    %sign3A_2498 = arith.cmpi sgt, %jit3A_2488, %sign3A_2497 : i32
    %sign3A_2499 = arith.extui %sign3A_2498 : i1 to i32
    %sign3A_2500 = arith.constant 0 : i32
    %sign3A_2501 = arith.cmpi slt, %jit3A_2488, %sign3A_2500 : i32
    %sign3A_2502 = arith.extui %sign3A_2501 : i1 to i32
    %sign3A_2503 = arith.subi %sign3A_2499, %sign3A_2502 : i32
    %ne3A_2504 = arith.cmpi ne, %sign3A_2496, %sign3A_2503 : i32
    %rem3A_2505 = arith.remsi %squeeze3A_2487, %jit3A_2488 : i32
    %ne3A_2506 = arith.constant 0 : i32
    %ne3A_2507 = arith.cmpi ne, %rem3A_2505, %ne3A_2506 : i32
    %and3A_2508 = arith.andi %ne3A_2504, %ne3A_2507 : i1
    %sub3A_2509 = arith.constant 1 : i32
    %sub3A_2510 = arith.subi %div3A_2489, %sub3A_2509 : i32
    %select_n3A_2511 = arith.select %and3A_2508, %sub3A_2510, %div3A_2489 : i32
    %mul3A_2512 = arith.constant 8 : i32
    %mul3A_2513 = arith.muli %select_n3A_2511, %mul3A_2512 : i32
    %sub3A_2514 = arith.subi %squeeze3A_2487, %mul3A_2513 : i32
    %add3A_2515 = arith.constant 25 : i32
    %add3A_2516 = arith.addi %mul3A_2, %add3A_2515 : i32
    %dma_wait3A_2517 = tpu.memref_slice %arg5[%add3A_2516, %mul3A_2513] : memref<1024x100000xf32, #tpu.memory_space<hbm>> -> memref<1x8xf32, #tpu.memory_space<hbm>>
    %dma_wait3A_2518 = arith.constant 0 : i32
    %dma_wait3A_2519 = tpu.memref_slice %arg4[%sub3A_2514, %dma_wait3A_2518] : memref<8x100000xf32, #tpu.memory_space<hbm>> -> memref<1x8xf32, #tpu.memory_space<hbm>>
    tpu.wait_dma2 semaphore(%arg9 : memref<!tpu.dma_semaphore, #tpu.memory_space<semaphore_mem>>) src(%dma_wait3A_2519 : memref<1x8xf32, #tpu.memory_space<hbm>>) dst(%dma_wait3A_2517 : memref<1x8xf32, #tpu.memory_space<hbm>>)
    %get3A_2520 = arith.constant 16 : index
    %get3A_2521 = tpu.vector_load %arg7[%get3A_2520] {strides = array<i32>} : memref<32xi32, #tpu.memory_space<vmem>>, vector<16xi32>,
    %get3A_2522 = vector.shape_cast %get3A_2521 : vector<16xi32> to vector<16xi32>
    %slice3A_2523 = vector.extract_strided_slice %get3A_2522 {offsets = [10], sizes = [1], strides = [1]} : vector<16xi32> to vector<1xi32>
    %squeeze3A_2524 = vector.extract %slice3A_2523[0] : i32 from vector<1xi32>
    %jit3A_2525 = arith.constant 8 : i32
    %div3A_2526 = arith.divsi %squeeze3A_2524, %jit3A_2525 : i32
    %sign3A_2527 = arith.constant 0 : i32
    %sign3A_2528 = arith.cmpi sgt, %squeeze3A_2524, %sign3A_2527 : i32
    %sign3A_2529 = arith.extui %sign3A_2528 : i1 to i32
    %sign3A_2530 = arith.constant 0 : i32
    %sign3A_2531 = arith.cmpi slt, %squeeze3A_2524, %sign3A_2530 : i32
    %sign3A_2532 = arith.extui %sign3A_2531 : i1 to i32
    %sign3A_2533 = arith.subi %sign3A_2529, %sign3A_2532 : i32
    %sign3A_2534 = arith.constant 0 : i32
    %sign3A_2535 = arith.cmpi sgt, %jit3A_2525, %sign3A_2534 : i32
    %sign3A_2536 = arith.extui %sign3A_2535 : i1 to i32
    %sign3A_2537 = arith.constant 0 : i32
    %sign3A_2538 = arith.cmpi slt, %jit3A_2525, %sign3A_2537 : i32
    %sign3A_2539 = arith.extui %sign3A_2538 : i1 to i32
    %sign3A_2540 = arith.subi %sign3A_2536, %sign3A_2539 : i32
    %ne3A_2541 = arith.cmpi ne, %sign3A_2533, %sign3A_2540 : i32
    %rem3A_2542 = arith.remsi %squeeze3A_2524, %jit3A_2525 : i32
    %ne3A_2543 = arith.constant 0 : i32
    %ne3A_2544 = arith.cmpi ne, %rem3A_2542, %ne3A_2543 : i32
    %and3A_2545 = arith.andi %ne3A_2541, %ne3A_2544 : i1
    %sub3A_2546 = arith.constant 1 : i32
    %sub3A_2547 = arith.subi %div3A_2526, %sub3A_2546 : i32
    %select_n3A_2548 = arith.select %and3A_2545, %sub3A_2547, %div3A_2526 : i32
    %mul3A_2549 = arith.constant 8 : i32
    %mul3A_2550 = arith.muli %select_n3A_2548, %mul3A_2549 : i32
    %sub3A_2551 = arith.subi %squeeze3A_2524, %mul3A_2550 : i32
    %add3A_2552 = arith.constant 26 : i32
    %add3A_2553 = arith.addi %mul3A_2, %add3A_2552 : i32
    %dma_wait3A_2554 = tpu.memref_slice %arg5[%add3A_2553, %mul3A_2550] : memref<1024x100000xf32, #tpu.memory_space<hbm>> -> memref<1x8xf32, #tpu.memory_space<hbm>>
    %dma_wait3A_2555 = arith.constant 0 : i32
    %dma_wait3A_2556 = tpu.memref_slice %arg4[%sub3A_2551, %dma_wait3A_2555] : memref<8x100000xf32, #tpu.memory_space<hbm>> -> memref<1x8xf32, #tpu.memory_space<hbm>>
    tpu.wait_dma2 semaphore(%arg9 : memref<!tpu.dma_semaphore, #tpu.memory_space<semaphore_mem>>) src(%dma_wait3A_2556 : memref<1x8xf32, #tpu.memory_space<hbm>>) dst(%dma_wait3A_2554 : memref<1x8xf32, #tpu.memory_space<hbm>>)
    %get3A_2557 = arith.constant 16 : index
    %get3A_2558 = tpu.vector_load %arg7[%get3A_2557] {strides = array<i32>} : memref<32xi32, #tpu.memory_space<vmem>>, vector<16xi32>,
    %get3A_2559 = vector.shape_cast %get3A_2558 : vector<16xi32> to vector<16xi32>
    %slice3A_2560 = vector.extract_strided_slice %get3A_2559 {offsets = [11], sizes = [1], strides = [1]} : vector<16xi32> to vector<1xi32>
    %squeeze3A_2561 = vector.extract %slice3A_2560[0] : i32 from vector<1xi32>
    %jit3A_2562 = arith.constant 8 : i32
    %div3A_2563 = arith.divsi %squeeze3A_2561, %jit3A_2562 : i32
    %sign3A_2564 = arith.constant 0 : i32
    %sign3A_2565 = arith.cmpi sgt, %squeeze3A_2561, %sign3A_2564 : i32
    %sign3A_2566 = arith.extui %sign3A_2565 : i1 to i32
    %sign3A_2567 = arith.constant 0 : i32
    %sign3A_2568 = arith.cmpi slt, %squeeze3A_2561, %sign3A_2567 : i32
    %sign3A_2569 = arith.extui %sign3A_2568 : i1 to i32
    %sign3A_2570 = arith.subi %sign3A_2566, %sign3A_2569 : i32
    %sign3A_2571 = arith.constant 0 : i32
    %sign3A_2572 = arith.cmpi sgt, %jit3A_2562, %sign3A_2571 : i32
    %sign3A_2573 = arith.extui %sign3A_2572 : i1 to i32
    %sign3A_2574 = arith.constant 0 : i32
    %sign3A_2575 = arith.cmpi slt, %jit3A_2562, %sign3A_2574 : i32
    %sign3A_2576 = arith.extui %sign3A_2575 : i1 to i32
    %sign3A_2577 = arith.subi %sign3A_2573, %sign3A_2576 : i32
    %ne3A_2578 = arith.cmpi ne, %sign3A_2570, %sign3A_2577 : i32
    %rem3A_2579 = arith.remsi %squeeze3A_2561, %jit3A_2562 : i32
    %ne3A_2580 = arith.constant 0 : i32
    %ne3A_2581 = arith.cmpi ne, %rem3A_2579, %ne3A_2580 : i32
    %and3A_2582 = arith.andi %ne3A_2578, %ne3A_2581 : i1
    %sub3A_2583 = arith.constant 1 : i32
    %sub3A_2584 = arith.subi %div3A_2563, %sub3A_2583 : i32
    %select_n3A_2585 = arith.select %and3A_2582, %sub3A_2584, %div3A_2563 : i32
    %mul3A_2586 = arith.constant 8 : i32
    %mul3A_2587 = arith.muli %select_n3A_2585, %mul3A_2586 : i32
    %sub3A_2588 = arith.subi %squeeze3A_2561, %mul3A_2587 : i32
    %add3A_2589 = arith.constant 27 : i32
    %add3A_2590 = arith.addi %mul3A_2, %add3A_2589 : i32
    %dma_wait3A_2591 = tpu.memref_slice %arg5[%add3A_2590, %mul3A_2587] : memref<1024x100000xf32, #tpu.memory_space<hbm>> -> memref<1x8xf32, #tpu.memory_space<hbm>>
    %dma_wait3A_2592 = arith.constant 0 : i32
    %dma_wait3A_2593 = tpu.memref_slice %arg4[%sub3A_2588, %dma_wait3A_2592] : memref<8x100000xf32, #tpu.memory_space<hbm>> -> memref<1x8xf32, #tpu.memory_space<hbm>>
    tpu.wait_dma2 semaphore(%arg9 : memref<!tpu.dma_semaphore, #tpu.memory_space<semaphore_mem>>) src(%dma_wait3A_2593 : memref<1x8xf32, #tpu.memory_space<hbm>>) dst(%dma_wait3A_2591 : memref<1x8xf32, #tpu.memory_space<hbm>>)
    %get3A_2594 = arith.constant 16 : index
    %get3A_2595 = tpu.vector_load %arg7[%get3A_2594] {strides = array<i32>} : memref<32xi32, #tpu.memory_space<vmem>>, vector<16xi32>,
    %get3A_2596 = vector.shape_cast %get3A_2595 : vector<16xi32> to vector<16xi32>
    %slice3A_2597 = vector.extract_strided_slice %get3A_2596 {offsets = [12], sizes = [1], strides = [1]} : vector<16xi32> to vector<1xi32>
    %squeeze3A_2598 = vector.extract %slice3A_2597[0] : i32 from vector<1xi32>
    %jit3A_2599 = arith.constant 8 : i32
    %div3A_2600 = arith.divsi %squeeze3A_2598, %jit3A_2599 : i32
    %sign3A_2601 = arith.constant 0 : i32
    %sign3A_2602 = arith.cmpi sgt, %squeeze3A_2598, %sign3A_2601 : i32
    %sign3A_2603 = arith.extui %sign3A_2602 : i1 to i32
    %sign3A_2604 = arith.constant 0 : i32
    %sign3A_2605 = arith.cmpi slt, %squeeze3A_2598, %sign3A_2604 : i32
    %sign3A_2606 = arith.extui %sign3A_2605 : i1 to i32
    %sign3A_2607 = arith.subi %sign3A_2603, %sign3A_2606 : i32
    %sign3A_2608 = arith.constant 0 : i32
    %sign3A_2609 = arith.cmpi sgt, %jit3A_2599, %sign3A_2608 : i32
    %sign3A_2610 = arith.extui %sign3A_2609 : i1 to i32
    %sign3A_2611 = arith.constant 0 : i32
    %sign3A_2612 = arith.cmpi slt, %jit3A_2599, %sign3A_2611 : i32
    %sign3A_2613 = arith.extui %sign3A_2612 : i1 to i32
    %sign3A_2614 = arith.subi %sign3A_2610, %sign3A_2613 : i32
    %ne3A_2615 = arith.cmpi ne, %sign3A_2607, %sign3A_2614 : i32
    %rem3A_2616 = arith.remsi %squeeze3A_2598, %jit3A_2599 : i32
    %ne3A_2617 = arith.constant 0 : i32
    %ne3A_2618 = arith.cmpi ne, %rem3A_2616, %ne3A_2617 : i32
    %and3A_2619 = arith.andi %ne3A_2615, %ne3A_2618 : i1
    %sub3A_2620 = arith.constant 1 : i32
    %sub3A_2621 = arith.subi %div3A_2600, %sub3A_2620 : i32
    %select_n3A_2622 = arith.select %and3A_2619, %sub3A_2621, %div3A_2600 : i32
    %mul3A_2623 = arith.constant 8 : i32
    %mul3A_2624 = arith.muli %select_n3A_2622, %mul3A_2623 : i32
    %sub3A_2625 = arith.subi %squeeze3A_2598, %mul3A_2624 : i32
    %add3A_2626 = arith.constant 28 : i32
    %add3A_2627 = arith.addi %mul3A_2, %add3A_2626 : i32
    %dma_wait3A_2628 = tpu.memref_slice %arg5[%add3A_2627, %mul3A_2624] : memref<1024x100000xf32, #tpu.memory_space<hbm>> -> memref<1x8xf32, #tpu.memory_space<hbm>>
    %dma_wait3A_2629 = arith.constant 0 : i32
    %dma_wait3A_2630 = tpu.memref_slice %arg4[%sub3A_2625, %dma_wait3A_2629] : memref<8x100000xf32, #tpu.memory_space<hbm>> -> memref<1x8xf32, #tpu.memory_space<hbm>>
    tpu.wait_dma2 semaphore(%arg9 : memref<!tpu.dma_semaphore, #tpu.memory_space<semaphore_mem>>) src(%dma_wait3A_2630 : memref<1x8xf32, #tpu.memory_space<hbm>>) dst(%dma_wait3A_2628 : memref<1x8xf32, #tpu.memory_space<hbm>>)
    %get3A_2631 = arith.constant 16 : index
    %get3A_2632 = tpu.vector_load %arg7[%get3A_2631] {strides = array<i32>} : memref<32xi32, #tpu.memory_space<vmem>>, vector<16xi32>,
    %get3A_2633 = vector.shape_cast %get3A_2632 : vector<16xi32> to vector<16xi32>
    %slice3A_2634 = vector.extract_strided_slice %get3A_2633 {offsets = [13], sizes = [1], strides = [1]} : vector<16xi32> to vector<1xi32>
    %squeeze3A_2635 = vector.extract %slice3A_2634[0] : i32 from vector<1xi32>
    %jit3A_2636 = arith.constant 8 : i32
    %div3A_2637 = arith.divsi %squeeze3A_2635, %jit3A_2636 : i32
    %sign3A_2638 = arith.constant 0 : i32
    %sign3A_2639 = arith.cmpi sgt, %squeeze3A_2635, %sign3A_2638 : i32
    %sign3A_2640 = arith.extui %sign3A_2639 : i1 to i32
    %sign3A_2641 = arith.constant 0 : i32
    %sign3A_2642 = arith.cmpi slt, %squeeze3A_2635, %sign3A_2641 : i32
    %sign3A_2643 = arith.extui %sign3A_2642 : i1 to i32
    %sign3A_2644 = arith.subi %sign3A_2640, %sign3A_2643 : i32
    %sign3A_2645 = arith.constant 0 : i32
    %sign3A_2646 = arith.cmpi sgt, %jit3A_2636, %sign3A_2645 : i32
    %sign3A_2647 = arith.extui %sign3A_2646 : i1 to i32
    %sign3A_2648 = arith.constant 0 : i32
    %sign3A_2649 = arith.cmpi slt, %jit3A_2636, %sign3A_2648 : i32
    %sign3A_2650 = arith.extui %sign3A_2649 : i1 to i32
    %sign3A_2651 = arith.subi %sign3A_2647, %sign3A_2650 : i32
    %ne3A_2652 = arith.cmpi ne, %sign3A_2644, %sign3A_2651 : i32
    %rem3A_2653 = arith.remsi %squeeze3A_2635, %jit3A_2636 : i32
    %ne3A_2654 = arith.constant 0 : i32
    %ne3A_2655 = arith.cmpi ne, %rem3A_2653, %ne3A_2654 : i32
    %and3A_2656 = arith.andi %ne3A_2652, %ne3A_2655 : i1
    %sub3A_2657 = arith.constant 1 : i32
    %sub3A_2658 = arith.subi %div3A_2637, %sub3A_2657 : i32
    %select_n3A_2659 = arith.select %and3A_2656, %sub3A_2658, %div3A_2637 : i32
    %mul3A_2660 = arith.constant 8 : i32
    %mul3A_2661 = arith.muli %select_n3A_2659, %mul3A_2660 : i32
    %sub3A_2662 = arith.subi %squeeze3A_2635, %mul3A_2661 : i32
    %add3A_2663 = arith.constant 29 : i32
    %add3A_2664 = arith.addi %mul3A_2, %add3A_2663 : i32
    %dma_wait3A_2665 = tpu.memref_slice %arg5[%add3A_2664, %mul3A_2661] : memref<1024x100000xf32, #tpu.memory_space<hbm>> -> memref<1x8xf32, #tpu.memory_space<hbm>>
    %dma_wait3A_2666 = arith.constant 0 : i32
    %dma_wait3A_2667 = tpu.memref_slice %arg4[%sub3A_2662, %dma_wait3A_2666] : memref<8x100000xf32, #tpu.memory_space<hbm>> -> memref<1x8xf32, #tpu.memory_space<hbm>>
    tpu.wait_dma2 semaphore(%arg9 : memref<!tpu.dma_semaphore, #tpu.memory_space<semaphore_mem>>) src(%dma_wait3A_2667 : memref<1x8xf32, #tpu.memory_space<hbm>>) dst(%dma_wait3A_2665 : memref<1x8xf32, #tpu.memory_space<hbm>>)
    %get3A_2668 = arith.constant 16 : index
    %get3A_2669 = tpu.vector_load %arg7[%get3A_2668] {strides = array<i32>} : memref<32xi32, #tpu.memory_space<vmem>>, vector<16xi32>,
    %get3A_2670 = vector.shape_cast %get3A_2669 : vector<16xi32> to vector<16xi32>
    %slice3A_2671 = vector.extract_strided_slice %get3A_2670 {offsets = [14], sizes = [1], strides = [1]} : vector<16xi32> to vector<1xi32>
    %squeeze3A_2672 = vector.extract %slice3A_2671[0] : i32 from vector<1xi32>
    %jit3A_2673 = arith.constant 8 : i32
    %div3A_2674 = arith.divsi %squeeze3A_2672, %jit3A_2673 : i32
    %sign3A_2675 = arith.constant 0 : i32
    %sign3A_2676 = arith.cmpi sgt, %squeeze3A_2672, %sign3A_2675 : i32
    %sign3A_2677 = arith.extui %sign3A_2676 : i1 to i32
    %sign3A_2678 = arith.constant 0 : i32
    %sign3A_2679 = arith.cmpi slt, %squeeze3A_2672, %sign3A_2678 : i32
    %sign3A_2680 = arith.extui %sign3A_2679 : i1 to i32
    %sign3A_2681 = arith.subi %sign3A_2677, %sign3A_2680 : i32
    %sign3A_2682 = arith.constant 0 : i32
    %sign3A_2683 = arith.cmpi sgt, %jit3A_2673, %sign3A_2682 : i32
    %sign3A_2684 = arith.extui %sign3A_2683 : i1 to i32
    %sign3A_2685 = arith.constant 0 : i32
    %sign3A_2686 = arith.cmpi slt, %jit3A_2673, %sign3A_2685 : i32
    %sign3A_2687 = arith.extui %sign3A_2686 : i1 to i32
    %sign3A_2688 = arith.subi %sign3A_2684, %sign3A_2687 : i32
    %ne3A_2689 = arith.cmpi ne, %sign3A_2681, %sign3A_2688 : i32
    %rem3A_2690 = arith.remsi %squeeze3A_2672, %jit3A_2673 : i32
    %ne3A_2691 = arith.constant 0 : i32
    %ne3A_2692 = arith.cmpi ne, %rem3A_2690, %ne3A_2691 : i32
    %and3A_2693 = arith.andi %ne3A_2689, %ne3A_2692 : i1
    %sub3A_2694 = arith.constant 1 : i32
    %sub3A_2695 = arith.subi %div3A_2674, %sub3A_2694 : i32
    %select_n3A_2696 = arith.select %and3A_2693, %sub3A_2695, %div3A_2674 : i32
    %mul3A_2697 = arith.constant 8 : i32
    %mul3A_2698 = arith.muli %select_n3A_2696, %mul3A_2697 : i32
    %sub3A_2699 = arith.subi %squeeze3A_2672, %mul3A_2698 : i32
    %add3A_2700 = arith.constant 30 : i32
    %add3A_2701 = arith.addi %mul3A_2, %add3A_2700 : i32
    %dma_wait3A_2702 = tpu.memref_slice %arg5[%add3A_2701, %mul3A_2698] : memref<1024x100000xf32, #tpu.memory_space<hbm>> -> memref<1x8xf32, #tpu.memory_space<hbm>>
    %dma_wait3A_2703 = arith.constant 0 : i32
    %dma_wait3A_2704 = tpu.memref_slice %arg4[%sub3A_2699, %dma_wait3A_2703] : memref<8x100000xf32, #tpu.memory_space<hbm>> -> memref<1x8xf32, #tpu.memory_space<hbm>>
    tpu.wait_dma2 semaphore(%arg9 : memref<!tpu.dma_semaphore, #tpu.memory_space<semaphore_mem>>) src(%dma_wait3A_2704 : memref<1x8xf32, #tpu.memory_space<hbm>>) dst(%dma_wait3A_2702 : memref<1x8xf32, #tpu.memory_space<hbm>>)
    %get3A_2705 = arith.constant 16 : index
    %get3A_2706 = tpu.vector_load %arg7[%get3A_2705] {strides = array<i32>} : memref<32xi32, #tpu.memory_space<vmem>>, vector<16xi32>,
    %get3A_2707 = vector.shape_cast %get3A_2706 : vector<16xi32> to vector<16xi32>
    %slice3A_2708 = vector.extract_strided_slice %get3A_2707 {offsets = [15], sizes = [1], strides = [1]} : vector<16xi32> to vector<1xi32>
    %squeeze3A_2709 = vector.extract %slice3A_2708[0] : i32 from vector<1xi32>
    %jit3A_2710 = arith.constant 8 : i32
    %div3A_2711 = arith.divsi %squeeze3A_2709, %jit3A_2710 : i32
    %sign3A_2712 = arith.constant 0 : i32
    %sign3A_2713 = arith.cmpi sgt, %squeeze3A_2709, %sign3A_2712 : i32
    %sign3A_2714 = arith.extui %sign3A_2713 : i1 to i32
    %sign3A_2715 = arith.constant 0 : i32
    %sign3A_2716 = arith.cmpi slt, %squeeze3A_2709, %sign3A_2715 : i32
    %sign3A_2717 = arith.extui %sign3A_2716 : i1 to i32
    %sign3A_2718 = arith.subi %sign3A_2714, %sign3A_2717 : i32
    %sign3A_2719 = arith.constant 0 : i32
    %sign3A_2720 = arith.cmpi sgt, %jit3A_2710, %sign3A_2719 : i32
    %sign3A_2721 = arith.extui %sign3A_2720 : i1 to i32
    %sign3A_2722 = arith.constant 0 : i32
    %sign3A_2723 = arith.cmpi slt, %jit3A_2710, %sign3A_2722 : i32
    %sign3A_2724 = arith.extui %sign3A_2723 : i1 to i32
    %sign3A_2725 = arith.subi %sign3A_2721, %sign3A_2724 : i32
    %ne3A_2726 = arith.cmpi ne, %sign3A_2718, %sign3A_2725 : i32
    %rem3A_2727 = arith.remsi %squeeze3A_2709, %jit3A_2710 : i32
    %ne3A_2728 = arith.constant 0 : i32
    %ne3A_2729 = arith.cmpi ne, %rem3A_2727, %ne3A_2728 : i32
    %and3A_2730 = arith.andi %ne3A_2726, %ne3A_2729 : i1
    %sub3A_2731 = arith.constant 1 : i32
    %sub3A_2732 = arith.subi %div3A_2711, %sub3A_2731 : i32
    %select_n3A_2733 = arith.select %and3A_2730, %sub3A_2732, %div3A_2711 : i32
    %mul3A_2734 = arith.constant 8 : i32
    %mul3A_2735 = arith.muli %select_n3A_2733, %mul3A_2734 : i32
    %sub3A_2736 = arith.subi %squeeze3A_2709, %mul3A_2735 : i32
    %add3A_2737 = arith.constant 31 : i32
    %add3A_2738 = arith.addi %mul3A_2, %add3A_2737 : i32
    %dma_wait3A_2739 = tpu.memref_slice %arg5[%add3A_2738, %mul3A_2735] : memref<1024x100000xf32, #tpu.memory_space<hbm>> -> memref<1x8xf32, #tpu.memory_space<hbm>>
    %dma_wait3A_2740 = arith.constant 0 : i32
    %dma_wait3A_2741 = tpu.memref_slice %arg4[%sub3A_2736, %dma_wait3A_2740] : memref<8x100000xf32, #tpu.memory_space<hbm>> -> memref<1x8xf32, #tpu.memory_space<hbm>>
    tpu.wait_dma2 semaphore(%arg9 : memref<!tpu.dma_semaphore, #tpu.memory_space<semaphore_mem>>) src(%dma_wait3A_2741 : memref<1x8xf32, #tpu.memory_space<hbm>>) dst(%dma_wait3A_2739 : memref<1x8xf32, #tpu.memory_space<hbm>>)
    return
  }
}

</mosaic_0001>

<sc_bundles>
// kernel: kernel.3.cloned.1.call-start
scs
__scs_entry_jumppad:
0x0: {  	(pc) =	sbr.rel $0x88, $3  }
0x1: {  	(tag) =	ssettag $0x0;
	lr =	simm.s32 $0x1  }
0x2: {  	[smem:$0x3FA0] =	sst lr;
	_ =	strace $0xD0000000  }
0x3: {  	_ = 	snop  }
0x4: {  	_ = 	snop  }
0x5: {  	_ = 	snop  }
0x6: {  	_ = 	snop  }
0x7: {  	_ = 	snop  }
__scs_overlays_trampoline_lowered:
0x8: {  	[smem:$0x3FAF] =	sst s0  }
0x9: {  	[smem:$0x3FB0] =	sst s1  }
0xa: {  	[smem:$0x3FB1] =	sst s2  }
0xb: {  	[smem:$0x3FB2] =	sst s3  }
0xc: {  	[smem:$0x3FB3] =	sst s4  }
0xd: {  	[smem:$0x3FB4] =	sst s5  }
0xe: {  	[smem:$0x3FB5] =	sst s6  }
0xf: {  	[smem:$0x3FB6] =	sst s7  }
0x10: {  	[smem:$0x3FB7] =	sst s8  }
0x11: {  	[smem:$0x3FB8] =	sst s9;
	s0 =	simm.s32 @!p0 $0x0  }
0x12: {  	s1 =	sld [smem:$0x3F9E];
	s0 =	simm.s32 @p0 $0x1  }
0x13: {  	[smem:$0x3FB9] =	sst s0;
	s0 =	simm.s32 @!p1 $0x0  }
0x14: {  	s2 =	sld [smem:$0x3F9D];
	s0 =	simm.s32 @p1 $0x1  }
0x15: {  	[smem:$0x3FBA] =	sst s0;
	s0 =	simm.s32 @!p2 $0x0  }
0x16: {  	s3 =	sld [smem:$0x3FDB];
	s0 =	simm.s32 @p2 $0x1  }
0x17: {  	s4 =	simm.s32 $0x1BF5;
	[smem:$0x3FBC] =	sst s0  }
0x18: {  	s0 =	sld [smem:$0x3F9F];
	_ =	swait.ge [sflag:s4], $0x0  }
0x19: {  	s7 =	sld [smem:$0x3FA0]  }
0x1a: {  	s8 =	sadd.s32 $0xFFFFE003, lr  }
0x1b: {  	s9 =	sadd.s32 $0xFFFFFEF7, lr;
	s5 =	simm.s32 $0xFFFFFFFF;
	p2 =	slt.u32 s8, $0xFFFFF086  }
0x1c: {  	p1 =	slt.u32 s9, $0xF7A;
	s5 =	simm.s32 @!p2 $0x0  }
0x1d: {  	s5 =	simm.s32 @p1 $0x1;
	p0 =	seq.s32 s7, s2  }
0x1e: {  	s7 =	smul.u32 @!p0 $0xF7A, s2;
	p2 =	seq.s32 @!p0 s5, $0x0  }
0x1f: {  	s9 =	smul.u32 $0xF7A, s1;
	s8 =	simm.s32 @!p0 $0x1BF5;
	p2 =	por !p2, p0  }
0x20: {  	[sflag:s8] =	ssyncset.s32 @!p0 $0xFFFFF086;
	s6 =	sadd.s32 @!p0 s3, s7;
	s7 =	simm.s32 @!p0 $0x108  }
0x21: {  	s3 =	sadd.s32 s3, s9;
	s6 =	sadd.s32 @!p0 $0x88, s6;
	s7 =	simm.s32 @p2 $0x1082  }
0x22: {  	[simem:s7], [sflag:s8] =	dma.local @!p0 [hbm:s6], $0xF7A  }
0x23: {  	s9 =	sor.u32 $0xD0000000, s2;
	s6 =	simm.s32 $0x108;
	_ =	swait.ge @!p0 [sflag:s8], $0x0  }
0x24: {  	s3 =	sadd.s32 $0x88, s3;
	s6 =	simm.s32 @!p1 $0x1082;
	[sflag:s4] =	ssyncset.s32 $0xFFFFF086  }
0x25: {  	[simem:s6], [sflag:s4] =	dma.local [hbm:s3], $0xF7A  }
0x26: {  	[smem:$0x3FA0] =	sst s1;
	(tag) =	ssettag s2;
	_ =	strace s9  }
0x27: {  	s1 =	sld [smem:$0x3FB0]  }
0x28: {  	s2 =	sld [smem:$0x3FB1]  }
0x29: {  	s4 =	sld [smem:$0x3FB3]  }
0x2a: {  	p0 =	seq.s32 s5, $0x0;
	s5 =	sld [smem:$0x3FB4]  }
0x2b: {  	s6 =	sld [smem:$0x3FB5]  }
0x2c: {  	s7 =	sld [smem:$0x3FB6]  }
0x2d: {  	s3 =	simm.s32 $0x108;
	s8 =	sld [smem:$0x3FB7]  }
0x2e: {  	s3 =	simm.s32 @!p0 $0x1082;
	s9 =	sld [smem:$0x3FB8]  }
0x2f: {  	lr =	sadd.s32 s0, s3;
	s0 =	sld [smem:$0x3FAF]  }
0x30: {  	s3 =	sld [smem:$0x3FB2]  }
0x31: {  	[smem:$0x3FBB] =	sst s10  }
0x32: {  	s10 =	sld [smem:$0x3FB9];
	_ =	sdelay $0x3  }
0x33: {  	p0 =	seq.s32 s10, $0x1;
	s10 =	sld [smem:$0x3FBB];
	_ =	sdelay $0x3  }
0x34: {  	[smem:$0x3FBB] =	sst s10  }
0x35: {  	s10 =	sld [smem:$0x3FBA];
	_ =	sdelay $0x3  }
0x36: {  	p1 =	seq.s32 s10, $0x1;
	s10 =	sld [smem:$0x3FBB];
	_ =	sdelay $0x3  }
0x37: {  	[smem:$0x3FBB] =	sst s10  }
0x38: {  	s10 =	sld [smem:$0x3FBC]  }
0x39: {  	_ = 	snop;
	(pc) =	sbr.ind lr, $3  }
0x3a: {  	_ = 	snop  }
0x3b: {  	_ = 	snop  }
0x3c: {  	p2 =	seq.s32 s10, $0x1;
	s10 =	sld [smem:$0x3FBB]  }
0x3d: {  	_ =	shalt  }
0x3e: {  	_ =	shalt  }
0x3f: {  	_ =	shalt  }
0x40: {  	_ =	shalt  }
0x41: {  	_ =	shalt  }
0x42: {  	_ =	shalt  }
0x43: {  	_ =	shalt  }
0x44: {  	_ =	shalt  }
0x45: {  	_ =	shalt  }
0x46: {  	_ =	shalt  }
0x47: {  	_ =	shalt  }
0x48: {  	_ =	shalt  }
0x49: {  	_ =	shalt  }
0x4a: {  	_ =	shalt  }
0x4b: {  	_ =	shalt  }
0x4c: {  	_ =	shalt  }
0x4d: {  	_ =	shalt  }
0x4e: {  	_ =	shalt  }
0x4f: {  	_ =	shalt  }
0x50: {  	_ =	shalt  }
0x51: {  	_ =	shalt  }
0x52: {  	_ =	shalt  }
0x53: {  	_ =	shalt  }
0x54: {  	_ =	shalt  }
0x55: {  	_ =	shalt  }
0x56: {  	_ =	shalt  }
0x57: {  	_ =	shalt  }
0x58: {  	_ =	shalt  }
0x59: {  	_ =	shalt  }
0x5a: {  	_ =	shalt  }
0x5b: {  	_ =	shalt  }
0x5c: {  	_ =	shalt  }
0x5d: {  	_ =	shalt  }
0x5e: {  	_ =	shalt  }
0x5f: {  	_ =	shalt  }
0x60: {  	_ =	shalt  }
0x61: {  	_ =	shalt  }
0x62: {  	_ =	shalt  }
0x63: {  	_ =	shalt  }
0x64: {  	_ =	shalt  }
0x65: {  	_ =	shalt  }
0x66: {  	_ =	shalt  }
0x67: {  	_ =	shalt  }
0x68: {  	_ =	shalt  }
0x69: {  	_ =	shalt  }
0x6a: {  	_ =	shalt  }
0x6b: {  	_ =	shalt  }
0x6c: {  	_ =	shalt  }
0x6d: {  	_ =	shalt  }
0x6e: {  	_ =	shalt  }
0x6f: {  	_ =	shalt  }
0x70: {  	_ =	shalt  }
0x71: {  	_ =	shalt  }
0x72: {  	_ =	shalt  }
0x73: {  	_ =	shalt  }
0x74: {  	_ =	shalt  }
0x75: {  	_ =	shalt  }
0x76: {  	_ =	shalt  }
0x77: {  	_ =	shalt  }
0x78: {  	_ =	shalt  }
0x79: {  	_ =	shalt  }
0x7a: {  	_ =	shalt  }
0x7b: {  	_ =	shalt  }
0x7c: {  	_ =	shalt  }
0x7d: {  	_ =	shalt  }
0x7e: {  	_ =	shalt  }
0x7f: {  	_ =	shalt  }
0x80: {  	_ =	shalt  }
0x81: {  	_ =	shalt  }
0x82: {  	_ =	shalt  }
0x83: {  	_ =	shalt  }
0x84: {  	_ =	shalt  }
0x85: {  	_ =	shalt  }
0x86: {  	_ =	shalt  }
0x87: {  	_ =	shalt  }
.Lfunc_end0:
.L_simem_size_0:
called_computation_lowered:
.L_overlay_start_0:
0x88: {  	s2 =	sld [smem:$0x3FD9]  }
0x89: {  	s3 =	sld [smem:$0x3FFE];
	_ =	sdelay $0x1  }
0x8a: {  	s1 =	srdreg.scid  }
0x8b: {  	s0 =	sand.u32 $0x1, s1  }
0x8c: {  	s17 =	sshll.u32 s0, $0xA;
	s2 =	sadd.s32 s3, s2  }
0x8d: {  	s2 =	sadd.s32 s2, s17  }
0x8e: {  	[smem:$0x3FC7] =	sst s2  }
0x8f: {  	_ = 	snop  }
0x90: {  	s2 =	sld [smem:$0x3FC9]  }
0x91: {  	s18 =	sld [smem:$0x3FD0];
	(tm) =	ssettm $0x1  }
0x92: {  	s4 =	sld [smem:$0x3FFB];
	_ =	sdelay $0x3  }
0x93: {  	_ =	strace s4  }
0x94: {  	s4 =	sld [smem:$0x3FFC];
	_ =	sdelay $0x3  }
0x95: {  	_ =	strace s4  }
0x96: {  	s4 =	sld [smem:$0x3FFD];
	_ =	sdelay $0x3  }
0x97: {  	_ =	strace s4  }
0x98: {  	_ =	strace $0x8FFFFFFF  }
0x99: {  	s19 =	sld [smem:$0x3FDB];
	_ =	sdelay $0x1  }
0x9a: {  	s5 =	simm.s32 $_scs_section_size  }
0x9b: {  	s6 =	simm.s32 $_size__tile_overlayer_lowered;
	s7 =	simm.s32 $_tile_overlayer_lowered  }
0x9c: {  	s22 =	simm.s32 $0x1BFF;
	s21 =	sshll.u32 s7, $0x1;
	s4 =	sadd.s32 s5, s19  }
0x9d: {  	s8 =	simm.s32 $0x0;
	s20 =	sshll.u32 s6, $0x1;
	s6 =	sadd.s32 s21, s4  }
0x9e: {  	[timem:s8], [sflag:s22] =	dma.local [hbm:s6], s20  }
0x9f: {  	_ =	swait.ge [sflag:s22], s20  }
0xa0: {  	s5 =	ssub.s32 $0x0, s20;
	[sflag:s22] =	ssyncset.done $0x0  }
0xa1: {  	[sflag:s22] =	ssyncadd.s32 s5;
	_ =	sdelay $0x1  }
0xa2: {  	s23 =	simm.s32 $0x1B8B  }
0xa3: {  	_ =	swait.ge [sflag:s23], $0x1  }
0xa4: {  	[sflag:s23] =	ssyncset.done $0x0  }
0xa5: {  	s25 =	simm.s32 $0x1B8E;
	s24 =	sld [smem:$0x3FFE];
	[sflag:s23] =	ssyncadd.s32 $0xFFFFFFFF  }
0xa6: {  	s26 =	simm.s32 $execute0_lowered;
	[smem:$0x3FD2] =	sst s25  }
0xa7: {  	s6 =	sshll.u32 s26, $0x1;
	_ =	strace $0x80000046;
	[dreg:$0x1] =	wrdreg $0xFFFFFFFF  }
0xa8: {  	s28 =	simm.s32 $_size_execute0_lowered;
	s4 =	sadd.s32 s4, s6;
	[dreg:$0x0] =	wrdreg $0x0  }
0xa9: {  	s6 =	sshll.u32 s28, $0x1;
	[dreg:$0x2] =	wrdreg s4  }
0xaa: {  	[dreg:$0x3] =	wrdreg s6  }
0xab: {  	[dreg:$0x4] =	wrdreg $0xC0  }
0xac: {  	_ =	task [dreg:s8], $0x5FFFF  }
0xad: {  	[dreg:$0x1] =	wrdreg $0xFFFFFFFF  }
0xae: {  	[dreg:$0x0] =	wrdreg $0x60  }
0xaf: {  	[dreg:$0x2] =	wrdreg s2  }
0xb0: {  	[dreg:$0x3] =	wrdreg s24  }
0xb1: {  	[dreg:$0x4] =	wrdreg s18  }
0xb2: {  	[dreg:$0x5] =	wrdreg $0x9  }
0xb3: {  	_ =	task.clear_ibuf [dreg:s8], $0x6FFFF;
	_ =	strace $0x90000046  }
0xb4: {  	s29 =	simm.s32 $0x9;
	_ =	strace $0x80000048  }
0xb5: {  	_ =	swait.ge [sflag:s29], $0x1  }
0xb6: {  	[sflag:s29] =	ssyncadd.s32 $0xFFFFFFFF  }
0xb7: {  	_ =	strace $0x90000048  }
0xb8: {  	_ =	sfence  }
0xb9: {  	s30 =	sld [smem:$0x0];
	_ =	sdelay $0x2  }
0xba: {  	s31 =	sshll.u32 s1, $0xD;
	s1 =	sshrl.u32 s1, $0x2  }
0xbb: {  	s3 =	sand.u32 $0x4000, s31;
	s1 =	sadd.s32 s1, s30  }
0xbc: {  	s0 =	sor.u32 s3, s0;
	s1 =	sshll.u32 s1, $0x11  }
0xbd: {  	s0 =	sor.u32 s1, s0  }
0xbe: {  	s0 =	sadd.s32 $0x8F2B, s0  }
0xbf: {  	[sflag:s0] =	ssyncadd.remote.s32 $0x1  }
0xc0: {  	_ =	sfence.sel $0xFFFF  }
0xc1: {  	[dreg:$0x0] =	wrdreg $0xFFFFFFFF;
	(pc) =	sbr.abs _section_cstart, $3  }
0xc2: {  	[dreg:$0x1] =	wrdreg $0xFFFFFFFF  }
0xc3: {  	_ =	task.clear_ibuf [dreg:s8], $0x2FFFF;
	_ =	strace $0x9FFFFFFF  }
0xc4: {  	(tm) =	ssettm $0x7FFFFFFF  }
0xc5: {  	_ =	shalt  }
tec
execute0_lowered:
.L_overlay_start_1:
0x0: {  	(tag) =	ssettag $0x1  }
0x1: {  	s5 =	rddreg [dreg:$0x0];
	s3 =	srdreg.scid  }
0x2: {  	s12 =	rddreg [dreg:$0x1];
	s1 =	stileid.u32;
	s17 =	sand.u32 $0x1, s3  }
0x3: {  	s2 =	rddreg [dreg:$0x2];
	s4 =	sshll.u32 s1, $0x3;
	s6 =	sshll.u32 s17, $0x2  }
0x4: {  	s0 =	rddreg [dreg:$0x3];
	s3 =	simm.s32 $0x0;
	s6 =	sor.u32 s6, s4  }
0x5: {  	s7 =	sadd.s32 $0x400, s12;
	[smem:$0x7FF] =	sst s3;
	s4 =	smul.u32 $0xC3800, s6  }
0x6: {  	_ =	strace $0x80000047;
	[dreg:$0x4] =	wrdreg s7  }
0x7: {  	s6 =	sadd.s32 s5, s6;
	s5 =	sadd.s32 $0x3610, s12;
	s14 =	sshrl.u32 s4, $0x3  }
0x8: {  	[dreg:$0x5] =	wrdreg s6;
	s6 =	sadd.s32 $0x3620, s12;
	s30 =	sadd.s32 s14, s5  }
0x9: {  	s7 =	sadd.s32 $0x3630, s12;
	s8 =	sadd.s32 s14, s6;
	[dreg:$0x6] =	wrdreg s30  }
0xa: {  	s9 =	sadd.s32 s14, s7;
	[dreg:$0x7] =	wrdreg s8;
	s8 =	sadd.s32 $0x3640, s12  }
0xb: {  	[dreg:$0x8] =	wrdreg s9;
	s9 =	sadd.s32 $0x3650, s12;
	s10 =	sadd.s32 s14, s8  }
0xc: {  	s11 =	sadd.s32 s14, s9;
	[dreg:$0x9] =	wrdreg s10  }
0xd: {  	s13 =	sadd.s32 $0xC3800, s4;
	[dreg:$0xa] =	wrdreg s11;
	s11 =	sadd.s32 $0x3660, s12  }
0xe: {  	s10 =	sadd.s32 $0x3600, s12;
	s12 =	sadd.s32 $0x3670, s12;
	s15 =	sadd.s32 s14, s11  }
0xf: {  	s16 =	sshrl.u32 s13, $0x3;
	s31 =	sadd.s32 s14, s12;
	[dreg:$0xb] =	wrdreg s15  }
0x10: {  	s14 =	sadd.s32 s10, s14;
	s18 =	sadd.s32 s10, s16;
	[dreg:$0xc] =	wrdreg s31  }
0x11: {  	[dreg:$0xd] =	wrdreg s18;
	s19 =	sadd.s32 $0x18710, s14  }
0x12: {  	s20 =	sadd.s32 $0x18720, s14;
	[dreg:$0xe] =	wrdreg s19  }
0x13: {  	s21 =	sadd.s32 $0x18730, s14;
	[dreg:$0xf] =	wrdreg s20  }
0x14: {  	s22 =	sadd.s32 $0x18740, s14;
	[dreg:$0x10] =	wrdreg s21  }
0x15: {  	s23 =	sadd.s32 $0x18750, s14;
	[dreg:$0x11] =	wrdreg s22  }
0x16: {  	s24 =	sadd.s32 $0x18760, s14;
	[dreg:$0x12] =	wrdreg s23  }
0x17: {  	s25 =	sadd.s32 $0x18770, s14;
	[dreg:$0x13] =	wrdreg s24  }
0x18: {  	s28 =	sadd.s32 $0x30E10, s14;
	[dreg:$0x14] =	wrdreg s25  }
0x19: {  	s29 =	sadd.s32 $0x30E20, s14;
	[dreg:$0x16] =	wrdreg s28  }
0x1a: {  	s30 =	sadd.s32 $0x30E30, s14;
	[dreg:$0x17] =	wrdreg s29  }
0x1b: {  	s31 =	sadd.s32 $0x30E40, s14;
	[dreg:$0x18] =	wrdreg s30  }
0x1c: {  	[dreg:$0x19] =	wrdreg s31;
	s19 =	sadd.s32 $0x30E60, s14  }
0x1d: {  	s20 =	sadd.s32 $0x30E70, s14;
	[dreg:$0x1b] =	wrdreg s19  }
0x1e: {  	s17 =	ssub.s32 $0x2, s17;
	s22 =	sadd.s32 $0x49510, s14;
	[dreg:$0x1c] =	wrdreg s20  }
0x1f: {  	s16 =	sadd.s32 $0x24A800, s4;
	s23 =	sadd.s32 $0x49520, s14;
	[dreg:$0x1e] =	wrdreg s22  }
0x20: {  	s15 =	sadd.s32 $0x187000, s4;
	s24 =	sadd.s32 $0x49530, s14;
	[dreg:$0x1f] =	wrdreg s23  }
0x21: {  	s18 =	sshrl.u32 s15, $0x3;
	s25 =	sadd.s32 $0x49540, s14;
	[smem:$0x7F8] =	sst s24  }
0x22: {  	s28 =	sshrl.u32 s17, $0x1;
	s29 =	sadd.s32 $0x49560, s14;
	[smem:$0x7F9] =	sst s25  }
0x23: {  	s30 =	sadd.s32 $0x49570, s14;
	s31 =	simm.s32 $0x18700;
	[smem:$0x7FB] =	sst s29  }
0x24: {  	s26 =	sadd.s32 s10, s18;
	s18 =	sadd.s32 $0x30E50, s14;
	[smem:$0x7FC] =	sst s30  }
0x25: {  	s19 =	sshrl.u32 s16, $0x3;
	s17 =	ssub.s32 s17, s28;
	[smem:$0x7FD] =	sst s31  }
0x26: {  	s20 =	simm.s32 $0x400;
	s22 =	simm.s32 $0x2;
	[dreg:$0x15] =	wrdreg s26  }
0x27: {  	[dreg:$0x1a] =	wrdreg s18;
	s21 =	sadd.s32 s10, s19;
	s26 =	sadd.s32 $0x49550, s14  }
0x28: {  	s17 =	smax.u32 s17, $0x1;
	s18 =	simm.s32 $0x3;
	[dreg:$0x1d] =	wrdreg s21  }
0x29: {  	s19 =	simm.s32 $0x80;
	[smem:$0x7FA] =	sst s26;
	s21 =	simm.s32 $0x1  }
.LBB2_1:
0x2a: {  	s23 =	rddreg [dreg:$0x4]  }
0x2b: {  	[tilespmem:s3], [sflag:$0x3] =	stream.linear.gather [hbm4b:s23+s3], $0x18700, $0x38;
	[tilespmem:$0x18780] =	vst v63  }
0x2c: {  	_ =	swait.ge [sflag:s18], $0x18700  }
0x2d: {  	s24 =	sld [smem:$0x7FD]  }
0x2e: {  	[sflag:s18] =	ssyncset.done $0x0  }
0x2f: {  	s28 =	rddreg [dreg:$0x5];
	[sflag:s18] =	ssyncadd.s32 $0xFFFE7900  }
0x30: {  	[tilespmem:s24], [sflag:$0x3] =	stream.linear.gather [hbm4b:s28+s3], $0x20, $0x38;
	[tilespmem:$0x18780] =	vst v63  }
0x31: {  	_ =	swait.ge [sflag:s18], $0x20  }
0x32: {  	[sflag:s18] =	ssyncset.done $0x0  }
0x33: {  	s29 =	rddreg [dreg:$0x6];
	[sflag:s18] =	ssyncadd.s32 $0xFFFFFFE0  }
0x34: {  	[hbm4b:s14+s19] =	stream.strided.scatter [tilespmem:s3], [sflag:$0x1], $0x18700, s20, s19, $0x38;
	[tilespmem:$0x18780] =	vst v63  }
0x35: {  	s30 =	rddreg [dreg:$0x7]  }
0x36: {  	[hbm4b:s29+s19] =	stream.strided.scatter [tilespmem:s3], [sflag:$0x1], $0x18700, s20, s19, $0x38;
	[tilespmem:$0x18780] =	vst v63  }
0x37: {  	s31 =	rddreg [dreg:$0x8]  }
0x38: {  	[hbm4b:s30+s19] =	stream.strided.scatter [tilespmem:s3], [sflag:$0x1], $0x18700, s20, s19, $0x38;
	[tilespmem:$0x18780] =	vst v63  }
0x39: {  	s25 =	rddreg [dreg:$0x9]  }
0x3a: {  	[hbm4b:s31+s19] =	stream.strided.scatter [tilespmem:s3], [sflag:$0x1], $0x18700, s20, s19, $0x38;
	[tilespmem:$0x18780] =	vst v63  }
0x3b: {  	s26 =	rddreg [dreg:$0xa]  }
0x3c: {  	[hbm4b:s25+s19] =	stream.strided.scatter [tilespmem:s3], [sflag:$0x1], $0x18700, s20, s19, $0x38;
	[tilespmem:$0x18780] =	vst v63  }
0x3d: {  	s28 =	rddreg [dreg:$0xb]  }
0x3e: {  	[hbm4b:s26+s19] =	stream.strided.scatter [tilespmem:s3], [sflag:$0x1], $0x18700, s20, s19, $0x38;
	[tilespmem:$0x18780] =	vst v63  }
0x3f: {  	s29 =	rddreg [dreg:$0xc]  }
0x40: {  	[hbm4b:s28+s19] =	stream.strided.scatter [tilespmem:s3], [sflag:$0x1], $0x18700, s20, s19, $0x38;
	[tilespmem:$0x18780] =	vst v63  }
0x41: {  	s30 =	rddreg [dreg:$0xd]  }
0x42: {  	[hbm4b:s29+s19] =	stream.strided.scatter [tilespmem:s3], [sflag:$0x1], $0x18700, s20, s19, $0x38;
	[tilespmem:$0x18780] =	vst v63  }
0x43: {  	s31 =	rddreg [dreg:$0xe]  }
0x44: {  	[hbm4b:s30+s19] =	stream.strided.scatter [tilespmem:s3], [sflag:$0x1], $0x18700, s20, s19, $0x38;
	[tilespmem:$0x18780] =	vst v63  }
0x45: {  	s25 =	rddreg [dreg:$0xf]  }
0x46: {  	[hbm4b:s31+s19] =	stream.strided.scatter [tilespmem:s3], [sflag:$0x1], $0x18700, s20, s19, $0x38;
	[tilespmem:$0x18780] =	vst v63  }
0x47: {  	s26 =	rddreg [dreg:$0x10]  }
0x48: {  	[hbm4b:s25+s19] =	stream.strided.scatter [tilespmem:s3], [sflag:$0x1], $0x18700, s20, s19, $0x38;
	[tilespmem:$0x18780] =	vst v63  }
0x49: {  	s28 =	rddreg [dreg:$0x11]  }
0x4a: {  	[hbm4b:s26+s19] =	stream.strided.scatter [tilespmem:s3], [sflag:$0x1], $0x18700, s20, s19, $0x38;
	[tilespmem:$0x18780] =	vst v63  }
0x4b: {  	s29 =	rddreg [dreg:$0x12]  }
0x4c: {  	[hbm4b:s28+s19] =	stream.strided.scatter [tilespmem:s3], [sflag:$0x1], $0x18700, s20, s19, $0x38;
	[tilespmem:$0x18780] =	vst v63  }
0x4d: {  	s30 =	rddreg [dreg:$0x13]  }
0x4e: {  	[hbm4b:s29+s19] =	stream.strided.scatter [tilespmem:s3], [sflag:$0x1], $0x18700, s20, s19, $0x38;
	[tilespmem:$0x18780] =	vst v63  }
0x4f: {  	s31 =	rddreg [dreg:$0x14]  }
0x50: {  	[hbm4b:s30+s19] =	stream.strided.scatter [tilespmem:s3], [sflag:$0x1], $0x18700, s20, s19, $0x38;
	[tilespmem:$0x18780] =	vst v63  }
0x51: {  	s25 =	rddreg [dreg:$0x15]  }
0x52: {  	[hbm4b:s31+s19] =	stream.strided.scatter [tilespmem:s3], [sflag:$0x1], $0x18700, s20, s19, $0x38;
	[tilespmem:$0x18780] =	vst v63  }
0x53: {  	s26 =	rddreg [dreg:$0x16]  }
0x54: {  	[hbm4b:s25+s19] =	stream.strided.scatter [tilespmem:s3], [sflag:$0x1], $0x18700, s20, s19, $0x38;
	[tilespmem:$0x18780] =	vst v63  }
0x55: {  	s28 =	rddreg [dreg:$0x17]  }
0x56: {  	[hbm4b:s26+s19] =	stream.strided.scatter [tilespmem:s3], [sflag:$0x1], $0x18700, s20, s19, $0x38;
	[tilespmem:$0x18780] =	vst v63  }
0x57: {  	s29 =	rddreg [dreg:$0x18]  }
0x58: {  	[hbm4b:s28+s19] =	stream.strided.scatter [tilespmem:s3], [sflag:$0x1], $0x18700, s20, s19, $0x38;
	[tilespmem:$0x18780] =	vst v63  }
0x59: {  	s30 =	rddreg [dreg:$0x19]  }
0x5a: {  	[hbm4b:s29+s19] =	stream.strided.scatter [tilespmem:s3], [sflag:$0x1], $0x18700, s20, s19, $0x38;
	[tilespmem:$0x18780] =	vst v63  }
0x5b: {  	s31 =	rddreg [dreg:$0x1a]  }
0x5c: {  	[hbm4b:s30+s19] =	stream.strided.scatter [tilespmem:s3], [sflag:$0x1], $0x18700, s20, s19, $0x38;
	[tilespmem:$0x18780] =	vst v63  }
0x5d: {  	s25 =	rddreg [dreg:$0x1b]  }
0x5e: {  	[hbm4b:s31+s19] =	stream.strided.scatter [tilespmem:s3], [sflag:$0x1], $0x18700, s20, s19, $0x38;
	[tilespmem:$0x18780] =	vst v63  }
0x5f: {  	s26 =	rddreg [dreg:$0x1c]  }
0x60: {  	[hbm4b:s25+s19] =	stream.strided.scatter [tilespmem:s3], [sflag:$0x1], $0x18700, s20, s19, $0x38;
	[tilespmem:$0x18780] =	vst v63  }
0x61: {  	s28 =	rddreg [dreg:$0x1d]  }
0x62: {  	[hbm4b:s26+s19] =	stream.strided.scatter [tilespmem:s3], [sflag:$0x1], $0x18700, s20, s19, $0x38;
	[tilespmem:$0x18780] =	vst v63  }
0x63: {  	s29 =	rddreg [dreg:$0x1e]  }
0x64: {  	[hbm4b:s28+s19] =	stream.strided.scatter [tilespmem:s3], [sflag:$0x1], $0x18700, s20, s19, $0x38;
	[tilespmem:$0x18780] =	vst v63  }
0x65: {  	s30 =	rddreg [dreg:$0x1f]  }
0x66: {  	[hbm4b:s29+s19] =	stream.strided.scatter [tilespmem:s3], [sflag:$0x1], $0x18700, s20, s19, $0x38;
	[tilespmem:$0x18780] =	vst v63  }
0x67: {  	s31 =	sld [smem:$0x7F8]  }
0x68: {  	[hbm4b:s30+s19] =	stream.strided.scatter [tilespmem:s3], [sflag:$0x1], $0x18700, s20, s19, $0x38;
	[tilespmem:$0x18780] =	vst v63  }
0x69: {  	s25 =	sld [smem:$0x7F9]  }
0x6a: {  	[hbm4b:s31+s19] =	stream.strided.scatter [tilespmem:s3], [sflag:$0x1], $0x18700, s20, s19, $0x38;
	[tilespmem:$0x18780] =	vst v63  }
0x6b: {  	s26 =	sld [smem:$0x7FA]  }
0x6c: {  	[hbm4b:s25+s19] =	stream.strided.scatter [tilespmem:s3], [sflag:$0x1], $0x18700, s20, s19, $0x38;
	[tilespmem:$0x18780] =	vst v63  }
0x6d: {  	s28 =	sld [smem:$0x7FB]  }
0x6e: {  	[hbm4b:s26+s19] =	stream.strided.scatter [tilespmem:s3], [sflag:$0x1], $0x18700, s20, s19, $0x38;
	[tilespmem:$0x18780] =	vst v63  }
0x6f: {  	s29 =	sld [smem:$0x7FC]  }
0x70: {  	[hbm4b:s28+s19] =	stream.strided.scatter [tilespmem:s3], [sflag:$0x1], $0x18700, s20, s19, $0x38;
	[tilespmem:$0x18780] =	vst v63  }
0x71: {  	_ = 	snop  }
0x72: {  	[hbm4b:s29+s19] =	stream.strided.scatter [tilespmem:s3], [sflag:$0x1], $0x18700, s20, s19, $0x38;
	[tilespmem:$0x18780] =	vst v63  }
0x73: {  	_ =	swait.ge [sflag:s21], $0x18700  }
0x74: {  	[sflag:s21] =	ssyncset.done $0x0  }
0x75: {  	[sflag:s21] =	ssyncadd.s32 $0xFFFE7900  }
0x76: {  	_ =	swait.ge [sflag:s21], $0x18700  }
0x77: {  	[sflag:s21] =	ssyncset.done $0x0  }
0x78: {  	[sflag:s21] =	ssyncadd.s32 $0xFFFE7900  }
0x79: {  	_ =	swait.ge [sflag:s21], $0x18700  }
0x7a: {  	[sflag:s21] =	ssyncset.done $0x0  }
0x7b: {  	[sflag:s21] =	ssyncadd.s32 $0xFFFE7900  }
0x7c: {  	_ =	swait.ge [sflag:s21], $0x18700  }
0x7d: {  	[sflag:s21] =	ssyncset.done $0x0  }
0x7e: {  	[sflag:s21] =	ssyncadd.s32 $0xFFFE7900  }
0x7f: {  	_ =	swait.ge [sflag:s21], $0x18700  }
0x80: {  	[sflag:s21] =	ssyncset.done $0x0  }
0x81: {  	[sflag:s21] =	ssyncadd.s32 $0xFFFE7900  }
0x82: {  	_ =	swait.ge [sflag:s21], $0x18700  }
0x83: {  	[sflag:s21] =	ssyncset.done $0x0  }
0x84: {  	[sflag:s21] =	ssyncadd.s32 $0xFFFE7900  }
0x85: {  	_ =	swait.ge [sflag:s21], $0x18700  }
0x86: {  	[sflag:s21] =	ssyncset.done $0x0  }
0x87: {  	[sflag:s21] =	ssyncadd.s32 $0xFFFE7900  }
0x88: {  	_ =	swait.ge [sflag:s21], $0x18700  }
0x89: {  	[sflag:s21] =	ssyncset.done $0x0  }
0x8a: {  	[sflag:s21] =	ssyncadd.s32 $0xFFFE7900  }
0x8b: {  	_ =	swait.ge [sflag:s21], $0x18700  }
0x8c: {  	[sflag:s21] =	ssyncset.done $0x0  }
0x8d: {  	[sflag:s21] =	ssyncadd.s32 $0xFFFE7900  }
0x8e: {  	_ =	swait.ge [sflag:s21], $0x18700  }
0x8f: {  	[sflag:s21] =	ssyncset.done $0x0  }
0x90: {  	[sflag:s21] =	ssyncadd.s32 $0xFFFE7900  }
0x91: {  	_ =	swait.ge [sflag:s21], $0x18700  }
0x92: {  	[sflag:s21] =	ssyncset.done $0x0  }
0x93: {  	[sflag:s21] =	ssyncadd.s32 $0xFFFE7900  }
0x94: {  	_ =	swait.ge [sflag:s21], $0x18700  }
0x95: {  	[sflag:s21] =	ssyncset.done $0x0  }
0x96: {  	[sflag:s21] =	ssyncadd.s32 $0xFFFE7900  }
0x97: {  	_ =	swait.ge [sflag:s21], $0x18700  }
0x98: {  	[sflag:s21] =	ssyncset.done $0x0  }
0x99: {  	[sflag:s21] =	ssyncadd.s32 $0xFFFE7900  }
0x9a: {  	_ =	swait.ge [sflag:s21], $0x18700  }
0x9b: {  	[sflag:s21] =	ssyncset.done $0x0  }
0x9c: {  	[sflag:s21] =	ssyncadd.s32 $0xFFFE7900  }
0x9d: {  	_ =	swait.ge [sflag:s21], $0x18700  }
0x9e: {  	[sflag:s21] =	ssyncset.done $0x0  }
0x9f: {  	[sflag:s21] =	ssyncadd.s32 $0xFFFE7900  }
0xa0: {  	_ =	swait.ge [sflag:s21], $0x18700  }
0xa1: {  	[sflag:s21] =	ssyncset.done $0x0  }
0xa2: {  	[sflag:s21] =	ssyncadd.s32 $0xFFFE7900  }
0xa3: {  	_ =	swait.ge [sflag:s21], $0x18700  }
0xa4: {  	[sflag:s21] =	ssyncset.done $0x0  }
0xa5: {  	[sflag:s21] =	ssyncadd.s32 $0xFFFE7900  }
0xa6: {  	_ =	swait.ge [sflag:s21], $0x18700  }
0xa7: {  	[sflag:s21] =	ssyncset.done $0x0  }
0xa8: {  	[sflag:s21] =	ssyncadd.s32 $0xFFFE7900  }
0xa9: {  	_ =	swait.ge [sflag:s21], $0x18700  }
0xaa: {  	[sflag:s21] =	ssyncset.done $0x0  }
0xab: {  	[sflag:s21] =	ssyncadd.s32 $0xFFFE7900  }
0xac: {  	_ =	swait.ge [sflag:s21], $0x18700  }
0xad: {  	[sflag:s21] =	ssyncset.done $0x0  }
0xae: {  	[sflag:s21] =	ssyncadd.s32 $0xFFFE7900  }
0xaf: {  	_ =	swait.ge [sflag:s21], $0x18700  }
0xb0: {  	[sflag:s21] =	ssyncset.done $0x0  }
0xb1: {  	[sflag:s21] =	ssyncadd.s32 $0xFFFE7900  }
0xb2: {  	_ =	swait.ge [sflag:s21], $0x18700  }
0xb3: {  	[sflag:s21] =	ssyncset.done $0x0  }
0xb4: {  	[sflag:s21] =	ssyncadd.s32 $0xFFFE7900  }
0xb5: {  	_ =	swait.ge [sflag:s21], $0x18700  }
0xb6: {  	[sflag:s21] =	ssyncset.done $0x0  }
0xb7: {  	[sflag:s21] =	ssyncadd.s32 $0xFFFE7900  }
0xb8: {  	_ =	swait.ge [sflag:s21], $0x18700  }
0xb9: {  	[sflag:s21] =	ssyncset.done $0x0  }
0xba: {  	[sflag:s21] =	ssyncadd.s32 $0xFFFE7900  }
0xbb: {  	_ =	swait.ge [sflag:s21], $0x18700  }
0xbc: {  	[sflag:s21] =	ssyncset.done $0x0  }
0xbd: {  	[sflag:s21] =	ssyncadd.s32 $0xFFFE7900  }
0xbe: {  	_ =	swait.ge [sflag:s21], $0x18700  }
0xbf: {  	[sflag:s21] =	ssyncset.done $0x0  }
0xc0: {  	[sflag:s21] =	ssyncadd.s32 $0xFFFE7900  }
0xc1: {  	_ =	swait.ge [sflag:s21], $0x18700  }
0xc2: {  	[sflag:s21] =	ssyncset.done $0x0  }
0xc3: {  	[sflag:s21] =	ssyncadd.s32 $0xFFFE7900  }
0xc4: {  	_ =	swait.ge [sflag:s21], $0x18700  }
0xc5: {  	[sflag:s21] =	ssyncset.done $0x0  }
0xc6: {  	[sflag:s21] =	ssyncadd.s32 $0xFFFE7900  }
0xc7: {  	_ =	swait.ge [sflag:s21], $0x18700  }
0xc8: {  	[sflag:s21] =	ssyncset.done $0x0  }
0xc9: {  	[sflag:s21] =	ssyncadd.s32 $0xFFFE7900  }
0xca: {  	_ =	swait.ge [sflag:s21], $0x18700  }
0xcb: {  	[sflag:s21] =	ssyncset.done $0x0  }
0xcc: {  	[sflag:s21] =	ssyncadd.s32 $0xFFFE7900  }
0xcd: {  	_ =	swait.ge [sflag:s21], $0x18700  }
0xce: {  	[sflag:s21] =	ssyncset.done $0x0  }
0xcf: {  	[sflag:s21] =	ssyncadd.s32 $0xFFFE7900  }
0xd0: {  	_ =	swait.ge [sflag:s21], $0x18700  }
0xd1: {  	[sflag:s21] =	ssyncset.done $0x0  }
0xd2: {  	[sflag:s21] =	ssyncadd.s32 $0xFFFE7900  }
0xd3: {  	v0 =	vld [tilespmem:$0x18700];
	_ =	sdelay $0x4  }
0xd4: {  	(v2sf) =	vpush v0, $0x0;
	_ =	sdelay $0xe  }
0xd5: {  	s30 =	spop (v2sf)  }
0xd6: {  	s31 =	sand.u32 $0x7, s30  }
0xd7: {  	s25 =	sshra.s32 s30, $0x1F;
	p0 =	slt.s32 s30, $0x1;
	p1 =	sne.s32 s31, $0x0  }
0xd8: {  	s26 =	sshrl.u32 s25, $0x1D;
	p0 =	por !p0, !p1  }
0xd9: {  	s25 =	simm.s32 $0x1;
	s24 =	sadd.s32 s26, s30;
	p0 =	por !p0, !p0  }
0xda: {  	s24 =	sshra.s32 s24, $0x3;
	s25 =	simm.s32 @!p0 $0x0  }
0xdb: {  	s24 =	ssub.s32 s24, s25  }
0xdc: {  	s25 =	sshll.u32 s24, $0x3  }
0xdd: {  	s26 =	ssub.s32 s30, s25  }
0xde: {  	s24 =	sshll.u32 s24, $0x6;
	s26 =	sshrl.u32 s26, $0x3  }
0xdf: {  	s23 =	sshll.u32 s30, $0x7;
	s24 =	sand.u32 $0xFFFFFC00, s24;
	s26 =	smul.u32 $0xC3800, s26  }
0xe0: {  	s23 =	sand.u32 $0x380, s23;
	s25 =	sand.u32 $0x78, s25;
	s24 =	sadd.s32 s4, s24  }
0xe1: {  	s24 =	sor.u32 s25, s24;
	s23 =	sor.u32 s23, s26  }
0xe2: {  	s28 =	sshll.u32 s1, $0x6;
	s24 =	sshrl.u32 s24, $0x3;
	s23 =	sshrl.u32 s23, $0x3  }
0xe3: {  	s24 =	sadd.s32 s10, s24;
	s29 =	sadd.s32 s2, s23;
	s23 =	sor.u32 $0x1C02, s28  }
0xe4: {  	[hbm:s24], [sflag:s23] =	dma.local [hbm:s29], $0x1  }
0xe5: {  	(v2sf) =	vpush v0, $0x1;
	_ =	sdelay $0xe  }
0xe6: {  	s24 =	spop (v2sf)  }
0xe7: {  	s30 =	sand.u32 $0x7, s24  }
0xe8: {  	s31 =	sshra.s32 s24, $0x1F;
	p5 =	slt.s32 s24, $0x1;
	p6 =	sne.s32 s30, $0x0  }
0xe9: {  	s26 =	sshrl.u32 s31, $0x1D;
	p0 =	por !p5, !p6  }
0xea: {  	s25 =	sadd.s32 s26, s24;
	s26 =	simm.s32 $0x1;
	p0 =	por !p0, !p0  }
0xeb: {  	s25 =	sshra.s32 s25, $0x3;
	s26 =	simm.s32 @!p0 $0x0  }
0xec: {  	s25 =	ssub.s32 s25, s26  }
0xed: {  	s26 =	sshll.u32 s25, $0x3  }
0xee: {  	s28 =	ssub.s32 s24, s26  }
0xef: {  	s25 =	sshll.u32 s25, $0x6;
	s28 =	sshrl.u32 s28, $0x3  }
0xf0: {  	s25 =	sand.u32 $0xFFFFFC00, s25;
	s24 =	sshll.u32 s24, $0x7;
	s28 =	smul.u32 $0xC3800, s28  }
0xf1: {  	s26 =	sand.u32 $0x78, s26;
	s25 =	sadd.s32 s4, s25;
	s24 =	sand.u32 $0x380, s24  }
0xf2: {  	s25 =	sor.u32 s26, s25;
	s24 =	sor.u32 s24, s28  }
0xf3: {  	s25 =	sshrl.u32 s25, $0x3;
	s24 =	sshrl.u32 s24, $0x3  }
0xf4: {  	s25 =	sadd.s32 s25, s5;
	s24 =	sadd.s32 s2, s24  }
0xf5: {  	[hbm:s25], [sflag:s23] =	dma.local [hbm:s24], $0x1  }
0xf6: {  	(v2sf) =	vpush v0, $0x2;
	_ =	sdelay $0xe  }
0xf7: {  	s24 =	spop (v2sf)  }
0xf8: {  	s28 =	sand.u32 $0x7, s24  }
0xf9: {  	s29 =	sshra.s32 s24, $0x1F;
	p1 =	slt.s32 s24, $0x1;
	p2 =	sne.s32 s28, $0x0  }
0xfa: {  	s30 =	sshrl.u32 s29, $0x1D;
	p0 =	por !p1, !p2  }
0xfb: {  	s26 =	simm.s32 $0x1;
	s25 =	sadd.s32 s30, s24;
	p0 =	por !p0, !p0  }
0xfc: {  	s25 =	sshra.s32 s25, $0x3;
	s26 =	simm.s32 @!p0 $0x0  }
0xfd: {  	s25 =	ssub.s32 s25, s26  }
0xfe: {  	s26 =	sshll.u32 s25, $0x3  }
0xff: {  	s31 =	ssub.s32 s24, s26  }
0x100: {  	s25 =	sshll.u32 s25, $0x6;
	s28 =	sshrl.u32 s31, $0x3  }
0x101: {  	s25 =	sand.u32 $0xFFFFFC00, s25;
	s24 =	sshll.u32 s24, $0x7;
	s28 =	smul.u32 $0xC3800, s28  }
0x102: {  	s26 =	sand.u32 $0x78, s26;
	s25 =	sadd.s32 s4, s25;
	s24 =	sand.u32 $0x380, s24  }
0x103: {  	s25 =	sor.u32 s26, s25;
	s24 =	sor.u32 s24, s28  }
0x104: {  	s25 =	sshrl.u32 s25, $0x3;
	s24 =	sshrl.u32 s24, $0x3  }
0x105: {  	s25 =	sadd.s32 s25, s6;
	s24 =	sadd.s32 s2, s24  }
0x106: {  	[hbm:s25], [sflag:s23] =	dma.local [hbm:s24], $0x1  }
0x107: {  	(v2sf) =	vpush v0, $0x3;
	_ =	sdelay $0xe  }
0x108: {  	s24 =	spop (v2sf)  }
0x109: {  	s28 =	sand.u32 $0x7, s24  }
0x10a: {  	s29 =	sshra.s32 s24, $0x1F;
	p3 =	slt.s32 s24, $0x1;
	p4 =	sne.s32 s28, $0x0  }
0x10b: {  	s30 =	sshrl.u32 s29, $0x1D;
	p0 =	por !p3, !p4  }
0x10c: {  	s26 =	simm.s32 $0x1;
	s25 =	sadd.s32 s30, s24;
	p0 =	por !p0, !p0  }
0x10d: {  	s25 =	sshra.s32 s25, $0x3;
	s26 =	simm.s32 @!p0 $0x0  }
0x10e: {  	s25 =	ssub.s32 s25, s26  }
0x10f: {  	s26 =	sshll.u32 s25, $0x3  }
0x110: {  	s31 =	ssub.s32 s24, s26  }
0x111: {  	s25 =	sshll.u32 s25, $0x6;
	s28 =	sshrl.u32 s31, $0x3  }
0x112: {  	s25 =	sand.u32 $0xFFFFFC00, s25;
	s24 =	sshll.u32 s24, $0x7;
	s28 =	smul.u32 $0xC3800, s28  }
0x113: {  	s26 =	sand.u32 $0x78, s26;
	s25 =	sadd.s32 s4, s25;
	s24 =	sand.u32 $0x380, s24  }
0x114: {  	s25 =	sor.u32 s26, s25;
	s24 =	sor.u32 s24, s28  }
0x115: {  	s25 =	sshrl.u32 s25, $0x3;
	s24 =	sshrl.u32 s24, $0x3  }
0x116: {  	s25 =	sadd.s32 s25, s7;
	s24 =	sadd.s32 s2, s24  }
0x117: {  	[hbm:s25], [sflag:s23] =	dma.local [hbm:s24], $0x1  }
0x118: {  	(v2sf) =	vpush v0, $0x4;
	_ =	sdelay $0xe  }
0x119: {  	s24 =	spop (v2sf)  }
0x11a: {  	s28 =	sand.u32 $0x7, s24  }
0x11b: {  	s29 =	sshra.s32 s24, $0x1F;
	p5 =	slt.s32 s24, $0x1;
	p6 =	sne.s32 s28, $0x0  }
0x11c: {  	s30 =	sshrl.u32 s29, $0x1D;
	p0 =	por !p5, !p6  }
0x11d: {  	s26 =	simm.s32 $0x1;
	s25 =	sadd.s32 s30, s24;
	p0 =	por !p0, !p0  }
0x11e: {  	s25 =	sshra.s32 s25, $0x3;
	s26 =	simm.s32 @!p0 $0x0  }
0x11f: {  	s25 =	ssub.s32 s25, s26  }
0x120: {  	s26 =	sshll.u32 s25, $0x3  }
0x121: {  	s31 =	ssub.s32 s24, s26  }
0x122: {  	s25 =	sshll.u32 s25, $0x6;
	s28 =	sshrl.u32 s31, $0x3  }
0x123: {  	s25 =	sand.u32 $0xFFFFFC00, s25;
	s24 =	sshll.u32 s24, $0x7;
	s28 =	smul.u32 $0xC3800, s28  }
0x124: {  	s26 =	sand.u32 $0x78, s26;
	s25 =	sadd.s32 s4, s25;
	s24 =	sand.u32 $0x380, s24  }
0x125: {  	s25 =	sor.u32 s26, s25;
	s24 =	sor.u32 s24, s28  }
0x126: {  	s25 =	sshrl.u32 s25, $0x3;
	s24 =	sshrl.u32 s24, $0x3  }
0x127: {  	s25 =	sadd.s32 s25, s8;
	s24 =	sadd.s32 s2, s24  }
0x128: {  	[hbm:s25], [sflag:s23] =	dma.local [hbm:s24], $0x1  }
0x129: {  	(v2sf) =	vpush v0, $0x5;
	_ =	sdelay $0xe  }
0x12a: {  	s24 =	spop (v2sf)  }
0x12b: {  	s28 =	sand.u32 $0x7, s24  }
0x12c: {  	s29 =	sshra.s32 s24, $0x1F;
	p1 =	slt.s32 s24, $0x1;
	p2 =	sne.s32 s28, $0x0  }
0x12d: {  	s30 =	sshrl.u32 s29, $0x1D;
	p0 =	por !p1, !p2  }
0x12e: {  	s26 =	simm.s32 $0x1;
	s25 =	sadd.s32 s30, s24;
	p0 =	por !p0, !p0  }
0x12f: {  	s25 =	sshra.s32 s25, $0x3;
	s26 =	simm.s32 @!p0 $0x0  }
0x130: {  	s25 =	ssub.s32 s25, s26  }
0x131: {  	s26 =	sshll.u32 s25, $0x3  }
0x132: {  	s31 =	ssub.s32 s24, s26  }
0x133: {  	s25 =	sshll.u32 s25, $0x6;
	s28 =	sshrl.u32 s31, $0x3  }
0x134: {  	s25 =	sand.u32 $0xFFFFFC00, s25;
	s24 =	sshll.u32 s24, $0x7;
	s28 =	smul.u32 $0xC3800, s28  }
0x135: {  	s26 =	sand.u32 $0x78, s26;
	s25 =	sadd.s32 s4, s25;
	s24 =	sand.u32 $0x380, s24  }
0x136: {  	s25 =	sor.u32 s26, s25;
	s24 =	sor.u32 s24, s28  }
0x137: {  	s25 =	sshrl.u32 s25, $0x3;
	s24 =	sshrl.u32 s24, $0x3  }
0x138: {  	s25 =	sadd.s32 s25, s9;
	s24 =	sadd.s32 s2, s24  }
0x139: {  	[hbm:s25], [sflag:s23] =	dma.local [hbm:s24], $0x1  }
0x13a: {  	(v2sf) =	vpush v0, $0x6;
	_ =	sdelay $0xe  }
0x13b: {  	s24 =	spop (v2sf)  }
0x13c: {  	s28 =	sand.u32 $0x7, s24  }
0x13d: {  	s29 =	sshra.s32 s24, $0x1F;
	p3 =	slt.s32 s24, $0x1;
	p4 =	sne.s32 s28, $0x0  }
0x13e: {  	s30 =	sshrl.u32 s29, $0x1D;
	p0 =	por !p3, !p4  }
0x13f: {  	s26 =	simm.s32 $0x1;
	s25 =	sadd.s32 s30, s24;
	p0 =	por !p0, !p0  }
0x140: {  	s25 =	sshra.s32 s25, $0x3;
	s26 =	simm.s32 @!p0 $0x0  }
0x141: {  	s25 =	ssub.s32 s25, s26  }
0x142: {  	s26 =	sshll.u32 s25, $0x3  }
0x143: {  	s31 =	ssub.s32 s24, s26  }
0x144: {  	s25 =	sshll.u32 s25, $0x6;
	s28 =	sshrl.u32 s31, $0x3  }
0x145: {  	s25 =	sand.u32 $0xFFFFFC00, s25;
	s24 =	sshll.u32 s24, $0x7;
	s28 =	smul.u32 $0xC3800, s28  }
0x146: {  	s26 =	sand.u32 $0x78, s26;
	s25 =	sadd.s32 s4, s25;
	s24 =	sand.u32 $0x380, s24  }
0x147: {  	s25 =	sor.u32 s26, s25;
	s24 =	sor.u32 s24, s28  }
0x148: {  	s25 =	sshrl.u32 s25, $0x3;
	s24 =	sshrl.u32 s24, $0x3  }
0x149: {  	s25 =	sadd.s32 s25, s11;
	s24 =	sadd.s32 s2, s24  }
0x14a: {  	[hbm:s25], [sflag:s23] =	dma.local [hbm:s24], $0x1  }
0x14b: {  	(v2sf) =	vpush v0, $0x7;
	_ =	sdelay $0xe  }
0x14c: {  	s24 =	spop (v2sf)  }
0x14d: {  	s28 =	sand.u32 $0x7, s24  }
0x14e: {  	s29 =	sshra.s32 s24, $0x1F;
	p5 =	slt.s32 s24, $0x1;
	p6 =	sne.s32 s28, $0x0  }
0x14f: {  	s30 =	sshrl.u32 s29, $0x1D;
	p0 =	por !p5, !p6  }
0x150: {  	s26 =	simm.s32 $0x1;
	s25 =	sadd.s32 s30, s24;
	p0 =	por !p0, !p0  }
0x151: {  	s25 =	sshra.s32 s25, $0x3;
	s26 =	simm.s32 @!p0 $0x0  }
0x152: {  	s25 =	ssub.s32 s25, s26  }
0x153: {  	s26 =	sshll.u32 s25, $0x3  }
0x154: {  	s31 =	ssub.s32 s24, s26  }
0x155: {  	s25 =	sshll.u32 s25, $0x6;
	s28 =	sshrl.u32 s31, $0x3  }
0x156: {  	s25 =	sand.u32 $0xFFFFFC00, s25;
	s24 =	sshll.u32 s24, $0x7;
	s28 =	smul.u32 $0xC3800, s28  }
0x157: {  	s26 =	sand.u32 $0x78, s26;
	s25 =	sadd.s32 s4, s25;
	s24 =	sand.u32 $0x380, s24  }
0x158: {  	s25 =	sor.u32 s26, s25;
	s24 =	sor.u32 s24, s28  }
0x159: {  	s25 =	sshrl.u32 s25, $0x3;
	s24 =	sshrl.u32 s24, $0x3  }
0x15a: {  	s25 =	sadd.s32 s25, s12;
	s24 =	sadd.s32 s2, s24  }
0x15b: {  	[hbm:s25], [sflag:s23] =	dma.local [hbm:s24], $0x1  }
0x15c: {  	(v2sf) =	vpush v0, $0x8;
	_ =	sdelay $0xe  }
0x15d: {  	s24 =	spop (v2sf)  }
0x15e: {  	s28 =	sand.u32 $0x7, s24  }
0x15f: {  	s29 =	sshra.s32 s24, $0x1F;
	p1 =	slt.s32 s24, $0x1;
	p2 =	sne.s32 s28, $0x0  }
0x160: {  	s30 =	sshrl.u32 s29, $0x1D;
	p0 =	por !p1, !p2  }
0x161: {  	s26 =	simm.s32 $0x1;
	s25 =	sadd.s32 s30, s24;
	p0 =	por !p0, !p0  }
0x162: {  	s25 =	sshra.s32 s25, $0x3;
	s26 =	simm.s32 @!p0 $0x0  }
0x163: {  	s25 =	ssub.s32 s25, s26  }
0x164: {  	s26 =	sshll.u32 s25, $0x3  }
0x165: {  	s31 =	ssub.s32 s24, s26  }
0x166: {  	s25 =	sshll.u32 s25, $0x6;
	s28 =	sshrl.u32 s31, $0x3  }
0x167: {  	s25 =	sand.u32 $0xFFFFFC00, s25;
	s24 =	sshll.u32 s24, $0x7;
	s28 =	smul.u32 $0xC3800, s28  }
0x168: {  	s26 =	sand.u32 $0x78, s26;
	s25 =	sadd.s32 s13, s25;
	s24 =	sand.u32 $0x380, s24  }
0x169: {  	s25 =	sor.u32 s26, s25;
	s24 =	sor.u32 s24, s28  }
0x16a: {  	s25 =	sshrl.u32 s25, $0x3;
	s24 =	sshrl.u32 s24, $0x3  }
0x16b: {  	s25 =	sadd.s32 s10, s25;
	s24 =	sadd.s32 s2, s24  }
0x16c: {  	[hbm:s25], [sflag:s23] =	dma.local [hbm:s24], $0x1  }
0x16d: {  	(v2sf) =	vpush v0, $0x9;
	_ =	sdelay $0xe  }
0x16e: {  	s24 =	spop (v2sf)  }
0x16f: {  	s28 =	sand.u32 $0x7, s24  }
0x170: {  	s29 =	sshra.s32 s24, $0x1F;
	p3 =	slt.s32 s24, $0x1;
	p4 =	sne.s32 s28, $0x0  }
0x171: {  	s30 =	sshrl.u32 s29, $0x1D;
	p0 =	por !p3, !p4  }
0x172: {  	s26 =	simm.s32 $0x1;
	s25 =	sadd.s32 s30, s24;
	p0 =	por !p0, !p0  }
0x173: {  	s25 =	sshra.s32 s25, $0x3;
	s26 =	simm.s32 @!p0 $0x0  }
0x174: {  	s25 =	ssub.s32 s25, s26  }
0x175: {  	s26 =	sshll.u32 s25, $0x3  }
0x176: {  	s31 =	ssub.s32 s24, s26  }
0x177: {  	s25 =	sshll.u32 s25, $0x6;
	s28 =	sshrl.u32 s31, $0x3  }
0x178: {  	s25 =	sand.u32 $0xFFFFFC00, s25;
	s24 =	sshll.u32 s24, $0x7;
	s28 =	smul.u32 $0xC3800, s28  }
0x179: {  	s26 =	sand.u32 $0x78, s26;
	s25 =	sadd.s32 s13, s25;
	s24 =	sand.u32 $0x380, s24  }
0x17a: {  	s25 =	sor.u32 s26, s25;
	s24 =	sor.u32 s24, s28  }
0x17b: {  	s25 =	sshrl.u32 s25, $0x3;
	s24 =	sshrl.u32 s24, $0x3  }
0x17c: {  	s25 =	sadd.s32 s25, s5;
	s24 =	sadd.s32 s2, s24  }
0x17d: {  	[hbm:s25], [sflag:s23] =	dma.local [hbm:s24], $0x1  }
0x17e: {  	(v2sf) =	vpush v0, $0xA;
	_ =	sdelay $0xe  }
0x17f: {  	s24 =	spop (v2sf)  }
0x180: {  	s28 =	sand.u32 $0x7, s24  }
0x181: {  	s29 =	sshra.s32 s24, $0x1F;
	p5 =	slt.s32 s24, $0x1;
	p6 =	sne.s32 s28, $0x0  }
0x182: {  	s30 =	sshrl.u32 s29, $0x1D;
	p0 =	por !p5, !p6  }
0x183: {  	s26 =	simm.s32 $0x1;
	s25 =	sadd.s32 s30, s24;
	p0 =	por !p0, !p0  }
0x184: {  	s25 =	sshra.s32 s25, $0x3;
	s26 =	simm.s32 @!p0 $0x0  }
0x185: {  	s25 =	ssub.s32 s25, s26  }
0x186: {  	s26 =	sshll.u32 s25, $0x3  }
0x187: {  	s31 =	ssub.s32 s24, s26  }
0x188: {  	s25 =	sshll.u32 s25, $0x6;
	s28 =	sshrl.u32 s31, $0x3  }
0x189: {  	s25 =	sand.u32 $0xFFFFFC00, s25;
	s24 =	sshll.u32 s24, $0x7;
	s28 =	smul.u32 $0xC3800, s28  }
0x18a: {  	s26 =	sand.u32 $0x78, s26;
	s25 =	sadd.s32 s13, s25;
	s24 =	sand.u32 $0x380, s24  }
0x18b: {  	s25 =	sor.u32 s26, s25;
	s24 =	sor.u32 s24, s28  }
0x18c: {  	s25 =	sshrl.u32 s25, $0x3;
	s24 =	sshrl.u32 s24, $0x3  }
0x18d: {  	s25 =	sadd.s32 s25, s6;
	s24 =	sadd.s32 s2, s24  }
0x18e: {  	[hbm:s25], [sflag:s23] =	dma.local [hbm:s24], $0x1  }
0x18f: {  	(v2sf) =	vpush v0, $0xB;
	_ =	sdelay $0xe  }
0x190: {  	s24 =	spop (v2sf)  }
0x191: {  	s28 =	sand.u32 $0x7, s24  }
0x192: {  	s29 =	sshra.s32 s24, $0x1F;
	p1 =	slt.s32 s24, $0x1;
	p2 =	sne.s32 s28, $0x0  }
0x193: {  	s30 =	sshrl.u32 s29, $0x1D;
	p0 =	por !p1, !p2  }
0x194: {  	s26 =	simm.s32 $0x1;
	s25 =	sadd.s32 s30, s24;
	p0 =	por !p0, !p0  }
0x195: {  	s25 =	sshra.s32 s25, $0x3;
	s26 =	simm.s32 @!p0 $0x0  }
0x196: {  	s25 =	ssub.s32 s25, s26  }
0x197: {  	s26 =	sshll.u32 s25, $0x3  }
0x198: {  	s31 =	ssub.s32 s24, s26  }
0x199: {  	s25 =	sshll.u32 s25, $0x6;
	s28 =	sshrl.u32 s31, $0x3  }
0x19a: {  	s25 =	sand.u32 $0xFFFFFC00, s25;
	s24 =	sshll.u32 s24, $0x7;
	s28 =	smul.u32 $0xC3800, s28  }
0x19b: {  	s26 =	sand.u32 $0x78, s26;
	s25 =	sadd.s32 s13, s25;
	s24 =	sand.u32 $0x380, s24  }
0x19c: {  	s25 =	sor.u32 s26, s25;
	s24 =	sor.u32 s24, s28  }
0x19d: {  	s25 =	sshrl.u32 s25, $0x3;
	s24 =	sshrl.u32 s24, $0x3  }
0x19e: {  	s25 =	sadd.s32 s25, s7;
	s24 =	sadd.s32 s2, s24  }
0x19f: {  	[hbm:s25], [sflag:s23] =	dma.local [hbm:s24], $0x1  }
0x1a0: {  	(v2sf) =	vpush v0, $0xC;
	_ =	sdelay $0xe  }
0x1a1: {  	s24 =	spop (v2sf)  }
0x1a2: {  	s28 =	sand.u32 $0x7, s24  }
0x1a3: {  	s29 =	sshra.s32 s24, $0x1F;
	p3 =	slt.s32 s24, $0x1;
	p4 =	sne.s32 s28, $0x0  }
0x1a4: {  	s30 =	sshrl.u32 s29, $0x1D;
	p0 =	por !p3, !p4  }
0x1a5: {  	s26 =	simm.s32 $0x1;
	s25 =	sadd.s32 s30, s24;
	p0 =	por !p0, !p0  }
0x1a6: {  	s25 =	sshra.s32 s25, $0x3;
	s26 =	simm.s32 @!p0 $0x0  }
0x1a7: {  	s25 =	ssub.s32 s25, s26  }
0x1a8: {  	s26 =	sshll.u32 s25, $0x3  }
0x1a9: {  	s31 =	ssub.s32 s24, s26  }
0x1aa: {  	s25 =	sshll.u32 s25, $0x6;
	s28 =	sshrl.u32 s31, $0x3  }
0x1ab: {  	s25 =	sand.u32 $0xFFFFFC00, s25;
	s24 =	sshll.u32 s24, $0x7;
	s28 =	smul.u32 $0xC3800, s28  }
0x1ac: {  	s26 =	sand.u32 $0x78, s26;
	s25 =	sadd.s32 s13, s25;
	s24 =	sand.u32 $0x380, s24  }
0x1ad: {  	s25 =	sor.u32 s26, s25;
	s24 =	sor.u32 s24, s28  }
0x1ae: {  	s25 =	sshrl.u32 s25, $0x3;
	s24 =	sshrl.u32 s24, $0x3  }
0x1af: {  	s25 =	sadd.s32 s25, s8;
	s24 =	sadd.s32 s2, s24  }
0x1b0: {  	[hbm:s25], [sflag:s23] =	dma.local [hbm:s24], $0x1  }
0x1b1: {  	(v2sf) =	vpush v0, $0xD;
	_ =	sdelay $0xe  }
0x1b2: {  	s24 =	spop (v2sf)  }
0x1b3: {  	s28 =	sand.u32 $0x7, s24  }
0x1b4: {  	s29 =	sshra.s32 s24, $0x1F;
	p5 =	slt.s32 s24, $0x1;
	p6 =	sne.s32 s28, $0x0  }
0x1b5: {  	s30 =	sshrl.u32 s29, $0x1D;
	p0 =	por !p5, !p6  }
0x1b6: {  	s26 =	simm.s32 $0x1;
	s25 =	sadd.s32 s30, s24;
	p0 =	por !p0, !p0  }
0x1b7: {  	s25 =	sshra.s32 s25, $0x3;
	s26 =	simm.s32 @!p0 $0x0  }
0x1b8: {  	s25 =	ssub.s32 s25, s26  }
0x1b9: {  	s26 =	sshll.u32 s25, $0x3  }
0x1ba: {  	s31 =	ssub.s32 s24, s26  }
0x1bb: {  	s25 =	sshll.u32 s25, $0x6;
	s28 =	sshrl.u32 s31, $0x3  }
0x1bc: {  	s25 =	sand.u32 $0xFFFFFC00, s25;
	s24 =	sshll.u32 s24, $0x7;
	s28 =	smul.u32 $0xC3800, s28  }
0x1bd: {  	s26 =	sand.u32 $0x78, s26;
	s25 =	sadd.s32 s13, s25;
	s24 =	sand.u32 $0x380, s24  }
0x1be: {  	s25 =	sor.u32 s26, s25;
	s24 =	sor.u32 s24, s28  }
0x1bf: {  	s25 =	sshrl.u32 s25, $0x3;
	s24 =	sshrl.u32 s24, $0x3  }
0x1c0: {  	s25 =	sadd.s32 s25, s9;
	s24 =	sadd.s32 s2, s24  }
0x1c1: {  	[hbm:s25], [sflag:s23] =	dma.local [hbm:s24], $0x1  }
0x1c2: {  	(v2sf) =	vpush v0, $0xE;
	_ =	sdelay $0xe  }
0x1c3: {  	s24 =	spop (v2sf)  }
0x1c4: {  	s28 =	sand.u32 $0x7, s24  }
0x1c5: {  	s29 =	sshra.s32 s24, $0x1F;
	p1 =	slt.s32 s24, $0x1;
	p2 =	sne.s32 s28, $0x0  }
0x1c6: {  	s30 =	sshrl.u32 s29, $0x1D;
	p0 =	por !p1, !p2  }
0x1c7: {  	s26 =	simm.s32 $0x1;
	s25 =	sadd.s32 s30, s24;
	p0 =	por !p0, !p0  }
0x1c8: {  	s25 =	sshra.s32 s25, $0x3;
	s26 =	simm.s32 @!p0 $0x0  }
0x1c9: {  	s25 =	ssub.s32 s25, s26  }
0x1ca: {  	s26 =	sshll.u32 s25, $0x3  }
0x1cb: {  	s31 =	ssub.s32 s24, s26  }
0x1cc: {  	s25 =	sshll.u32 s25, $0x6;
	s28 =	sshrl.u32 s31, $0x3  }
0x1cd: {  	s25 =	sand.u32 $0xFFFFFC00, s25;
	s24 =	sshll.u32 s24, $0x7;
	s28 =	smul.u32 $0xC3800, s28  }
0x1ce: {  	s26 =	sand.u32 $0x78, s26;
	s25 =	sadd.s32 s13, s25;
	s24 =	sand.u32 $0x380, s24  }
0x1cf: {  	s25 =	sor.u32 s26, s25;
	s24 =	sor.u32 s24, s28  }
0x1d0: {  	s25 =	sshrl.u32 s25, $0x3;
	s24 =	sshrl.u32 s24, $0x3  }
0x1d1: {  	s25 =	sadd.s32 s25, s11;
	s24 =	sadd.s32 s2, s24  }
0x1d2: {  	[hbm:s25], [sflag:s23] =	dma.local [hbm:s24], $0x1  }
0x1d3: {  	(v2sf) =	vpush v0, $0xF;
	_ =	sdelay $0xe  }
0x1d4: {  	s24 =	spop (v2sf)  }
0x1d5: {  	s28 =	sand.u32 $0x7, s24  }
0x1d6: {  	s29 =	sshra.s32 s24, $0x1F;
	p3 =	slt.s32 s24, $0x1;
	p4 =	sne.s32 s28, $0x0  }
0x1d7: {  	s30 =	sshrl.u32 s29, $0x1D;
	p0 =	por !p3, !p4  }
0x1d8: {  	s26 =	simm.s32 $0x1;
	s25 =	sadd.s32 s30, s24;
	p0 =	por !p0, !p0  }
0x1d9: {  	s25 =	sshra.s32 s25, $0x3;
	s26 =	simm.s32 @!p0 $0x0  }
0x1da: {  	s25 =	ssub.s32 s25, s26  }
0x1db: {  	s26 =	sshll.u32 s25, $0x3  }
0x1dc: {  	s31 =	ssub.s32 s24, s26  }
0x1dd: {  	s25 =	sshll.u32 s25, $0x6;
	s28 =	sshrl.u32 s31, $0x3  }
0x1de: {  	s25 =	sand.u32 $0xFFFFFC00, s25;
	s24 =	sshll.u32 s24, $0x7;
	s28 =	smul.u32 $0xC3800, s28  }
0x1df: {  	s26 =	sand.u32 $0x78, s26;
	s25 =	sadd.s32 s13, s25;
	s24 =	sand.u32 $0x380, s24  }
0x1e0: {  	s25 =	sor.u32 s26, s25;
	s24 =	sor.u32 s24, s28  }
0x1e1: {  	s25 =	sshrl.u32 s25, $0x3;
	s24 =	sshrl.u32 s24, $0x3  }
0x1e2: {  	s25 =	sadd.s32 s25, s12;
	s24 =	sadd.s32 s2, s24  }
0x1e3: {  	[hbm:s25], [sflag:s23] =	dma.local [hbm:s24], $0x1  }
0x1e4: {  	v63 =	vld [tilespmem:$0x18710];
	_ =	sdelay $0x4  }
0x1e5: {  	(v2sf) =	vpush v63, $0x0;
	_ =	sdelay $0xe  }
0x1e6: {  	s24 =	spop (v2sf)  }
0x1e7: {  	s28 =	sand.u32 $0x7, s24  }
0x1e8: {  	s29 =	sshra.s32 s24, $0x1F;
	p5 =	slt.s32 s24, $0x1;
	p6 =	sne.s32 s28, $0x0  }
0x1e9: {  	s30 =	sshrl.u32 s29, $0x1D;
	p0 =	por !p5, !p6  }
0x1ea: {  	s26 =	simm.s32 $0x1;
	s25 =	sadd.s32 s30, s24;
	p0 =	por !p0, !p0  }
0x1eb: {  	s25 =	sshra.s32 s25, $0x3;
	s26 =	simm.s32 @!p0 $0x0  }
0x1ec: {  	s25 =	ssub.s32 s25, s26  }
0x1ed: {  	s26 =	sshll.u32 s25, $0x3  }
0x1ee: {  	s31 =	ssub.s32 s24, s26  }
0x1ef: {  	s25 =	sshll.u32 s25, $0x6;
	s28 =	sshrl.u32 s31, $0x3  }
0x1f0: {  	s25 =	sand.u32 $0xFFFFFC00, s25;
	s24 =	sshll.u32 s24, $0x7;
	s28 =	smul.u32 $0xC3800, s28  }
0x1f1: {  	s26 =	sand.u32 $0x78, s26;
	s25 =	sadd.s32 s15, s25;
	s24 =	sand.u32 $0x380, s24  }
0x1f2: {  	s25 =	sor.u32 s26, s25;
	s24 =	sor.u32 s24, s28  }
0x1f3: {  	s25 =	sshrl.u32 s25, $0x3;
	s24 =	sshrl.u32 s24, $0x3  }
0x1f4: {  	s25 =	sadd.s32 s10, s25;
	s24 =	sadd.s32 s2, s24  }
0x1f5: {  	[hbm:s25], [sflag:s23] =	dma.local [hbm:s24], $0x1  }
0x1f6: {  	(v2sf) =	vpush v63, $0x1;
	_ =	sdelay $0xe  }
0x1f7: {  	s24 =	spop (v2sf)  }
0x1f8: {  	s28 =	sand.u32 $0x7, s24  }
0x1f9: {  	s29 =	sshra.s32 s24, $0x1F;
	p1 =	slt.s32 s24, $0x1;
	p2 =	sne.s32 s28, $0x0  }
0x1fa: {  	s30 =	sshrl.u32 s29, $0x1D;
	p0 =	por !p1, !p2  }
0x1fb: {  	s26 =	simm.s32 $0x1;
	s25 =	sadd.s32 s30, s24;
	p0 =	por !p0, !p0  }
0x1fc: {  	s25 =	sshra.s32 s25, $0x3;
	s26 =	simm.s32 @!p0 $0x0  }
0x1fd: {  	s25 =	ssub.s32 s25, s26  }
0x1fe: {  	s26 =	sshll.u32 s25, $0x3  }
0x1ff: {  	s31 =	ssub.s32 s24, s26  }
0x200: {  	s25 =	sshll.u32 s25, $0x6;
	s28 =	sshrl.u32 s31, $0x3  }
0x201: {  	s25 =	sand.u32 $0xFFFFFC00, s25;
	s24 =	sshll.u32 s24, $0x7;
	s28 =	smul.u32 $0xC3800, s28  }
0x202: {  	s26 =	sand.u32 $0x78, s26;
	s25 =	sadd.s32 s15, s25;
	s24 =	sand.u32 $0x380, s24  }
0x203: {  	s25 =	sor.u32 s26, s25;
	s24 =	sor.u32 s24, s28  }
0x204: {  	s25 =	sshrl.u32 s25, $0x3;
	s24 =	sshrl.u32 s24, $0x3  }
0x205: {  	s25 =	sadd.s32 s25, s5;
	s24 =	sadd.s32 s2, s24  }
0x206: {  	[hbm:s25], [sflag:s23] =	dma.local [hbm:s24], $0x1  }
0x207: {  	(v2sf) =	vpush v63, $0x2;
	_ =	sdelay $0xe  }
0x208: {  	s24 =	spop (v2sf)  }
0x209: {  	s28 =	sand.u32 $0x7, s24  }
0x20a: {  	s29 =	sshra.s32 s24, $0x1F;
	p3 =	slt.s32 s24, $0x1;
	p4 =	sne.s32 s28, $0x0  }
0x20b: {  	s30 =	sshrl.u32 s29, $0x1D;
	p0 =	por !p3, !p4  }
0x20c: {  	s26 =	simm.s32 $0x1;
	s25 =	sadd.s32 s30, s24;
	p0 =	por !p0, !p0  }
0x20d: {  	s25 =	sshra.s32 s25, $0x3;
	s26 =	simm.s32 @!p0 $0x0  }
0x20e: {  	s25 =	ssub.s32 s25, s26  }
0x20f: {  	s26 =	sshll.u32 s25, $0x3  }
0x210: {  	s31 =	ssub.s32 s24, s26  }
0x211: {  	s25 =	sshll.u32 s25, $0x6;
	s28 =	sshrl.u32 s31, $0x3  }
0x212: {  	s25 =	sand.u32 $0xFFFFFC00, s25;
	s24 =	sshll.u32 s24, $0x7;
	s28 =	smul.u32 $0xC3800, s28  }
0x213: {  	s26 =	sand.u32 $0x78, s26;
	s25 =	sadd.s32 s15, s25;
	s24 =	sand.u32 $0x380, s24  }
0x214: {  	s25 =	sor.u32 s26, s25;
	s24 =	sor.u32 s24, s28  }
0x215: {  	s25 =	sshrl.u32 s25, $0x3;
	s24 =	sshrl.u32 s24, $0x3  }
0x216: {  	s25 =	sadd.s32 s25, s6;
	s24 =	sadd.s32 s2, s24  }
0x217: {  	[hbm:s25], [sflag:s23] =	dma.local [hbm:s24], $0x1  }
0x218: {  	(v2sf) =	vpush v63, $0x3;
	_ =	sdelay $0xe  }
0x219: {  	s24 =	spop (v2sf)  }
0x21a: {  	s28 =	sand.u32 $0x7, s24  }
0x21b: {  	s29 =	sshra.s32 s24, $0x1F;
	p5 =	slt.s32 s24, $0x1;
	p6 =	sne.s32 s28, $0x0  }
0x21c: {  	s30 =	sshrl.u32 s29, $0x1D;
	p0 =	por !p5, !p6  }
0x21d: {  	s26 =	simm.s32 $0x1;
	s25 =	sadd.s32 s30, s24;
	p0 =	por !p0, !p0  }
0x21e: {  	s25 =	sshra.s32 s25, $0x3;
	s26 =	simm.s32 @!p0 $0x0  }
0x21f: {  	s25 =	ssub.s32 s25, s26  }
0x220: {  	s26 =	sshll.u32 s25, $0x3  }
0x221: {  	s31 =	ssub.s32 s24, s26  }
0x222: {  	s25 =	sshll.u32 s25, $0x6;
	s28 =	sshrl.u32 s31, $0x3  }
0x223: {  	s25 =	sand.u32 $0xFFFFFC00, s25;
	s24 =	sshll.u32 s24, $0x7;
	s28 =	smul.u32 $0xC3800, s28  }
0x224: {  	s26 =	sand.u32 $0x78, s26;
	s25 =	sadd.s32 s15, s25;
	s24 =	sand.u32 $0x380, s24  }
0x225: {  	s25 =	sor.u32 s26, s25;
	s24 =	sor.u32 s24, s28  }
0x226: {  	s25 =	sshrl.u32 s25, $0x3;
	s24 =	sshrl.u32 s24, $0x3  }
0x227: {  	s25 =	sadd.s32 s25, s7;
	s24 =	sadd.s32 s2, s24  }
0x228: {  	[hbm:s25], [sflag:s23] =	dma.local [hbm:s24], $0x1  }
0x229: {  	(v2sf) =	vpush v63, $0x4;
	_ =	sdelay $0xe  }
0x22a: {  	s24 =	spop (v2sf)  }
0x22b: {  	s28 =	sand.u32 $0x7, s24  }
0x22c: {  	s29 =	sshra.s32 s24, $0x1F;
	p1 =	slt.s32 s24, $0x1;
	p2 =	sne.s32 s28, $0x0  }
0x22d: {  	s30 =	sshrl.u32 s29, $0x1D;
	p0 =	por !p1, !p2  }
0x22e: {  	s26 =	simm.s32 $0x1;
	s25 =	sadd.s32 s30, s24;
	p0 =	por !p0, !p0  }
0x22f: {  	s25 =	sshra.s32 s25, $0x3;
	s26 =	simm.s32 @!p0 $0x0  }
0x230: {  	s25 =	ssub.s32 s25, s26  }
0x231: {  	s26 =	sshll.u32 s25, $0x3  }
0x232: {  	s31 =	ssub.s32 s24, s26  }
0x233: {  	s25 =	sshll.u32 s25, $0x6;
	s28 =	sshrl.u32 s31, $0x3  }
0x234: {  	s25 =	sand.u32 $0xFFFFFC00, s25;
	s24 =	sshll.u32 s24, $0x7;
	s28 =	smul.u32 $0xC3800, s28  }
0x235: {  	s26 =	sand.u32 $0x78, s26;
	s25 =	sadd.s32 s15, s25;
	s24 =	sand.u32 $0x380, s24  }
0x236: {  	s25 =	sor.u32 s26, s25;
	s24 =	sor.u32 s24, s28  }
0x237: {  	s25 =	sshrl.u32 s25, $0x3;
	s24 =	sshrl.u32 s24, $0x3  }
0x238: {  	s25 =	sadd.s32 s25, s8;
	s24 =	sadd.s32 s2, s24  }
0x239: {  	[hbm:s25], [sflag:s23] =	dma.local [hbm:s24], $0x1  }
0x23a: {  	(v2sf) =	vpush v63, $0x5;
	_ =	sdelay $0xe  }
0x23b: {  	s24 =	spop (v2sf)  }
0x23c: {  	s28 =	sand.u32 $0x7, s24  }
0x23d: {  	s29 =	sshra.s32 s24, $0x1F;
	p3 =	slt.s32 s24, $0x1;
	p4 =	sne.s32 s28, $0x0  }
0x23e: {  	s30 =	sshrl.u32 s29, $0x1D;
	p0 =	por !p3, !p4  }
0x23f: {  	s26 =	simm.s32 $0x1;
	s25 =	sadd.s32 s30, s24;
	p0 =	por !p0, !p0  }
0x240: {  	s25 =	sshra.s32 s25, $0x3;
	s26 =	simm.s32 @!p0 $0x0  }
0x241: {  	s25 =	ssub.s32 s25, s26  }
0x242: {  	s26 =	sshll.u32 s25, $0x3  }
0x243: {  	s31 =	ssub.s32 s24, s26  }
0x244: {  	s25 =	sshll.u32 s25, $0x6;
	s28 =	sshrl.u32 s31, $0x3  }
0x245: {  	s25 =	sand.u32 $0xFFFFFC00, s25;
	s24 =	sshll.u32 s24, $0x7;
	s28 =	smul.u32 $0xC3800, s28  }
0x246: {  	s26 =	sand.u32 $0x78, s26;
	s25 =	sadd.s32 s15, s25;
	s24 =	sand.u32 $0x380, s24  }
0x247: {  	s25 =	sor.u32 s26, s25;
	s24 =	sor.u32 s24, s28  }
0x248: {  	s25 =	sshrl.u32 s25, $0x3;
	s24 =	sshrl.u32 s24, $0x3  }
0x249: {  	s25 =	sadd.s32 s25, s9;
	s24 =	sadd.s32 s2, s24  }
0x24a: {  	[hbm:s25], [sflag:s23] =	dma.local [hbm:s24], $0x1  }
0x24b: {  	(v2sf) =	vpush v63, $0x6;
	_ =	sdelay $0xe  }
0x24c: {  	s24 =	spop (v2sf)  }
0x24d: {  	s28 =	sand.u32 $0x7, s24  }
0x24e: {  	s29 =	sshra.s32 s24, $0x1F;
	p5 =	slt.s32 s24, $0x1;
	p6 =	sne.s32 s28, $0x0  }
0x24f: {  	s30 =	sshrl.u32 s29, $0x1D;
	p0 =	por !p5, !p6  }
0x250: {  	s26 =	simm.s32 $0x1;
	s25 =	sadd.s32 s30, s24;
	p0 =	por !p0, !p0  }
0x251: {  	s25 =	sshra.s32 s25, $0x3;
	s26 =	simm.s32 @!p0 $0x0  }
0x252: {  	s25 =	ssub.s32 s25, s26  }
0x253: {  	s26 =	sshll.u32 s25, $0x3  }
0x254: {  	s31 =	ssub.s32 s24, s26  }
0x255: {  	s25 =	sshll.u32 s25, $0x6;
	s28 =	sshrl.u32 s31, $0x3  }
0x256: {  	s25 =	sand.u32 $0xFFFFFC00, s25;
	s24 =	sshll.u32 s24, $0x7;
	s28 =	smul.u32 $0xC3800, s28  }
0x257: {  	s26 =	sand.u32 $0x78, s26;
	s25 =	sadd.s32 s15, s25;
	s24 =	sand.u32 $0x380, s24  }
0x258: {  	s25 =	sor.u32 s26, s25;
	s24 =	sor.u32 s24, s28  }
0x259: {  	s25 =	sshrl.u32 s25, $0x3;
	s24 =	sshrl.u32 s24, $0x3  }
0x25a: {  	s25 =	sadd.s32 s25, s11;
	s24 =	sadd.s32 s2, s24  }
0x25b: {  	[hbm:s25], [sflag:s23] =	dma.local [hbm:s24], $0x1  }
0x25c: {  	(v2sf) =	vpush v63, $0x7;
	_ =	sdelay $0xe  }
0x25d: {  	s24 =	spop (v2sf)  }
0x25e: {  	s28 =	sand.u32 $0x7, s24  }
0x25f: {  	s29 =	sshra.s32 s24, $0x1F;
	p1 =	slt.s32 s24, $0x1;
	p2 =	sne.s32 s28, $0x0  }
0x260: {  	s30 =	sshrl.u32 s29, $0x1D;
	p0 =	por !p1, !p2  }
0x261: {  	s26 =	simm.s32 $0x1;
	s25 =	sadd.s32 s30, s24;
	p0 =	por !p0, !p0  }
0x262: {  	s25 =	sshra.s32 s25, $0x3;
	s26 =	simm.s32 @!p0 $0x0  }
0x263: {  	s25 =	ssub.s32 s25, s26  }
0x264: {  	s26 =	sshll.u32 s25, $0x3  }
0x265: {  	s31 =	ssub.s32 s24, s26  }
0x266: {  	s25 =	sshll.u32 s25, $0x6;
	s28 =	sshrl.u32 s31, $0x3  }
0x267: {  	s25 =	sand.u32 $0xFFFFFC00, s25;
	s24 =	sshll.u32 s24, $0x7;
	s28 =	smul.u32 $0xC3800, s28  }
0x268: {  	s26 =	sand.u32 $0x78, s26;
	s25 =	sadd.s32 s15, s25;
	s24 =	sand.u32 $0x380, s24  }
0x269: {  	s25 =	sor.u32 s26, s25;
	s24 =	sor.u32 s24, s28  }
0x26a: {  	s25 =	sshrl.u32 s25, $0x3;
	s24 =	sshrl.u32 s24, $0x3  }
0x26b: {  	s25 =	sadd.s32 s25, s12;
	s24 =	sadd.s32 s2, s24  }
0x26c: {  	[hbm:s25], [sflag:s23] =	dma.local [hbm:s24], $0x1  }
0x26d: {  	(v2sf) =	vpush v63, $0x8;
	_ =	sdelay $0xe  }
0x26e: {  	s24 =	spop (v2sf)  }
0x26f: {  	s28 =	sand.u32 $0x7, s24  }
0x270: {  	s29 =	sshra.s32 s24, $0x1F;
	p3 =	slt.s32 s24, $0x1;
	p4 =	sne.s32 s28, $0x0  }
0x271: {  	s30 =	sshrl.u32 s29, $0x1D;
	p0 =	por !p3, !p4  }
0x272: {  	s26 =	simm.s32 $0x1;
	s25 =	sadd.s32 s30, s24;
	p0 =	por !p0, !p0  }
0x273: {  	s25 =	sshra.s32 s25, $0x3;
	s26 =	simm.s32 @!p0 $0x0  }
0x274: {  	s25 =	ssub.s32 s25, s26  }
0x275: {  	s26 =	sshll.u32 s25, $0x3  }
0x276: {  	s31 =	ssub.s32 s24, s26  }
0x277: {  	s25 =	sshll.u32 s25, $0x6;
	s28 =	sshrl.u32 s31, $0x3  }
0x278: {  	s25 =	sand.u32 $0xFFFFFC00, s25;
	s24 =	sshll.u32 s24, $0x7;
	s28 =	smul.u32 $0xC3800, s28  }
0x279: {  	s26 =	sand.u32 $0x78, s26;
	s25 =	sadd.s32 s16, s25;
	s24 =	sand.u32 $0x380, s24  }
0x27a: {  	s25 =	sor.u32 s26, s25;
	s24 =	sor.u32 s24, s28  }
0x27b: {  	s25 =	sshrl.u32 s25, $0x3;
	s24 =	sshrl.u32 s24, $0x3  }
0x27c: {  	s25 =	sadd.s32 s10, s25;
	s24 =	sadd.s32 s2, s24  }
0x27d: {  	[hbm:s25], [sflag:s23] =	dma.local [hbm:s24], $0x1  }
0x27e: {  	(v2sf) =	vpush v63, $0x9;
	_ =	sdelay $0xe  }
0x27f: {  	s24 =	spop (v2sf)  }
0x280: {  	s28 =	sand.u32 $0x7, s24  }
0x281: {  	s29 =	sshra.s32 s24, $0x1F;
	p5 =	slt.s32 s24, $0x1;
	p6 =	sne.s32 s28, $0x0  }
0x282: {  	s30 =	sshrl.u32 s29, $0x1D;
	p0 =	por !p5, !p6  }
0x283: {  	s26 =	simm.s32 $0x1;
	s25 =	sadd.s32 s30, s24;
	p0 =	por !p0, !p0  }
0x284: {  	s25 =	sshra.s32 s25, $0x3;
	s26 =	simm.s32 @!p0 $0x0  }
0x285: {  	s25 =	ssub.s32 s25, s26  }
0x286: {  	s26 =	sshll.u32 s25, $0x3  }
0x287: {  	s31 =	ssub.s32 s24, s26  }
0x288: {  	s25 =	sshll.u32 s25, $0x6;
	s28 =	sshrl.u32 s31, $0x3  }
0x289: {  	s25 =	sand.u32 $0xFFFFFC00, s25;
	s24 =	sshll.u32 s24, $0x7;
	s28 =	smul.u32 $0xC3800, s28  }
0x28a: {  	s26 =	sand.u32 $0x78, s26;
	s25 =	sadd.s32 s16, s25;
	s24 =	sand.u32 $0x380, s24  }
0x28b: {  	s25 =	sor.u32 s26, s25;
	s24 =	sor.u32 s24, s28  }
0x28c: {  	s25 =	sshrl.u32 s25, $0x3;
	s24 =	sshrl.u32 s24, $0x3  }
0x28d: {  	s25 =	sadd.s32 s25, s5;
	s24 =	sadd.s32 s2, s24  }
0x28e: {  	[hbm:s25], [sflag:s23] =	dma.local [hbm:s24], $0x1  }
0x28f: {  	(v2sf) =	vpush v63, $0xA;
	_ =	sdelay $0xe  }
0x290: {  	s24 =	spop (v2sf)  }
0x291: {  	s28 =	sand.u32 $0x7, s24  }
0x292: {  	s29 =	sshra.s32 s24, $0x1F;
	p1 =	slt.s32 s24, $0x1;
	p2 =	sne.s32 s28, $0x0  }
0x293: {  	s30 =	sshrl.u32 s29, $0x1D;
	p0 =	por !p1, !p2  }
0x294: {  	s26 =	simm.s32 $0x1;
	s25 =	sadd.s32 s30, s24;
	p0 =	por !p0, !p0  }
0x295: {  	s25 =	sshra.s32 s25, $0x3;
	s26 =	simm.s32 @!p0 $0x0  }
0x296: {  	s25 =	ssub.s32 s25, s26  }
0x297: {  	s26 =	sshll.u32 s25, $0x3  }
0x298: {  	s31 =	ssub.s32 s24, s26  }
0x299: {  	s25 =	sshll.u32 s25, $0x6;
	s28 =	sshrl.u32 s31, $0x3  }
0x29a: {  	s25 =	sand.u32 $0xFFFFFC00, s25;
	s24 =	sshll.u32 s24, $0x7;
	s28 =	smul.u32 $0xC3800, s28  }
0x29b: {  	s26 =	sand.u32 $0x78, s26;
	s25 =	sadd.s32 s16, s25;
	s24 =	sand.u32 $0x380, s24  }
0x29c: {  	s25 =	sor.u32 s26, s25;
	s24 =	sor.u32 s24, s28  }
0x29d: {  	s25 =	sshrl.u32 s25, $0x3;
	s24 =	sshrl.u32 s24, $0x3  }
0x29e: {  	s25 =	sadd.s32 s25, s6;
	s24 =	sadd.s32 s2, s24  }
0x29f: {  	[hbm:s25], [sflag:s23] =	dma.local [hbm:s24], $0x1  }
0x2a0: {  	(v2sf) =	vpush v63, $0xB;
	_ =	sdelay $0xe  }
0x2a1: {  	s24 =	spop (v2sf)  }
0x2a2: {  	s28 =	sand.u32 $0x7, s24  }
0x2a3: {  	s29 =	sshra.s32 s24, $0x1F;
	p3 =	slt.s32 s24, $0x1;
	p4 =	sne.s32 s28, $0x0  }
0x2a4: {  	s30 =	sshrl.u32 s29, $0x1D;
	p0 =	por !p3, !p4  }
0x2a5: {  	s26 =	simm.s32 $0x1;
	s25 =	sadd.s32 s30, s24;
	p0 =	por !p0, !p0  }
0x2a6: {  	s25 =	sshra.s32 s25, $0x3;
	s26 =	simm.s32 @!p0 $0x0  }
0x2a7: {  	s25 =	ssub.s32 s25, s26  }
0x2a8: {  	s26 =	sshll.u32 s25, $0x3  }
0x2a9: {  	s31 =	ssub.s32 s24, s26  }
0x2aa: {  	s25 =	sshll.u32 s25, $0x6;
	s28 =	sshrl.u32 s31, $0x3  }
0x2ab: {  	s25 =	sand.u32 $0xFFFFFC00, s25;
	s24 =	sshll.u32 s24, $0x7;
	s28 =	smul.u32 $0xC3800, s28  }
0x2ac: {  	s26 =	sand.u32 $0x78, s26;
	s25 =	sadd.s32 s16, s25;
	s24 =	sand.u32 $0x380, s24  }
0x2ad: {  	s25 =	sor.u32 s26, s25;
	s24 =	sor.u32 s24, s28  }
0x2ae: {  	s25 =	sshrl.u32 s25, $0x3;
	s24 =	sshrl.u32 s24, $0x3  }
0x2af: {  	s25 =	sadd.s32 s25, s7;
	s24 =	sadd.s32 s2, s24  }
0x2b0: {  	[hbm:s25], [sflag:s23] =	dma.local [hbm:s24], $0x1  }
0x2b1: {  	(v2sf) =	vpush v63, $0xC;
	_ =	sdelay $0xe  }
0x2b2: {  	s24 =	spop (v2sf)  }
0x2b3: {  	s28 =	sand.u32 $0x7, s24  }
0x2b4: {  	s29 =	sshra.s32 s24, $0x1F;
	p5 =	slt.s32 s24, $0x1;
	p6 =	sne.s32 s28, $0x0  }
0x2b5: {  	s30 =	sshrl.u32 s29, $0x1D;
	p0 =	por !p5, !p6  }
0x2b6: {  	s26 =	simm.s32 $0x1;
	s25 =	sadd.s32 s30, s24;
	p0 =	por !p0, !p0  }
0x2b7: {  	s25 =	sshra.s32 s25, $0x3;
	s26 =	simm.s32 @!p0 $0x0  }
0x2b8: {  	s25 =	ssub.s32 s25, s26  }
0x2b9: {  	s26 =	sshll.u32 s25, $0x3  }
0x2ba: {  	s31 =	ssub.s32 s24, s26  }
0x2bb: {  	s25 =	sshll.u32 s25, $0x6;
	s28 =	sshrl.u32 s31, $0x3  }
0x2bc: {  	s25 =	sand.u32 $0xFFFFFC00, s25;
	s24 =	sshll.u32 s24, $0x7;
	s28 =	smul.u32 $0xC3800, s28  }
0x2bd: {  	s26 =	sand.u32 $0x78, s26;
	s25 =	sadd.s32 s16, s25;
	s24 =	sand.u32 $0x380, s24  }
0x2be: {  	s25 =	sor.u32 s26, s25;
	s24 =	sor.u32 s24, s28  }
0x2bf: {  	s25 =	sshrl.u32 s25, $0x3;
	s24 =	sshrl.u32 s24, $0x3  }
0x2c0: {  	s25 =	sadd.s32 s25, s8;
	s24 =	sadd.s32 s2, s24  }
0x2c1: {  	[hbm:s25], [sflag:s23] =	dma.local [hbm:s24], $0x1  }
0x2c2: {  	(v2sf) =	vpush v63, $0xD;
	_ =	sdelay $0xe  }
0x2c3: {  	s24 =	spop (v2sf)  }
0x2c4: {  	s28 =	sand.u32 $0x7, s24  }
0x2c5: {  	s29 =	sshra.s32 s24, $0x1F;
	p1 =	slt.s32 s24, $0x1;
	p2 =	sne.s32 s28, $0x0  }
0x2c6: {  	s30 =	sshrl.u32 s29, $0x1D;
	p0 =	por !p1, !p2  }
0x2c7: {  	s26 =	simm.s32 $0x1;
	s25 =	sadd.s32 s30, s24;
	p0 =	por !p0, !p0  }
0x2c8: {  	s25 =	sshra.s32 s25, $0x3;
	s26 =	simm.s32 @!p0 $0x0  }
0x2c9: {  	s25 =	ssub.s32 s25, s26  }
0x2ca: {  	s26 =	sshll.u32 s25, $0x3  }
0x2cb: {  	s31 =	ssub.s32 s24, s26  }
0x2cc: {  	s25 =	sshll.u32 s25, $0x6;
	s28 =	sshrl.u32 s31, $0x3  }
0x2cd: {  	s25 =	sand.u32 $0xFFFFFC00, s25;
	s24 =	sshll.u32 s24, $0x7;
	s28 =	smul.u32 $0xC3800, s28  }
0x2ce: {  	s26 =	sand.u32 $0x78, s26;
	s25 =	sadd.s32 s16, s25;
	s24 =	sand.u32 $0x380, s24  }
0x2cf: {  	s25 =	sor.u32 s26, s25;
	s24 =	sor.u32 s24, s28  }
0x2d0: {  	s25 =	sshrl.u32 s25, $0x3;
	s24 =	sshrl.u32 s24, $0x3  }
0x2d1: {  	s25 =	sadd.s32 s25, s9;
	s24 =	sadd.s32 s2, s24  }
0x2d2: {  	[hbm:s25], [sflag:s23] =	dma.local [hbm:s24], $0x1  }
0x2d3: {  	(v2sf) =	vpush v63, $0xE;
	_ =	sdelay $0xe  }
0x2d4: {  	s24 =	spop (v2sf)  }
0x2d5: {  	s28 =	sand.u32 $0x7, s24  }
0x2d6: {  	s29 =	sshra.s32 s24, $0x1F;
	p3 =	slt.s32 s24, $0x1;
	p4 =	sne.s32 s28, $0x0  }
0x2d7: {  	s30 =	sshrl.u32 s29, $0x1D;
	p0 =	por !p3, !p4  }
0x2d8: {  	s26 =	simm.s32 $0x1;
	s25 =	sadd.s32 s30, s24;
	p0 =	por !p0, !p0  }
0x2d9: {  	s25 =	sshra.s32 s25, $0x3;
	s26 =	simm.s32 @!p0 $0x0  }
0x2da: {  	s25 =	ssub.s32 s25, s26  }
0x2db: {  	s26 =	sshll.u32 s25, $0x3  }
0x2dc: {  	s31 =	ssub.s32 s24, s26  }
0x2dd: {  	s25 =	sshll.u32 s25, $0x6;
	s28 =	sshrl.u32 s31, $0x3  }
0x2de: {  	s25 =	sand.u32 $0xFFFFFC00, s25;
	s24 =	sshll.u32 s24, $0x7;
	s28 =	smul.u32 $0xC3800, s28  }
0x2df: {  	s26 =	sand.u32 $0x78, s26;
	s25 =	sadd.s32 s16, s25;
	s24 =	sand.u32 $0x380, s24  }
0x2e0: {  	s25 =	sor.u32 s26, s25;
	s24 =	sor.u32 s24, s28  }
0x2e1: {  	s25 =	sshrl.u32 s25, $0x3;
	s24 =	sshrl.u32 s24, $0x3  }
0x2e2: {  	s25 =	sadd.s32 s25, s11;
	s24 =	sadd.s32 s2, s24  }
0x2e3: {  	[hbm:s25], [sflag:s23] =	dma.local [hbm:s24], $0x1  }
0x2e4: {  	(v2sf) =	vpush v63, $0xF;
	_ =	sdelay $0xe  }
0x2e5: {  	s24 =	spop (v2sf)  }
0x2e6: {  	s28 =	sand.u32 $0x7, s24  }
0x2e7: {  	s29 =	sshra.s32 s24, $0x1F;
	p5 =	slt.s32 s24, $0x1;
	p6 =	sne.s32 s28, $0x0  }
0x2e8: {  	s30 =	sshrl.u32 s29, $0x1D;
	p0 =	por !p5, !p6  }
0x2e9: {  	s26 =	simm.s32 $0x1;
	s25 =	sadd.s32 s30, s24;
	p0 =	por !p0, !p0  }
0x2ea: {  	s25 =	sshra.s32 s25, $0x3;
	s26 =	simm.s32 @!p0 $0x0  }
0x2eb: {  	s25 =	ssub.s32 s25, s26  }
0x2ec: {  	s26 =	sshll.u32 s25, $0x3  }
0x2ed: {  	s31 =	ssub.s32 s24, s26  }
0x2ee: {  	s25 =	sshll.u32 s25, $0x6;
	s28 =	sshrl.u32 s31, $0x3  }
0x2ef: {  	s25 =	sand.u32 $0xFFFFFC00, s25;
	s24 =	sshll.u32 s24, $0x7;
	s28 =	smul.u32 $0xC3800, s28  }
0x2f0: {  	s26 =	sand.u32 $0x78, s26;
	s25 =	sadd.s32 s16, s25;
	s24 =	sand.u32 $0x380, s24  }
0x2f1: {  	s25 =	sor.u32 s26, s25;
	s24 =	sor.u32 s24, s28  }
0x2f2: {  	s25 =	sshrl.u32 s25, $0x3;
	s24 =	sshrl.u32 s24, $0x3  }
0x2f3: {  	s25 =	sadd.s32 s25, s12;
	s24 =	sadd.s32 s2, s24  }
0x2f4: {  	[hbm:s25], [sflag:s23] =	dma.local [hbm:s24], $0x1  }
0x2f5: {  	_ =	swait.ge [sflag:s22], $0x1  }
0x2f6: {  	[sflag:s22] =	ssyncset.done $0x0  }
0x2f7: {  	[sflag:s22] =	ssyncadd.s32 $0xFFFFFFFF  }
0x2f8: {  	_ =	swait.ge [sflag:s22], $0x1  }
0x2f9: {  	[sflag:s22] =	ssyncset.done $0x0  }
0x2fa: {  	[sflag:s22] =	ssyncadd.s32 $0xFFFFFFFF  }
0x2fb: {  	_ =	swait.ge [sflag:s22], $0x1  }
0x2fc: {  	[sflag:s22] =	ssyncset.done $0x0  }
0x2fd: {  	[sflag:s22] =	ssyncadd.s32 $0xFFFFFFFF  }
0x2fe: {  	_ =	swait.ge [sflag:s22], $0x1  }
0x2ff: {  	[sflag:s22] =	ssyncset.done $0x0  }
0x300: {  	[sflag:s22] =	ssyncadd.s32 $0xFFFFFFFF  }
0x301: {  	_ =	swait.ge [sflag:s22], $0x1  }
0x302: {  	[sflag:s22] =	ssyncset.done $0x0  }
0x303: {  	[sflag:s22] =	ssyncadd.s32 $0xFFFFFFFF  }
0x304: {  	_ =	swait.ge [sflag:s22], $0x1  }
0x305: {  	[sflag:s22] =	ssyncset.done $0x0  }
0x306: {  	[sflag:s22] =	ssyncadd.s32 $0xFFFFFFFF  }
0x307: {  	_ =	swait.ge [sflag:s22], $0x1  }
0x308: {  	[sflag:s22] =	ssyncset.done $0x0  }
0x309: {  	[sflag:s22] =	ssyncadd.s32 $0xFFFFFFFF  }
0x30a: {  	_ =	swait.ge [sflag:s22], $0x1  }
0x30b: {  	[sflag:s22] =	ssyncset.done $0x0  }
0x30c: {  	[sflag:s22] =	ssyncadd.s32 $0xFFFFFFFF  }
0x30d: {  	_ =	swait.ge [sflag:s22], $0x1  }
0x30e: {  	[sflag:s22] =	ssyncset.done $0x0  }
0x30f: {  	[sflag:s22] =	ssyncadd.s32 $0xFFFFFFFF  }
0x310: {  	_ =	swait.ge [sflag:s22], $0x1  }
0x311: {  	[sflag:s22] =	ssyncset.done $0x0  }
0x312: {  	[sflag:s22] =	ssyncadd.s32 $0xFFFFFFFF  }
0x313: {  	_ =	swait.ge [sflag:s22], $0x1  }
0x314: {  	[sflag:s22] =	ssyncset.done $0x0  }
0x315: {  	[sflag:s22] =	ssyncadd.s32 $0xFFFFFFFF  }
0x316: {  	_ =	swait.ge [sflag:s22], $0x1  }
0x317: {  	[sflag:s22] =	ssyncset.done $0x0  }
0x318: {  	[sflag:s22] =	ssyncadd.s32 $0xFFFFFFFF  }
0x319: {  	_ =	swait.ge [sflag:s22], $0x1  }
0x31a: {  	[sflag:s22] =	ssyncset.done $0x0  }
0x31b: {  	[sflag:s22] =	ssyncadd.s32 $0xFFFFFFFF  }
0x31c: {  	_ =	swait.ge [sflag:s22], $0x1  }
0x31d: {  	[sflag:s22] =	ssyncset.done $0x0  }
0x31e: {  	[sflag:s22] =	ssyncadd.s32 $0xFFFFFFFF  }
0x31f: {  	_ =	swait.ge [sflag:s22], $0x1  }
0x320: {  	[sflag:s22] =	ssyncset.done $0x0  }
0x321: {  	[sflag:s22] =	ssyncadd.s32 $0xFFFFFFFF  }
0x322: {  	_ =	swait.ge [sflag:s22], $0x1  }
0x323: {  	[sflag:s22] =	ssyncset.done $0x0  }
0x324: {  	[sflag:s22] =	ssyncadd.s32 $0xFFFFFFFF  }
0x325: {  	_ =	swait.ge [sflag:s22], $0x1  }
0x326: {  	[sflag:s22] =	ssyncset.done $0x0  }
0x327: {  	[sflag:s22] =	ssyncadd.s32 $0xFFFFFFFF  }
0x328: {  	_ =	swait.ge [sflag:s22], $0x1  }
0x329: {  	[sflag:s22] =	ssyncset.done $0x0  }
0x32a: {  	[sflag:s22] =	ssyncadd.s32 $0xFFFFFFFF  }
0x32b: {  	_ =	swait.ge [sflag:s22], $0x1  }
0x32c: {  	[sflag:s22] =	ssyncset.done $0x0  }
0x32d: {  	[sflag:s22] =	ssyncadd.s32 $0xFFFFFFFF  }
0x32e: {  	_ =	swait.ge [sflag:s22], $0x1  }
0x32f: {  	[sflag:s22] =	ssyncset.done $0x0  }
0x330: {  	[sflag:s22] =	ssyncadd.s32 $0xFFFFFFFF  }
0x331: {  	_ =	swait.ge [sflag:s22], $0x1  }
0x332: {  	[sflag:s22] =	ssyncset.done $0x0  }
0x333: {  	[sflag:s22] =	ssyncadd.s32 $0xFFFFFFFF  }
0x334: {  	_ =	swait.ge [sflag:s22], $0x1  }
0x335: {  	[sflag:s22] =	ssyncset.done $0x0  }
0x336: {  	[sflag:s22] =	ssyncadd.s32 $0xFFFFFFFF  }
0x337: {  	_ =	swait.ge [sflag:s22], $0x1  }
0x338: {  	[sflag:s22] =	ssyncset.done $0x0  }
0x339: {  	[sflag:s22] =	ssyncadd.s32 $0xFFFFFFFF  }
0x33a: {  	_ =	swait.ge [sflag:s22], $0x1  }
0x33b: {  	[sflag:s22] =	ssyncset.done $0x0  }
0x33c: {  	[sflag:s22] =	ssyncadd.s32 $0xFFFFFFFF  }
0x33d: {  	_ =	swait.ge [sflag:s22], $0x1  }
0x33e: {  	[sflag:s22] =	ssyncset.done $0x0  }
0x33f: {  	[sflag:s22] =	ssyncadd.s32 $0xFFFFFFFF  }
0x340: {  	_ =	swait.ge [sflag:s22], $0x1  }
0x341: {  	[sflag:s22] =	ssyncset.done $0x0  }
0x342: {  	[sflag:s22] =	ssyncadd.s32 $0xFFFFFFFF  }
0x343: {  	_ =	swait.ge [sflag:s22], $0x1  }
0x344: {  	[sflag:s22] =	ssyncset.done $0x0  }
0x345: {  	[sflag:s22] =	ssyncadd.s32 $0xFFFFFFFF  }
0x346: {  	_ =	swait.ge [sflag:s22], $0x1  }
0x347: {  	[sflag:s22] =	ssyncset.done $0x0  }
0x348: {  	[sflag:s22] =	ssyncadd.s32 $0xFFFFFFFF  }
0x349: {  	_ =	swait.ge [sflag:s22], $0x1  }
0x34a: {  	[sflag:s22] =	ssyncset.done $0x0  }
0x34b: {  	[sflag:s22] =	ssyncadd.s32 $0xFFFFFFFF  }
0x34c: {  	_ =	swait.ge [sflag:s22], $0x1  }
0x34d: {  	[sflag:s22] =	ssyncset.done $0x0  }
0x34e: {  	[sflag:s22] =	ssyncadd.s32 $0xFFFFFFFF  }
0x34f: {  	p0 =	sne.s32 s17, $0x1;
	_ =	swait.ge [sflag:s22], $0x1  }
.Ltmp0:
0x350: {  	[sflag:s22] =	ssyncset.done $0x0;
	(pc) =	sbr.rel @p0 .LBB2_1-.Ltmp0, $4  }
0x351: {  	[sflag:s22] =	ssyncadd.s32 $0xFFFFFFFF  }
0x352: {  	_ =	swait.ge [sflag:s22], $0x1  }
0x353: {  	[sflag:s22] =	ssyncset.done $0x0  }
0x354: {  	s17 =	sadd.s32 $0xFFFFFFFF, s17;
	[sflag:s22] =	ssyncadd.s32 $0xFFFFFFFF  }
0x355: {  	_ =	sfence.sel $0x180000  }
0x356: {  	[bflag:$0x0] =	sbarrier.arrive $0xFFFF  }
0x357: {  	p0 =	sne.s32 s1, $0x0;
	_ =	strace $0x90000047  }
0x358: {  	s0 =	sadd.s32 @!p0 $0x100000, s0;
	[bflag:$0x2] =	sbarrier.arrive $0xFFFF  }
0x359: {  	[sflag:s0] =	ssyncadd.tile.s32 @!p0 $0x1;
	_ =	shalt  }
.Lfunc_end2:
_tile_overlayer_lowered:
.L_overlay_start_2:
0x35a: {  	(tag) =	ssettag $0x2  }
0x35b: {  	s0 =	rddreg [dreg:$0x0];
	s2 =	stileid.u32  }
0x35c: {  	s1 =	rddreg [dreg:$0x1];
	p0 =	sne.s32 s2, $0x0  }
0x35d: {  	s3 =	rddreg [dreg:$0x2];
	[bflag:$0x3] =	sbarrier.arrive $0xFFFF;
	s2 =	simm.s32 @!p0 $0x1C03  }
0x35e: {  	[timem:s3], [sflag:s2] =	dma.local @!p0 [hbm:s0], s1  }
0x35f: {  	s0 =	simm.s32 @!p0 $0x3  }
0x360: {  	_ =	swait.ge @!p0 [sflag:s0], s1  }
0x361: {  	s1 =	ssub.s32 @!p0 $0x0, s1;
	[sflag:s0] =	ssyncset.done @!p0 $0x0  }
0x362: {  	[sflag:s0] =	ssyncadd.s32 @!p0 s1  }
0x363: {  	[bflag:$0x3] =	sbarrier.arrive $0xFFFF  }
0x364: {  	_ =	shalt  }

</sc_bundles>
